<compile_context>
chip_gen: v7x
topology: tpu7x:2x2x1
jax: 0.10.2.dev20260603
libtpu: 0.0.44.dev20260713+nightly
codegen_flags: <defaults>
</compile_context>

<pallas_src>
import functools

import jax
import jax.numpy as jnp
from jax import lax
from jax.experimental import pallas as pl
from jax.experimental.pallas import tpu as pltpu
from jax.experimental.pallas import tpu_sc as plsc

_NC = 2
_NS = 16
_L = 16


def _sc_body(x_hbm, scale_hbm, out_hbm, xbuf, sbuf, tbuf, *, k, rows,
             row_len, chunk):
    cid = lax.axis_index("c")
    sid = lax.axis_index("s")
    wid = sid * _NC + cid
    rows_w = rows // (_NC * _NS)
    base_row = wid * rows_w
    vpr = row_len // _L

    pltpu.sync_copy(scale_hbm, sbuf)
    alpha = sbuf[pl.ds(0, _L)]
    beta = sbuf[pl.ds(_L, _L)]

    zero_i = jnp.zeros((_L,), jnp.int32)
    zero_f = jnp.zeros((_L,), jnp.float32)
    one_f = jnp.ones((_L,), jnp.float32)
    kvf = jnp.full((_L,), float(k), jnp.float32)
    kf = jnp.float32(k)
    sign_off = jnp.full((_L,), 0x7FFFFFFF, jnp.int32)
    t_one = jnp.full((_L,), 0x3F800000, jnp.int32)
    t_two = jnp.full((_L,), 0x40000000, jnp.int32)
    bit22 = jnp.full((_L,), 1 << 22, jnp.int32)
    bit29 = jnp.full((_L,), 1 << 29, jnp.int32)
    lane = lax.iota(jnp.int32, _L)
    bf1 = lane ^ 1
    bf2 = lane ^ 2
    bf4 = lane ^ 4
    bf8 = lane ^ 8

    def lanesum(acc):
        s = acc + acc.at[bf1].get(mode="promise_in_bounds")
        s = s + s.at[bf2].get(mode="promise_in_bounds")
        s = s + s.at[bf4].get(mode="promise_in_bounds")
        return s + s.at[bf8].get(mode="promise_in_bounds")

    def chunk_body(g, _):
        row0 = base_row + g * chunk
        pltpu.sync_copy(x_hbm.at[pl.ds(row0, chunk)], xbuf)

        def row_body(r, _):
            def count_ge(trial):
                def sb(v, acc):
                    xv = xbuf[r, pl.ds(v * _L, _L)]
                    av = lax.bitcast_convert_type(xv, jnp.int32) & sign_off
                    return acc + jnp.where(av >= trial, one_f, zero_f)

                acc = lax.fori_loop(0, vpr, sb, zero_f, unroll=16)
                return lanesum(acc)

            def ge_mask(cnt):
                ge = jnp.minimum(jnp.maximum(cnt - kvf + one_f, zero_f),
                                 one_f).astype(jnp.int32)
                return zero_i - ge

            c1 = count_ge(t_one)
            c2 = count_ge(t_two)
            n1 = ge_mask(c1)
            n2 = ge_mask(c2)
            inr = n1 & ~n2
            t0 = (t_one & inr) | (t_two & n2)
            bitv0 = (bit22 & inr) | (bit29 & ~inr)
            tbuf[pl.ds(0, _L)] = lax.bitcast_convert_type(t0, jnp.float32)
            done0 = jnp.logical_or(c1[0] == kf, c2[0] == kf)

            def wb(i, st):
                done, bitv = st

                def live(_):
                    tf = tbuf[pl.ds(0, _L)]
                    t = lax.bitcast_convert_type(tf, jnp.int32)
                    trial = t | bitv
                    cnt = count_ge(trial)
                    nt = t | (bitv & ge_mask(cnt))
                    tbuf[pl.ds(0, _L)] = lax.bitcast_convert_type(
                        nt, jnp.float32)
                    return cnt[0] == kf

                done = lax.cond(done, lambda _: done, live, 0)
                return (jnp.logical_or(done, bitv[0] == 1), bitv >> 1)

            lax.fori_loop(0, 30, wb, (done0, bitv0))
            tv = lax.bitcast_convert_type(tbuf[pl.ds(0, _L)], jnp.int32)

            def mb(v, _):
                xv = xbuf[r, pl.ds(v * _L, _L)]
                av = lax.bitcast_convert_type(xv, jnp.int32) & sign_off
                sel = jnp.where(av >= tv, xv, zero_f)
                xbuf[r, pl.ds(v * _L, _L)] = sel * alpha + xv * beta
                return 0

            lax.fori_loop(0, vpr, mb, 0, unroll=16)
            return 0

        lax.fori_loop(0, chunk, row_body, 0)
        pltpu.sync_copy(xbuf, out_hbm.at[pl.ds(row0, chunk)])
        return 0

    lax.fori_loop(0, rows_w // chunk, chunk_body, 0)


def _tc_body(scale_ref, x_ref, o_ref, *, k: int):
    xb = x_ref[...]
    a = jax.lax.bitcast_convert_type(jnp.abs(xb), jnp.int32)
    r = xb.shape[0]
    t = jnp.zeros((r, 1), jnp.int32)
    for b in range(30, -1, -1):
        trial = t + (1 << b)
        cnt = jnp.sum((a >= trial).astype(jnp.int32), axis=1, keepdims=True)
        t = jnp.where(cnt >= k, trial, t)
    sparse = jnp.where(a >= t, xb, jnp.zeros_like(xb))
    o_ref[...] = sparse * scale_ref[0] + xb * scale_ref[1]


def _sc_call(x2, scale, *, k, sc_rows, hw, chunk):
    rows_total = x2.shape[0]
    mesh = plsc.VectorSubcoreMesh(core_axis_name="c", subcore_axis_name="s")
    f = functools.partial(
        pl.kernel,
        mesh=mesh,
        out_type=jax.ShapeDtypeStruct((rows_total, hw), x2.dtype),
        scratch_types=[
            pltpu.VMEM((chunk, hw), jnp.float32),
            pltpu.VMEM((2 * _L,), jnp.float32),
            pltpu.VMEM((_L,), jnp.float32),
        ],
    )(functools.partial(_sc_body, k=k, rows=sc_rows, row_len=hw,
                        chunk=chunk))
    return f(x2, scale)


def _tc_call(x2, scale, *, k, hw, row_off):
    rows = x2.shape[0] - row_off
    blk = 256
    while rows % blk or (row_off and row_off % blk):
        blk //= 2
    off = row_off // blk if blk else 0
    return pl.pallas_call(
        functools.partial(_tc_body, k=k),
        grid=(rows // blk,),
        in_specs=[
            pl.BlockSpec(memory_space=pltpu.SMEM),
            pl.BlockSpec((blk, hw), lambda i: (i + off, 0)),
        ],
        out_specs=pl.BlockSpec((blk, hw), lambda i: (i + off, 0)),
        out_shape=jax.ShapeDtypeStruct((x2.shape[0], hw), x2.dtype),
    )(scale, x2)


def kernel(x, tau):
    n, c, h, w = x.shape
    hw = h * w
    k = max(int(0.1 * hw), 1)
    rows = n * c
    x2 = x.reshape(rows, hw)

    tau_f = jnp.asarray(tau, x.dtype)
    is_id = tau_f == jnp.asarray(1.0, x.dtype)
    alpha = jnp.where(is_id, jnp.asarray(1.0, x.dtype), tau_f)
    beta = jnp.where(is_id, jnp.asarray(0.0, x.dtype), 1.0 - tau_f)
    scale_sc = jnp.concatenate(
        [jnp.full((_L,), alpha, x.dtype), jnp.full((_L,), beta, x.dtype)])
    scale_tc = jnp.stack([alpha, beta])

    chunk = 16
    grain = _NC * _NS * chunk
    sc_rows = ((rows * 1) // 3) // grain * grain
    if sc_rows == 0 or rows % grain:
        sc_rows = rows - rows % grain
    tc_rows = rows - sc_rows

    if sc_rows and tc_rows:
        sc_out = _sc_call(x2[:sc_rows], scale_sc, k=k, sc_rows=sc_rows,
                          hw=hw, chunk=chunk)
        tc_out = _tc_call(x2[sc_rows:], scale_tc, k=k, hw=hw, row_off=0)
        out = jnp.concatenate([sc_out, tc_out], axis=0)
    elif sc_rows:
        out = _sc_call(x2, scale_sc, k=k, sc_rows=sc_rows, hw=hw,
                       chunk=chunk)
    else:
        out = _tc_call(x2, scale_tc, k=k, hw=hw, row_off=0)
    return out.reshape(n, c, h, w)

# --- scband reference (transcript-rebuilt; emitter-appended) ---
"""Pipeline reference for scband-sparsify-hw-74775380623606 (READ-ONLY COPY).

The authoritative reference and input builder live on the scoring server;
editing this copy changes nothing except your own understanding.
"""

import jax, jax.numpy as jnp
import numpy as np

TOPK = 0.1

def setup_inputs(seed: int = 0) -> dict:
    key = jax.random.key(seed)
    x = jax.random.normal(key, (16, 768, 32, 32), dtype=jnp.float32)
    return {"x": x, "tau": 1}

def reference(x, tau):
    n, c, h, w = x.shape
    x_reshape = x.reshape(n, c, h * w)
    keep_top_num = max(int(TOPK * h * w), 1)
    _, index = jax.lax.top_k(jnp.abs(x_reshape), keep_top_num)
    mask = jnp.zeros_like(x_reshape).at[
        jnp.arange(n)[:, None, None],
        jnp.arange(c)[None, :, None],
        index,
    ].set(1.0)
    sparse_x = mask * x_reshape
    sparse_full = sparse_x.reshape(n, c, h, w)
    tau_f = jnp.asarray(tau, dtype=x.dtype)
    tau_x = x * (1.0 - tau_f)
    blended = sparse_full * tau_f + tau_x
    return jnp.where(tau_f == 1.0, sparse_full, blended)

if __name__ == "__main__":
    import jax
    _d = setup_inputs()
    print(jax.jit(kernel)(*tuple(_d.values())))

</pallas_src>

<mosaic_0001>
#map = affine_map<(d0, d1) -> (0, 0)>
#map1 = affine_map<(d0, d1) -> (0)>
module attributes {stable_mosaic.version = 14 : i64} {
  func.func @_sc_body(%arg0: i32, %arg1: i32, %arg2: memref<4096x1024xf32, #tpu.memory_space<hbm>>, %arg3: memref<32xf32, #tpu.memory_space<hbm>>, %arg4: memref<4096x1024xf32, #tpu.memory_space<hbm>>, %arg5: memref<16x1024xf32, #tpu.memory_space<vmem>>, %arg6: memref<32xf32, #tpu.memory_space<vmem>>, %arg7: memref<16xf32, #tpu.memory_space<vmem>>) attributes {dimension_semantics = [#tpu.dimension_semantics<core_parallel>, #tpu.dimension_semantics<subcore_parallel>], iteration_bounds = array<i64: 2, 16>, scalar_prefetch = 0 : i64, scratch_operands = 3 : i64, tpu.core_type = #tpu.core_type<sc_vector_subcore>, window_params = [{transform_indices = #map}, {transform_indices = #map1}, {transform_indices = #map}]} {
    %mul3A = arith.constant 2 : i32
    %mul3A_0 = arith.muli %arg1, %mul3A : i32
    %add3A = arith.addi %mul3A_0, %arg0 : i32
    %mul3A_1 = arith.constant 128 : i32
    %mul3A_2 = arith.muli %add3A, %mul3A_1 : i32
    "tpu.region"() ({
      %run_scoped3A = tpu.sem_alloc : memref<!tpu.dma_semaphore, #tpu.memory_space<semaphore_mem>>
      tpu.enqueue_dma source(%arg3 : memref<32xf32, #tpu.memory_space<hbm>>) target(%arg6 : memref<32xf32, #tpu.memory_space<vmem>>) target_semaphore(%run_scoped3A : memref<!tpu.dma_semaphore, #tpu.memory_space<semaphore_mem>>)
      tpu.wait_dma2 semaphore(%run_scoped3A : memref<!tpu.dma_semaphore, #tpu.memory_space<semaphore_mem>>) src(%arg3 : memref<32xf32, #tpu.memory_space<hbm>>) dst(%arg6 : memref<32xf32, #tpu.memory_space<vmem>>)
      tpu.yield
    }) : () -> ()
    %get3A = arith.constant 0 : index
    %get3A_3 = tpu.vector_load %arg6[%get3A] {strides = array<i32>} : memref<32xf32, #tpu.memory_space<vmem>>, vector<16xf32>,
    %get3A_4 = vector.shape_cast %get3A_3 : vector<16xf32> to vector<16xf32>
    %get3A_5 = arith.constant 16 : index
    %get3A_6 = tpu.vector_load %arg6[%get3A_5] {strides = array<i32>} : memref<32xf32, #tpu.memory_space<vmem>>, vector<16xf32>,
    %get3A_7 = vector.shape_cast %get3A_6 : vector<16xf32> to vector<16xf32>
    %broadcast_in_dim3A = arith.constant 0 : i32
    %broadcast_in_dim3A_8 = vector.broadcast %broadcast_in_dim3A : i32 to vector<16xi32>
    %broadcast_in_dim3A_9 = arith.constant 0.000000e+00 : f32
    %broadcast_in_dim3A_10 = vector.broadcast %broadcast_in_dim3A_9 : f32 to vector<16xf32>
    %broadcast_in_dim3A_11 = arith.constant 1.000000e+00 : f32
    %broadcast_in_dim3A_12 = vector.broadcast %broadcast_in_dim3A_11 : f32 to vector<16xf32>
    %broadcast_in_dim3A_13 = arith.constant 1.020000e+02 : f32
    %broadcast_in_dim3A_14 = vector.broadcast %broadcast_in_dim3A_13 : f32 to vector<16xf32>
    %broadcast_in_dim3A_15 = arith.constant 2147483647 : i32
    %broadcast_in_dim3A_16 = vector.broadcast %broadcast_in_dim3A_15 : i32 to vector<16xi32>
    %broadcast_in_dim3A_17 = arith.constant 1065353216 : i32
    %broadcast_in_dim3A_18 = vector.broadcast %broadcast_in_dim3A_17 : i32 to vector<16xi32>
    %broadcast_in_dim3A_19 = arith.constant 1073741824 : i32
    %broadcast_in_dim3A_20 = vector.broadcast %broadcast_in_dim3A_19 : i32 to vector<16xi32>
    %broadcast_in_dim3A_21 = arith.constant 4194304 : i32
    %broadcast_in_dim3A_22 = vector.broadcast %broadcast_in_dim3A_21 : i32 to vector<16xi32>
    %broadcast_in_dim3A_23 = arith.constant 536870912 : i32
    %broadcast_in_dim3A_24 = vector.broadcast %broadcast_in_dim3A_23 : i32 to vector<16xi32>
    %iota3A = tpu.iota {dimensions = array<i32: 0>} : vector<16xi32>
    %xor3A = arith.constant 1 : i32
    %xor3A_25 = vector.broadcast %xor3A : i32 to vector<16xi32>
    %xor3A_26 = arith.xori %iota3A, %xor3A_25 : vector<16xi32>
    %xor3A_27 = arith.constant 2 : i32
    %xor3A_28 = vector.broadcast %xor3A_27 : i32 to vector<16xi32>
    %xor3A_29 = arith.xori %iota3A, %xor3A_28 : vector<16xi32>
    %xor3A_30 = arith.constant 4 : i32
    %xor3A_31 = vector.broadcast %xor3A_30 : i32 to vector<16xi32>
    %xor3A_32 = arith.xori %iota3A, %xor3A_31 : vector<16xi32>
    %xor3A_33 = arith.constant 8 : i32
    %xor3A_34 = vector.broadcast %xor3A_33 : i32 to vector<16xi32>
    %xor3A_35 = arith.xori %iota3A, %xor3A_34 : vector<16xi32>
    %scan3A = arith.constant 1.020000e+02 : f32
    %scan3A_36 = arith.constant 0 : i32
    %scan3A_37 = arith.constant 0 : i32
    %scan3A_38 = arith.constant 8 : i32
    %scan3A_39 = arith.addi %scan3A_37, %scan3A_38 : i32
    %scan3A_40 = arith.constant 1 : i32
    %scan3A_41 = scf.for %scan3A_43 = %scan3A_37 to %scan3A_39 step %scan3A_40 iter_args(%scan3A_44 = %scan3A_36) -> (i32)  : i32 {
      %mul3A_45 = arith.constant 16 : i32
      %mul3A_46 = arith.muli %scan3A_43, %mul3A_45 : i32
      %add3A_47 = arith.addi %mul3A_2, %mul3A_46 : i32
      "tpu.region"() ({
        %run_scoped3A = tpu.sem_alloc : memref<!tpu.dma_semaphore, #tpu.memory_space<semaphore_mem>>
        %dma_start3A = arith.constant 0 : i32
        %dma_start3A_56 = tpu.memref_slice %arg2[%add3A_47, %dma_start3A] : memref<4096x1024xf32, #tpu.memory_space<hbm>> -> memref<16x1024xf32, #tpu.memory_space<hbm>>
        %dma_start3A_57 = arith.constant 0 : i32
        %dma_start3A_58 = tpu.memref_slice %arg2[%add3A_47, %dma_start3A_57] : memref<4096x1024xf32, #tpu.memory_space<hbm>> -> memref<16x1024xf32, #tpu.memory_space<hbm>>
        tpu.enqueue_dma source(%dma_start3A_58 : memref<16x1024xf32, #tpu.memory_space<hbm>>) target(%arg5 : memref<16x1024xf32, #tpu.memory_space<vmem>>) target_semaphore(%run_scoped3A : memref<!tpu.dma_semaphore, #tpu.memory_space<semaphore_mem>>)
        %dma_wait3A = arith.constant 0 : i32
        %dma_wait3A_59 = tpu.memref_slice %arg2[%add3A_47, %dma_wait3A] : memref<4096x1024xf32, #tpu.memory_space<hbm>> -> memref<16x1024xf32, #tpu.memory_space<hbm>>
        %dma_wait3A_60 = arith.constant 0 : i32
        %dma_wait3A_61 = tpu.memref_slice %arg2[%add3A_47, %dma_wait3A_60] : memref<4096x1024xf32, #tpu.memory_space<hbm>> -> memref<16x1024xf32, #tpu.memory_space<hbm>>
        tpu.wait_dma2 semaphore(%run_scoped3A : memref<!tpu.dma_semaphore, #tpu.memory_space<semaphore_mem>>) src(%dma_wait3A_61 : memref<16x1024xf32, #tpu.memory_space<hbm>>) dst(%arg5 : memref<16x1024xf32, #tpu.memory_space<vmem>>)
        tpu.yield
      }) : () -> ()
      %scan3A_48 = arith.constant 0 : i32
      %scan3A_49 = arith.constant 0 : i32
      %scan3A_50 = arith.constant 16 : i32
      %scan3A_51 = arith.addi %scan3A_49, %scan3A_50 : i32
      %scan3A_52 = arith.constant 1 : i32
      %scan3A_53 = scf.for %scan3A_56 = %scan3A_49 to %scan3A_51 step %scan3A_52 iter_args(%scan3A_57 = %scan3A_48) -> (i32)  : i32 {
        %scan3A_58 = arith.constant 0 : i32
        %scan3A_59 = arith.constant 64 : i32
        %scan3A_60 = arith.addi %scan3A_58, %scan3A_59 : i32
        %scan3A_61 = arith.constant 16 : i32
        %scan3A_62 = scf.for %scan3A_196 = %scan3A_58 to %scan3A_60 step %scan3A_61 iter_args(%scan3A_197 = %broadcast_in_dim3A_10) -> (vector<16xf32>)  : i32 {
          %mul3A_198 = arith.constant 16 : i32
          %mul3A_199 = arith.muli %scan3A_196, %mul3A_198 : i32
          %get3A_200 = arith.index_cast %scan3A_56 : i32 to index
          %get3A_201 = arith.index_cast %mul3A_199 : i32 to index
          %get3A_202 = tpu.vector_load %arg5[%get3A_200, %get3A_201] {strides = array<i32>} : memref<16x1024xf32, #tpu.memory_space<vmem>>, vector<1x16xf32>,
          %get3A_203 = vector.shape_cast %get3A_202 : vector<1x16xf32> to vector<16xf32>
          %bitcast_convert_type3A_204 = tpu.bitcast %get3A_203 : vector<16xf32> -> vector<16xi32>
          %and3A_205 = arith.andi %bitcast_convert_type3A_204, %broadcast_in_dim3A_16 : vector<16xi32>
          %ge3A = arith.cmpi sge, %and3A_205, %broadcast_in_dim3A_18 : vector<16xi32>
          %select_n3A_206 = arith.select %ge3A, %broadcast_in_dim3A_12, %broadcast_in_dim3A_10 : vector<16xi1>, vector<16xf32>
          %add3A_207 = arith.addf %scan3A_197, %select_n3A_206 : vector<16xf32>
          %scan3A_208 = arith.constant 1 : i32
          %scan3A_209 = arith.addi %scan3A_196, %scan3A_208 : i32
          %mul3A_210 = arith.constant 16 : i32
          %mul3A_211 = arith.muli %scan3A_209, %mul3A_210 : i32
          %get3A_212 = arith.index_cast %scan3A_56 : i32 to index
          %get3A_213 = arith.index_cast %mul3A_211 : i32 to index
          %get3A_214 = tpu.vector_load %arg5[%get3A_212, %get3A_213] {strides = array<i32>} : memref<16x1024xf32, #tpu.memory_space<vmem>>, vector<1x16xf32>,
          %get3A_215 = vector.shape_cast %get3A_214 : vector<1x16xf32> to vector<16xf32>
          %bitcast_convert_type3A_216 = tpu.bitcast %get3A_215 : vector<16xf32> -> vector<16xi32>
          %and3A_217 = arith.andi %bitcast_convert_type3A_216, %broadcast_in_dim3A_16 : vector<16xi32>
          %ge3A_218 = arith.cmpi sge, %and3A_217, %broadcast_in_dim3A_18 : vector<16xi32>
          %select_n3A_219 = arith.select %ge3A_218, %broadcast_in_dim3A_12, %broadcast_in_dim3A_10 : vector<16xi1>, vector<16xf32>
          %add3A_220 = arith.addf %add3A_207, %select_n3A_219 : vector<16xf32>
          %scan3A_221 = arith.constant 2 : i32
          %scan3A_222 = arith.addi %scan3A_196, %scan3A_221 : i32
          %mul3A_223 = arith.constant 16 : i32
          %mul3A_224 = arith.muli %scan3A_222, %mul3A_223 : i32
          %get3A_225 = arith.index_cast %scan3A_56 : i32 to index
          %get3A_226 = arith.index_cast %mul3A_224 : i32 to index
          %get3A_227 = tpu.vector_load %arg5[%get3A_225, %get3A_226] {strides = array<i32>} : memref<16x1024xf32, #tpu.memory_space<vmem>>, vector<1x16xf32>,
          %get3A_228 = vector.shape_cast %get3A_227 : vector<1x16xf32> to vector<16xf32>
          %bitcast_convert_type3A_229 = tpu.bitcast %get3A_228 : vector<16xf32> -> vector<16xi32>
          %and3A_230 = arith.andi %bitcast_convert_type3A_229, %broadcast_in_dim3A_16 : vector<16xi32>
          %ge3A_231 = arith.cmpi sge, %and3A_230, %broadcast_in_dim3A_18 : vector<16xi32>
          %select_n3A_232 = arith.select %ge3A_231, %broadcast_in_dim3A_12, %broadcast_in_dim3A_10 : vector<16xi1>, vector<16xf32>
          %add3A_233 = arith.addf %add3A_220, %select_n3A_232 : vector<16xf32>
          %scan3A_234 = arith.constant 3 : i32
          %scan3A_235 = arith.addi %scan3A_196, %scan3A_234 : i32
          %mul3A_236 = arith.constant 16 : i32
          %mul3A_237 = arith.muli %scan3A_235, %mul3A_236 : i32
          %get3A_238 = arith.index_cast %scan3A_56 : i32 to index
          %get3A_239 = arith.index_cast %mul3A_237 : i32 to index
          %get3A_240 = tpu.vector_load %arg5[%get3A_238, %get3A_239] {strides = array<i32>} : memref<16x1024xf32, #tpu.memory_space<vmem>>, vector<1x16xf32>,
          %get3A_241 = vector.shape_cast %get3A_240 : vector<1x16xf32> to vector<16xf32>
          %bitcast_convert_type3A_242 = tpu.bitcast %get3A_241 : vector<16xf32> -> vector<16xi32>
          %and3A_243 = arith.andi %bitcast_convert_type3A_242, %broadcast_in_dim3A_16 : vector<16xi32>
          %ge3A_244 = arith.cmpi sge, %and3A_243, %broadcast_in_dim3A_18 : vector<16xi32>
          %select_n3A_245 = arith.select %ge3A_244, %broadcast_in_dim3A_12, %broadcast_in_dim3A_10 : vector<16xi1>, vector<16xf32>
          %add3A_246 = arith.addf %add3A_233, %select_n3A_245 : vector<16xf32>
          %scan3A_247 = arith.constant 4 : i32
          %scan3A_248 = arith.addi %scan3A_196, %scan3A_247 : i32
          %mul3A_249 = arith.constant 16 : i32
          %mul3A_250 = arith.muli %scan3A_248, %mul3A_249 : i32
          %get3A_251 = arith.index_cast %scan3A_56 : i32 to index
          %get3A_252 = arith.index_cast %mul3A_250 : i32 to index
          %get3A_253 = tpu.vector_load %arg5[%get3A_251, %get3A_252] {strides = array<i32>} : memref<16x1024xf32, #tpu.memory_space<vmem>>, vector<1x16xf32>,
          %get3A_254 = vector.shape_cast %get3A_253 : vector<1x16xf32> to vector<16xf32>
          %bitcast_convert_type3A_255 = tpu.bitcast %get3A_254 : vector<16xf32> -> vector<16xi32>
          %and3A_256 = arith.andi %bitcast_convert_type3A_255, %broadcast_in_dim3A_16 : vector<16xi32>
          %ge3A_257 = arith.cmpi sge, %and3A_256, %broadcast_in_dim3A_18 : vector<16xi32>
          %select_n3A_258 = arith.select %ge3A_257, %broadcast_in_dim3A_12, %broadcast_in_dim3A_10 : vector<16xi1>, vector<16xf32>
          %add3A_259 = arith.addf %add3A_246, %select_n3A_258 : vector<16xf32>
          %scan3A_260 = arith.constant 5 : i32
          %scan3A_261 = arith.addi %scan3A_196, %scan3A_260 : i32
          %mul3A_262 = arith.constant 16 : i32
          %mul3A_263 = arith.muli %scan3A_261, %mul3A_262 : i32
          %get3A_264 = arith.index_cast %scan3A_56 : i32 to index
          %get3A_265 = arith.index_cast %mul3A_263 : i32 to index
          %get3A_266 = tpu.vector_load %arg5[%get3A_264, %get3A_265] {strides = array<i32>} : memref<16x1024xf32, #tpu.memory_space<vmem>>, vector<1x16xf32>,
          %get3A_267 = vector.shape_cast %get3A_266 : vector<1x16xf32> to vector<16xf32>
          %bitcast_convert_type3A_268 = tpu.bitcast %get3A_267 : vector<16xf32> -> vector<16xi32>
          %and3A_269 = arith.andi %bitcast_convert_type3A_268, %broadcast_in_dim3A_16 : vector<16xi32>
          %ge3A_270 = arith.cmpi sge, %and3A_269, %broadcast_in_dim3A_18 : vector<16xi32>
          %select_n3A_271 = arith.select %ge3A_270, %broadcast_in_dim3A_12, %broadcast_in_dim3A_10 : vector<16xi1>, vector<16xf32>
          %add3A_272 = arith.addf %add3A_259, %select_n3A_271 : vector<16xf32>
          %scan3A_273 = arith.constant 6 : i32
          %scan3A_274 = arith.addi %scan3A_196, %scan3A_273 : i32
          %mul3A_275 = arith.constant 16 : i32
          %mul3A_276 = arith.muli %scan3A_274, %mul3A_275 : i32
          %get3A_277 = arith.index_cast %scan3A_56 : i32 to index
          %get3A_278 = arith.index_cast %mul3A_276 : i32 to index
          %get3A_279 = tpu.vector_load %arg5[%get3A_277, %get3A_278] {strides = array<i32>} : memref<16x1024xf32, #tpu.memory_space<vmem>>, vector<1x16xf32>,
          %get3A_280 = vector.shape_cast %get3A_279 : vector<1x16xf32> to vector<16xf32>
          %bitcast_convert_type3A_281 = tpu.bitcast %get3A_280 : vector<16xf32> -> vector<16xi32>
          %and3A_282 = arith.andi %bitcast_convert_type3A_281, %broadcast_in_dim3A_16 : vector<16xi32>
          %ge3A_283 = arith.cmpi sge, %and3A_282, %broadcast_in_dim3A_18 : vector<16xi32>
          %select_n3A_284 = arith.select %ge3A_283, %broadcast_in_dim3A_12, %broadcast_in_dim3A_10 : vector<16xi1>, vector<16xf32>
          %add3A_285 = arith.addf %add3A_272, %select_n3A_284 : vector<16xf32>
          %scan3A_286 = arith.constant 7 : i32
          %scan3A_287 = arith.addi %scan3A_196, %scan3A_286 : i32
          %mul3A_288 = arith.constant 16 : i32
          %mul3A_289 = arith.muli %scan3A_287, %mul3A_288 : i32
          %get3A_290 = arith.index_cast %scan3A_56 : i32 to index
          %get3A_291 = arith.index_cast %mul3A_289 : i32 to index
          %get3A_292 = tpu.vector_load %arg5[%get3A_290, %get3A_291] {strides = array<i32>} : memref<16x1024xf32, #tpu.memory_space<vmem>>, vector<1x16xf32>,
          %get3A_293 = vector.shape_cast %get3A_292 : vector<1x16xf32> to vector<16xf32>
          %bitcast_convert_type3A_294 = tpu.bitcast %get3A_293 : vector<16xf32> -> vector<16xi32>
          %and3A_295 = arith.andi %bitcast_convert_type3A_294, %broadcast_in_dim3A_16 : vector<16xi32>
          %ge3A_296 = arith.cmpi sge, %and3A_295, %broadcast_in_dim3A_18 : vector<16xi32>
          %select_n3A_297 = arith.select %ge3A_296, %broadcast_in_dim3A_12, %broadcast_in_dim3A_10 : vector<16xi1>, vector<16xf32>
          %add3A_298 = arith.addf %add3A_285, %select_n3A_297 : vector<16xf32>
          %scan3A_299 = arith.constant 8 : i32
          %scan3A_300 = arith.addi %scan3A_196, %scan3A_299 : i32
          %mul3A_301 = arith.constant 16 : i32
          %mul3A_302 = arith.muli %scan3A_300, %mul3A_301 : i32
          %get3A_303 = arith.index_cast %scan3A_56 : i32 to index
          %get3A_304 = arith.index_cast %mul3A_302 : i32 to index
          %get3A_305 = tpu.vector_load %arg5[%get3A_303, %get3A_304] {strides = array<i32>} : memref<16x1024xf32, #tpu.memory_space<vmem>>, vector<1x16xf32>,
          %get3A_306 = vector.shape_cast %get3A_305 : vector<1x16xf32> to vector<16xf32>
          %bitcast_convert_type3A_307 = tpu.bitcast %get3A_306 : vector<16xf32> -> vector<16xi32>
          %and3A_308 = arith.andi %bitcast_convert_type3A_307, %broadcast_in_dim3A_16 : vector<16xi32>
          %ge3A_309 = arith.cmpi sge, %and3A_308, %broadcast_in_dim3A_18 : vector<16xi32>
          %select_n3A_310 = arith.select %ge3A_309, %broadcast_in_dim3A_12, %broadcast_in_dim3A_10 : vector<16xi1>, vector<16xf32>
          %add3A_311 = arith.addf %add3A_298, %select_n3A_310 : vector<16xf32>
          %scan3A_312 = arith.constant 9 : i32
          %scan3A_313 = arith.addi %scan3A_196, %scan3A_312 : i32
          %mul3A_314 = arith.constant 16 : i32
          %mul3A_315 = arith.muli %scan3A_313, %mul3A_314 : i32
          %get3A_316 = arith.index_cast %scan3A_56 : i32 to index
          %get3A_317 = arith.index_cast %mul3A_315 : i32 to index
          %get3A_318 = tpu.vector_load %arg5[%get3A_316, %get3A_317] {strides = array<i32>} : memref<16x1024xf32, #tpu.memory_space<vmem>>, vector<1x16xf32>,
          %get3A_319 = vector.shape_cast %get3A_318 : vector<1x16xf32> to vector<16xf32>
          %bitcast_convert_type3A_320 = tpu.bitcast %get3A_319 : vector<16xf32> -> vector<16xi32>
          %and3A_321 = arith.andi %bitcast_convert_type3A_320, %broadcast_in_dim3A_16 : vector<16xi32>
          %ge3A_322 = arith.cmpi sge, %and3A_321, %broadcast_in_dim3A_18 : vector<16xi32>
          %select_n3A_323 = arith.select %ge3A_322, %broadcast_in_dim3A_12, %broadcast_in_dim3A_10 : vector<16xi1>, vector<16xf32>
          %add3A_324 = arith.addf %add3A_311, %select_n3A_323 : vector<16xf32>
          %scan3A_325 = arith.constant 10 : i32
          %scan3A_326 = arith.addi %scan3A_196, %scan3A_325 : i32
          %mul3A_327 = arith.constant 16 : i32
          %mul3A_328 = arith.muli %scan3A_326, %mul3A_327 : i32
          %get3A_329 = arith.index_cast %scan3A_56 : i32 to index
          %get3A_330 = arith.index_cast %mul3A_328 : i32 to index
          %get3A_331 = tpu.vector_load %arg5[%get3A_329, %get3A_330] {strides = array<i32>} : memref<16x1024xf32, #tpu.memory_space<vmem>>, vector<1x16xf32>,
          %get3A_332 = vector.shape_cast %get3A_331 : vector<1x16xf32> to vector<16xf32>
          %bitcast_convert_type3A_333 = tpu.bitcast %get3A_332 : vector<16xf32> -> vector<16xi32>
          %and3A_334 = arith.andi %bitcast_convert_type3A_333, %broadcast_in_dim3A_16 : vector<16xi32>
          %ge3A_335 = arith.cmpi sge, %and3A_334, %broadcast_in_dim3A_18 : vector<16xi32>
          %select_n3A_336 = arith.select %ge3A_335, %broadcast_in_dim3A_12, %broadcast_in_dim3A_10 : vector<16xi1>, vector<16xf32>
          %add3A_337 = arith.addf %add3A_324, %select_n3A_336 : vector<16xf32>
          %scan3A_338 = arith.constant 11 : i32
          %scan3A_339 = arith.addi %scan3A_196, %scan3A_338 : i32
          %mul3A_340 = arith.constant 16 : i32
          %mul3A_341 = arith.muli %scan3A_339, %mul3A_340 : i32
          %get3A_342 = arith.index_cast %scan3A_56 : i32 to index
          %get3A_343 = arith.index_cast %mul3A_341 : i32 to index
          %get3A_344 = tpu.vector_load %arg5[%get3A_342, %get3A_343] {strides = array<i32>} : memref<16x1024xf32, #tpu.memory_space<vmem>>, vector<1x16xf32>,
          %get3A_345 = vector.shape_cast %get3A_344 : vector<1x16xf32> to vector<16xf32>
          %bitcast_convert_type3A_346 = tpu.bitcast %get3A_345 : vector<16xf32> -> vector<16xi32>
          %and3A_347 = arith.andi %bitcast_convert_type3A_346, %broadcast_in_dim3A_16 : vector<16xi32>
          %ge3A_348 = arith.cmpi sge, %and3A_347, %broadcast_in_dim3A_18 : vector<16xi32>
          %select_n3A_349 = arith.select %ge3A_348, %broadcast_in_dim3A_12, %broadcast_in_dim3A_10 : vector<16xi1>, vector<16xf32>
          %add3A_350 = arith.addf %add3A_337, %select_n3A_349 : vector<16xf32>
          %scan3A_351 = arith.constant 12 : i32
          %scan3A_352 = arith.addi %scan3A_196, %scan3A_351 : i32
          %mul3A_353 = arith.constant 16 : i32
          %mul3A_354 = arith.muli %scan3A_352, %mul3A_353 : i32
          %get3A_355 = arith.index_cast %scan3A_56 : i32 to index
          %get3A_356 = arith.index_cast %mul3A_354 : i32 to index
          %get3A_357 = tpu.vector_load %arg5[%get3A_355, %get3A_356] {strides = array<i32>} : memref<16x1024xf32, #tpu.memory_space<vmem>>, vector<1x16xf32>,
          %get3A_358 = vector.shape_cast %get3A_357 : vector<1x16xf32> to vector<16xf32>
          %bitcast_convert_type3A_359 = tpu.bitcast %get3A_358 : vector<16xf32> -> vector<16xi32>
          %and3A_360 = arith.andi %bitcast_convert_type3A_359, %broadcast_in_dim3A_16 : vector<16xi32>
          %ge3A_361 = arith.cmpi sge, %and3A_360, %broadcast_in_dim3A_18 : vector<16xi32>
          %select_n3A_362 = arith.select %ge3A_361, %broadcast_in_dim3A_12, %broadcast_in_dim3A_10 : vector<16xi1>, vector<16xf32>
          %add3A_363 = arith.addf %add3A_350, %select_n3A_362 : vector<16xf32>
          %scan3A_364 = arith.constant 13 : i32
          %scan3A_365 = arith.addi %scan3A_196, %scan3A_364 : i32
          %mul3A_366 = arith.constant 16 : i32
          %mul3A_367 = arith.muli %scan3A_365, %mul3A_366 : i32
          %get3A_368 = arith.index_cast %scan3A_56 : i32 to index
          %get3A_369 = arith.index_cast %mul3A_367 : i32 to index
          %get3A_370 = tpu.vector_load %arg5[%get3A_368, %get3A_369] {strides = array<i32>} : memref<16x1024xf32, #tpu.memory_space<vmem>>, vector<1x16xf32>,
          %get3A_371 = vector.shape_cast %get3A_370 : vector<1x16xf32> to vector<16xf32>
          %bitcast_convert_type3A_372 = tpu.bitcast %get3A_371 : vector<16xf32> -> vector<16xi32>
          %and3A_373 = arith.andi %bitcast_convert_type3A_372, %broadcast_in_dim3A_16 : vector<16xi32>
          %ge3A_374 = arith.cmpi sge, %and3A_373, %broadcast_in_dim3A_18 : vector<16xi32>
          %select_n3A_375 = arith.select %ge3A_374, %broadcast_in_dim3A_12, %broadcast_in_dim3A_10 : vector<16xi1>, vector<16xf32>
          %add3A_376 = arith.addf %add3A_363, %select_n3A_375 : vector<16xf32>
          %scan3A_377 = arith.constant 14 : i32
          %scan3A_378 = arith.addi %scan3A_196, %scan3A_377 : i32
          %mul3A_379 = arith.constant 16 : i32
          %mul3A_380 = arith.muli %scan3A_378, %mul3A_379 : i32
          %get3A_381 = arith.index_cast %scan3A_56 : i32 to index
          %get3A_382 = arith.index_cast %mul3A_380 : i32 to index
          %get3A_383 = tpu.vector_load %arg5[%get3A_381, %get3A_382] {strides = array<i32>} : memref<16x1024xf32, #tpu.memory_space<vmem>>, vector<1x16xf32>,
          %get3A_384 = vector.shape_cast %get3A_383 : vector<1x16xf32> to vector<16xf32>
          %bitcast_convert_type3A_385 = tpu.bitcast %get3A_384 : vector<16xf32> -> vector<16xi32>
          %and3A_386 = arith.andi %bitcast_convert_type3A_385, %broadcast_in_dim3A_16 : vector<16xi32>
          %ge3A_387 = arith.cmpi sge, %and3A_386, %broadcast_in_dim3A_18 : vector<16xi32>
          %select_n3A_388 = arith.select %ge3A_387, %broadcast_in_dim3A_12, %broadcast_in_dim3A_10 : vector<16xi1>, vector<16xf32>
          %add3A_389 = arith.addf %add3A_376, %select_n3A_388 : vector<16xf32>
          %scan3A_390 = arith.constant 15 : i32
          %scan3A_391 = arith.addi %scan3A_196, %scan3A_390 : i32
          %mul3A_392 = arith.constant 16 : i32
          %mul3A_393 = arith.muli %scan3A_391, %mul3A_392 : i32
          %get3A_394 = arith.index_cast %scan3A_56 : i32 to index
          %get3A_395 = arith.index_cast %mul3A_393 : i32 to index
          %get3A_396 = tpu.vector_load %arg5[%get3A_394, %get3A_395] {strides = array<i32>} : memref<16x1024xf32, #tpu.memory_space<vmem>>, vector<1x16xf32>,
          %get3A_397 = vector.shape_cast %get3A_396 : vector<1x16xf32> to vector<16xf32>
          %bitcast_convert_type3A_398 = tpu.bitcast %get3A_397 : vector<16xf32> -> vector<16xi32>
          %and3A_399 = arith.andi %bitcast_convert_type3A_398, %broadcast_in_dim3A_16 : vector<16xi32>
          %ge3A_400 = arith.cmpi sge, %and3A_399, %broadcast_in_dim3A_18 : vector<16xi32>
          %select_n3A_401 = arith.select %ge3A_400, %broadcast_in_dim3A_12, %broadcast_in_dim3A_10 : vector<16xi1>, vector<16xf32>
          %add3A_402 = arith.addf %add3A_389, %select_n3A_401 : vector<16xf32>
          scf.yield %add3A_402 : vector<16xf32>
        }
        %scan3A_63 = arith.constant 64 : i32
        %lt3A = arith.constant 0 : i32
        %lt3A_64 = vector.broadcast %lt3A : i32 to vector<16xi32>
        %lt3A_65 = arith.cmpi slt, %xor3A_26, %lt3A_64 : vector<16xi32>
        %add3A_66 = arith.constant 16 : i32
        %add3A_67 = vector.broadcast %add3A_66 : i32 to vector<16xi32>
        %add3A_68 = arith.addi %xor3A_26, %add3A_67 : vector<16xi32>
        %select_n3A = arith.select %lt3A_65, %add3A_68, %xor3A_26 : vector<16xi1>, vector<16xi32>
        %broadcast_in_dim3A_69 = vector.shape_cast %select_n3A : vector<16xi32> to vector<16x1xi32>
        %gather3A = vector.shape_cast %broadcast_in_dim3A_69 : vector<16x1xi32> to vector<16xi32>
        %gather3A_70 = tpu.dynamic_gather %scan3A_62[%gather3A] in [0] : vector<16xf32>, vector<16xi32> -> vector<16xf32>
        %add3A_71 = arith.addf %scan3A_62, %gather3A_70 : vector<16xf32>
        %lt3A_72 = arith.constant 0 : i32
        %lt3A_73 = vector.broadcast %lt3A_72 : i32 to vector<16xi32>
        %lt3A_74 = arith.cmpi slt, %xor3A_29, %lt3A_73 : vector<16xi32>
        %add3A_75 = arith.constant 16 : i32
        %add3A_76 = vector.broadcast %add3A_75 : i32 to vector<16xi32>
        %add3A_77 = arith.addi %xor3A_29, %add3A_76 : vector<16xi32>
        %select_n3A_78 = arith.select %lt3A_74, %add3A_77, %xor3A_29 : vector<16xi1>, vector<16xi32>
        %broadcast_in_dim3A_79 = vector.shape_cast %select_n3A_78 : vector<16xi32> to vector<16x1xi32>
        %gather3A_80 = vector.shape_cast %broadcast_in_dim3A_79 : vector<16x1xi32> to vector<16xi32>
        %gather3A_81 = tpu.dynamic_gather %add3A_71[%gather3A_80] in [0] : vector<16xf32>, vector<16xi32> -> vector<16xf32>
        %add3A_82 = arith.addf %add3A_71, %gather3A_81 : vector<16xf32>
        %lt3A_83 = arith.constant 0 : i32
        %lt3A_84 = vector.broadcast %lt3A_83 : i32 to vector<16xi32>
        %lt3A_85 = arith.cmpi slt, %xor3A_32, %lt3A_84 : vector<16xi32>
        %add3A_86 = arith.constant 16 : i32
        %add3A_87 = vector.broadcast %add3A_86 : i32 to vector<16xi32>
        %add3A_88 = arith.addi %xor3A_32, %add3A_87 : vector<16xi32>
        %select_n3A_89 = arith.select %lt3A_85, %add3A_88, %xor3A_32 : vector<16xi1>, vector<16xi32>
        %broadcast_in_dim3A_90 = vector.shape_cast %select_n3A_89 : vector<16xi32> to vector<16x1xi32>
        %gather3A_91 = vector.shape_cast %broadcast_in_dim3A_90 : vector<16x1xi32> to vector<16xi32>
        %gather3A_92 = tpu.dynamic_gather %add3A_82[%gather3A_91] in [0] : vector<16xf32>, vector<16xi32> -> vector<16xf32>
        %add3A_93 = arith.addf %add3A_82, %gather3A_92 : vector<16xf32>
        %lt3A_94 = arith.constant 0 : i32
        %lt3A_95 = vector.broadcast %lt3A_94 : i32 to vector<16xi32>
        %lt3A_96 = arith.cmpi slt, %xor3A_35, %lt3A_95 : vector<16xi32>
        %add3A_97 = arith.constant 16 : i32
        %add3A_98 = vector.broadcast %add3A_97 : i32 to vector<16xi32>
        %add3A_99 = arith.addi %xor3A_35, %add3A_98 : vector<16xi32>
        %select_n3A_100 = arith.select %lt3A_96, %add3A_99, %xor3A_35 : vector<16xi1>, vector<16xi32>
        %broadcast_in_dim3A_101 = vector.shape_cast %select_n3A_100 : vector<16xi32> to vector<16x1xi32>
        %gather3A_102 = vector.shape_cast %broadcast_in_dim3A_101 : vector<16x1xi32> to vector<16xi32>
        %gather3A_103 = tpu.dynamic_gather %add3A_93[%gather3A_102] in [0] : vector<16xf32>, vector<16xi32> -> vector<16xf32>
        %add3A_104 = arith.addf %add3A_93, %gather3A_103 : vector<16xf32>
        %scan3A_105 = arith.constant 0 : i32
        %scan3A_106 = arith.constant 64 : i32
        %scan3A_107 = arith.addi %scan3A_105, %scan3A_106 : i32
        %scan3A_108 = arith.constant 16 : i32
        %scan3A_109 = scf.for %scan3A_196 = %scan3A_105 to %scan3A_107 step %scan3A_108 iter_args(%scan3A_197 = %broadcast_in_dim3A_10) -> (vector<16xf32>)  : i32 {
          %mul3A_198 = arith.constant 16 : i32
          %mul3A_199 = arith.muli %scan3A_196, %mul3A_198 : i32
          %get3A_200 = arith.index_cast %scan3A_56 : i32 to index
          %get3A_201 = arith.index_cast %mul3A_199 : i32 to index
          %get3A_202 = tpu.vector_load %arg5[%get3A_200, %get3A_201] {strides = array<i32>} : memref<16x1024xf32, #tpu.memory_space<vmem>>, vector<1x16xf32>,
          %get3A_203 = vector.shape_cast %get3A_202 : vector<1x16xf32> to vector<16xf32>
          %bitcast_convert_type3A_204 = tpu.bitcast %get3A_203 : vector<16xf32> -> vector<16xi32>
          %and3A_205 = arith.andi %bitcast_convert_type3A_204, %broadcast_in_dim3A_16 : vector<16xi32>
          %ge3A = arith.cmpi sge, %and3A_205, %broadcast_in_dim3A_20 : vector<16xi32>
          %select_n3A_206 = arith.select %ge3A, %broadcast_in_dim3A_12, %broadcast_in_dim3A_10 : vector<16xi1>, vector<16xf32>
          %add3A_207 = arith.addf %scan3A_197, %select_n3A_206 : vector<16xf32>
          %scan3A_208 = arith.constant 1 : i32
          %scan3A_209 = arith.addi %scan3A_196, %scan3A_208 : i32
          %mul3A_210 = arith.constant 16 : i32
          %mul3A_211 = arith.muli %scan3A_209, %mul3A_210 : i32
          %get3A_212 = arith.index_cast %scan3A_56 : i32 to index
          %get3A_213 = arith.index_cast %mul3A_211 : i32 to index
          %get3A_214 = tpu.vector_load %arg5[%get3A_212, %get3A_213] {strides = array<i32>} : memref<16x1024xf32, #tpu.memory_space<vmem>>, vector<1x16xf32>,
          %get3A_215 = vector.shape_cast %get3A_214 : vector<1x16xf32> to vector<16xf32>
          %bitcast_convert_type3A_216 = tpu.bitcast %get3A_215 : vector<16xf32> -> vector<16xi32>
          %and3A_217 = arith.andi %bitcast_convert_type3A_216, %broadcast_in_dim3A_16 : vector<16xi32>
          %ge3A_218 = arith.cmpi sge, %and3A_217, %broadcast_in_dim3A_20 : vector<16xi32>
          %select_n3A_219 = arith.select %ge3A_218, %broadcast_in_dim3A_12, %broadcast_in_dim3A_10 : vector<16xi1>, vector<16xf32>
          %add3A_220 = arith.addf %add3A_207, %select_n3A_219 : vector<16xf32>
          %scan3A_221 = arith.constant 2 : i32
          %scan3A_222 = arith.addi %scan3A_196, %scan3A_221 : i32
          %mul3A_223 = arith.constant 16 : i32
          %mul3A_224 = arith.muli %scan3A_222, %mul3A_223 : i32
          %get3A_225 = arith.index_cast %scan3A_56 : i32 to index
          %get3A_226 = arith.index_cast %mul3A_224 : i32 to index
          %get3A_227 = tpu.vector_load %arg5[%get3A_225, %get3A_226] {strides = array<i32>} : memref<16x1024xf32, #tpu.memory_space<vmem>>, vector<1x16xf32>,
          %get3A_228 = vector.shape_cast %get3A_227 : vector<1x16xf32> to vector<16xf32>
          %bitcast_convert_type3A_229 = tpu.bitcast %get3A_228 : vector<16xf32> -> vector<16xi32>
          %and3A_230 = arith.andi %bitcast_convert_type3A_229, %broadcast_in_dim3A_16 : vector<16xi32>
          %ge3A_231 = arith.cmpi sge, %and3A_230, %broadcast_in_dim3A_20 : vector<16xi32>
          %select_n3A_232 = arith.select %ge3A_231, %broadcast_in_dim3A_12, %broadcast_in_dim3A_10 : vector<16xi1>, vector<16xf32>
          %add3A_233 = arith.addf %add3A_220, %select_n3A_232 : vector<16xf32>
          %scan3A_234 = arith.constant 3 : i32
          %scan3A_235 = arith.addi %scan3A_196, %scan3A_234 : i32
          %mul3A_236 = arith.constant 16 : i32
          %mul3A_237 = arith.muli %scan3A_235, %mul3A_236 : i32
          %get3A_238 = arith.index_cast %scan3A_56 : i32 to index
          %get3A_239 = arith.index_cast %mul3A_237 : i32 to index
          %get3A_240 = tpu.vector_load %arg5[%get3A_238, %get3A_239] {strides = array<i32>} : memref<16x1024xf32, #tpu.memory_space<vmem>>, vector<1x16xf32>,
          %get3A_241 = vector.shape_cast %get3A_240 : vector<1x16xf32> to vector<16xf32>
          %bitcast_convert_type3A_242 = tpu.bitcast %get3A_241 : vector<16xf32> -> vector<16xi32>
          %and3A_243 = arith.andi %bitcast_convert_type3A_242, %broadcast_in_dim3A_16 : vector<16xi32>
          %ge3A_244 = arith.cmpi sge, %and3A_243, %broadcast_in_dim3A_20 : vector<16xi32>
          %select_n3A_245 = arith.select %ge3A_244, %broadcast_in_dim3A_12, %broadcast_in_dim3A_10 : vector<16xi1>, vector<16xf32>
          %add3A_246 = arith.addf %add3A_233, %select_n3A_245 : vector<16xf32>
          %scan3A_247 = arith.constant 4 : i32
          %scan3A_248 = arith.addi %scan3A_196, %scan3A_247 : i32
          %mul3A_249 = arith.constant 16 : i32
          %mul3A_250 = arith.muli %scan3A_248, %mul3A_249 : i32
          %get3A_251 = arith.index_cast %scan3A_56 : i32 to index
          %get3A_252 = arith.index_cast %mul3A_250 : i32 to index
          %get3A_253 = tpu.vector_load %arg5[%get3A_251, %get3A_252] {strides = array<i32>} : memref<16x1024xf32, #tpu.memory_space<vmem>>, vector<1x16xf32>,
          %get3A_254 = vector.shape_cast %get3A_253 : vector<1x16xf32> to vector<16xf32>
          %bitcast_convert_type3A_255 = tpu.bitcast %get3A_254 : vector<16xf32> -> vector<16xi32>
          %and3A_256 = arith.andi %bitcast_convert_type3A_255, %broadcast_in_dim3A_16 : vector<16xi32>
          %ge3A_257 = arith.cmpi sge, %and3A_256, %broadcast_in_dim3A_20 : vector<16xi32>
          %select_n3A_258 = arith.select %ge3A_257, %broadcast_in_dim3A_12, %broadcast_in_dim3A_10 : vector<16xi1>, vector<16xf32>
          %add3A_259 = arith.addf %add3A_246, %select_n3A_258 : vector<16xf32>
          %scan3A_260 = arith.constant 5 : i32
          %scan3A_261 = arith.addi %scan3A_196, %scan3A_260 : i32
          %mul3A_262 = arith.constant 16 : i32
          %mul3A_263 = arith.muli %scan3A_261, %mul3A_262 : i32
          %get3A_264 = arith.index_cast %scan3A_56 : i32 to index
          %get3A_265 = arith.index_cast %mul3A_263 : i32 to index
          %get3A_266 = tpu.vector_load %arg5[%get3A_264, %get3A_265] {strides = array<i32>} : memref<16x1024xf32, #tpu.memory_space<vmem>>, vector<1x16xf32>,
          %get3A_267 = vector.shape_cast %get3A_266 : vector<1x16xf32> to vector<16xf32>
          %bitcast_convert_type3A_268 = tpu.bitcast %get3A_267 : vector<16xf32> -> vector<16xi32>
          %and3A_269 = arith.andi %bitcast_convert_type3A_268, %broadcast_in_dim3A_16 : vector<16xi32>
          %ge3A_270 = arith.cmpi sge, %and3A_269, %broadcast_in_dim3A_20 : vector<16xi32>
          %select_n3A_271 = arith.select %ge3A_270, %broadcast_in_dim3A_12, %broadcast_in_dim3A_10 : vector<16xi1>, vector<16xf32>
          %add3A_272 = arith.addf %add3A_259, %select_n3A_271 : vector<16xf32>
          %scan3A_273 = arith.constant 6 : i32
          %scan3A_274 = arith.addi %scan3A_196, %scan3A_273 : i32
          %mul3A_275 = arith.constant 16 : i32
          %mul3A_276 = arith.muli %scan3A_274, %mul3A_275 : i32
          %get3A_277 = arith.index_cast %scan3A_56 : i32 to index
          %get3A_278 = arith.index_cast %mul3A_276 : i32 to index
          %get3A_279 = tpu.vector_load %arg5[%get3A_277, %get3A_278] {strides = array<i32>} : memref<16x1024xf32, #tpu.memory_space<vmem>>, vector<1x16xf32>,
          %get3A_280 = vector.shape_cast %get3A_279 : vector<1x16xf32> to vector<16xf32>
          %bitcast_convert_type3A_281 = tpu.bitcast %get3A_280 : vector<16xf32> -> vector<16xi32>
          %and3A_282 = arith.andi %bitcast_convert_type3A_281, %broadcast_in_dim3A_16 : vector<16xi32>
          %ge3A_283 = arith.cmpi sge, %and3A_282, %broadcast_in_dim3A_20 : vector<16xi32>
          %select_n3A_284 = arith.select %ge3A_283, %broadcast_in_dim3A_12, %broadcast_in_dim3A_10 : vector<16xi1>, vector<16xf32>
          %add3A_285 = arith.addf %add3A_272, %select_n3A_284 : vector<16xf32>
          %scan3A_286 = arith.constant 7 : i32
          %scan3A_287 = arith.addi %scan3A_196, %scan3A_286 : i32
          %mul3A_288 = arith.constant 16 : i32
          %mul3A_289 = arith.muli %scan3A_287, %mul3A_288 : i32
          %get3A_290 = arith.index_cast %scan3A_56 : i32 to index
          %get3A_291 = arith.index_cast %mul3A_289 : i32 to index
          %get3A_292 = tpu.vector_load %arg5[%get3A_290, %get3A_291] {strides = array<i32>} : memref<16x1024xf32, #tpu.memory_space<vmem>>, vector<1x16xf32>,
          %get3A_293 = vector.shape_cast %get3A_292 : vector<1x16xf32> to vector<16xf32>
          %bitcast_convert_type3A_294 = tpu.bitcast %get3A_293 : vector<16xf32> -> vector<16xi32>
          %and3A_295 = arith.andi %bitcast_convert_type3A_294, %broadcast_in_dim3A_16 : vector<16xi32>
          %ge3A_296 = arith.cmpi sge, %and3A_295, %broadcast_in_dim3A_20 : vector<16xi32>
          %select_n3A_297 = arith.select %ge3A_296, %broadcast_in_dim3A_12, %broadcast_in_dim3A_10 : vector<16xi1>, vector<16xf32>
          %add3A_298 = arith.addf %add3A_285, %select_n3A_297 : vector<16xf32>
          %scan3A_299 = arith.constant 8 : i32
          %scan3A_300 = arith.addi %scan3A_196, %scan3A_299 : i32
          %mul3A_301 = arith.constant 16 : i32
          %mul3A_302 = arith.muli %scan3A_300, %mul3A_301 : i32
          %get3A_303 = arith.index_cast %scan3A_56 : i32 to index
          %get3A_304 = arith.index_cast %mul3A_302 : i32 to index
          %get3A_305 = tpu.vector_load %arg5[%get3A_303, %get3A_304] {strides = array<i32>} : memref<16x1024xf32, #tpu.memory_space<vmem>>, vector<1x16xf32>,
          %get3A_306 = vector.shape_cast %get3A_305 : vector<1x16xf32> to vector<16xf32>
          %bitcast_convert_type3A_307 = tpu.bitcast %get3A_306 : vector<16xf32> -> vector<16xi32>
          %and3A_308 = arith.andi %bitcast_convert_type3A_307, %broadcast_in_dim3A_16 : vector<16xi32>
          %ge3A_309 = arith.cmpi sge, %and3A_308, %broadcast_in_dim3A_20 : vector<16xi32>
          %select_n3A_310 = arith.select %ge3A_309, %broadcast_in_dim3A_12, %broadcast_in_dim3A_10 : vector<16xi1>, vector<16xf32>
          %add3A_311 = arith.addf %add3A_298, %select_n3A_310 : vector<16xf32>
          %scan3A_312 = arith.constant 9 : i32
          %scan3A_313 = arith.addi %scan3A_196, %scan3A_312 : i32
          %mul3A_314 = arith.constant 16 : i32
          %mul3A_315 = arith.muli %scan3A_313, %mul3A_314 : i32
          %get3A_316 = arith.index_cast %scan3A_56 : i32 to index
          %get3A_317 = arith.index_cast %mul3A_315 : i32 to index
          %get3A_318 = tpu.vector_load %arg5[%get3A_316, %get3A_317] {strides = array<i32>} : memref<16x1024xf32, #tpu.memory_space<vmem>>, vector<1x16xf32>,
          %get3A_319 = vector.shape_cast %get3A_318 : vector<1x16xf32> to vector<16xf32>
          %bitcast_convert_type3A_320 = tpu.bitcast %get3A_319 : vector<16xf32> -> vector<16xi32>
          %and3A_321 = arith.andi %bitcast_convert_type3A_320, %broadcast_in_dim3A_16 : vector<16xi32>
          %ge3A_322 = arith.cmpi sge, %and3A_321, %broadcast_in_dim3A_20 : vector<16xi32>
          %select_n3A_323 = arith.select %ge3A_322, %broadcast_in_dim3A_12, %broadcast_in_dim3A_10 : vector<16xi1>, vector<16xf32>
          %add3A_324 = arith.addf %add3A_311, %select_n3A_323 : vector<16xf32>
          %scan3A_325 = arith.constant 10 : i32
          %scan3A_326 = arith.addi %scan3A_196, %scan3A_325 : i32
          %mul3A_327 = arith.constant 16 : i32
          %mul3A_328 = arith.muli %scan3A_326, %mul3A_327 : i32
          %get3A_329 = arith.index_cast %scan3A_56 : i32 to index
          %get3A_330 = arith.index_cast %mul3A_328 : i32 to index
          %get3A_331 = tpu.vector_load %arg5[%get3A_329, %get3A_330] {strides = array<i32>} : memref<16x1024xf32, #tpu.memory_space<vmem>>, vector<1x16xf32>,
          %get3A_332 = vector.shape_cast %get3A_331 : vector<1x16xf32> to vector<16xf32>
          %bitcast_convert_type3A_333 = tpu.bitcast %get3A_332 : vector<16xf32> -> vector<16xi32>
          %and3A_334 = arith.andi %bitcast_convert_type3A_333, %broadcast_in_dim3A_16 : vector<16xi32>
          %ge3A_335 = arith.cmpi sge, %and3A_334, %broadcast_in_dim3A_20 : vector<16xi32>
          %select_n3A_336 = arith.select %ge3A_335, %broadcast_in_dim3A_12, %broadcast_in_dim3A_10 : vector<16xi1>, vector<16xf32>
          %add3A_337 = arith.addf %add3A_324, %select_n3A_336 : vector<16xf32>
          %scan3A_338 = arith.constant 11 : i32
          %scan3A_339 = arith.addi %scan3A_196, %scan3A_338 : i32
          %mul3A_340 = arith.constant 16 : i32
          %mul3A_341 = arith.muli %scan3A_339, %mul3A_340 : i32
          %get3A_342 = arith.index_cast %scan3A_56 : i32 to index
          %get3A_343 = arith.index_cast %mul3A_341 : i32 to index
          %get3A_344 = tpu.vector_load %arg5[%get3A_342, %get3A_343] {strides = array<i32>} : memref<16x1024xf32, #tpu.memory_space<vmem>>, vector<1x16xf32>,
          %get3A_345 = vector.shape_cast %get3A_344 : vector<1x16xf32> to vector<16xf32>
          %bitcast_convert_type3A_346 = tpu.bitcast %get3A_345 : vector<16xf32> -> vector<16xi32>
          %and3A_347 = arith.andi %bitcast_convert_type3A_346, %broadcast_in_dim3A_16 : vector<16xi32>
          %ge3A_348 = arith.cmpi sge, %and3A_347, %broadcast_in_dim3A_20 : vector<16xi32>
          %select_n3A_349 = arith.select %ge3A_348, %broadcast_in_dim3A_12, %broadcast_in_dim3A_10 : vector<16xi1>, vector<16xf32>
          %add3A_350 = arith.addf %add3A_337, %select_n3A_349 : vector<16xf32>
          %scan3A_351 = arith.constant 12 : i32
          %scan3A_352 = arith.addi %scan3A_196, %scan3A_351 : i32
          %mul3A_353 = arith.constant 16 : i32
          %mul3A_354 = arith.muli %scan3A_352, %mul3A_353 : i32
          %get3A_355 = arith.index_cast %scan3A_56 : i32 to index
          %get3A_356 = arith.index_cast %mul3A_354 : i32 to index
          %get3A_357 = tpu.vector_load %arg5[%get3A_355, %get3A_356] {strides = array<i32>} : memref<16x1024xf32, #tpu.memory_space<vmem>>, vector<1x16xf32>,
          %get3A_358 = vector.shape_cast %get3A_357 : vector<1x16xf32> to vector<16xf32>
          %bitcast_convert_type3A_359 = tpu.bitcast %get3A_358 : vector<16xf32> -> vector<16xi32>
          %and3A_360 = arith.andi %bitcast_convert_type3A_359, %broadcast_in_dim3A_16 : vector<16xi32>
          %ge3A_361 = arith.cmpi sge, %and3A_360, %broadcast_in_dim3A_20 : vector<16xi32>
          %select_n3A_362 = arith.select %ge3A_361, %broadcast_in_dim3A_12, %broadcast_in_dim3A_10 : vector<16xi1>, vector<16xf32>
          %add3A_363 = arith.addf %add3A_350, %select_n3A_362 : vector<16xf32>
          %scan3A_364 = arith.constant 13 : i32
          %scan3A_365 = arith.addi %scan3A_196, %scan3A_364 : i32
          %mul3A_366 = arith.constant 16 : i32
          %mul3A_367 = arith.muli %scan3A_365, %mul3A_366 : i32
          %get3A_368 = arith.index_cast %scan3A_56 : i32 to index
          %get3A_369 = arith.index_cast %mul3A_367 : i32 to index
          %get3A_370 = tpu.vector_load %arg5[%get3A_368, %get3A_369] {strides = array<i32>} : memref<16x1024xf32, #tpu.memory_space<vmem>>, vector<1x16xf32>,
          %get3A_371 = vector.shape_cast %get3A_370 : vector<1x16xf32> to vector<16xf32>
          %bitcast_convert_type3A_372 = tpu.bitcast %get3A_371 : vector<16xf32> -> vector<16xi32>
          %and3A_373 = arith.andi %bitcast_convert_type3A_372, %broadcast_in_dim3A_16 : vector<16xi32>
          %ge3A_374 = arith.cmpi sge, %and3A_373, %broadcast_in_dim3A_20 : vector<16xi32>
          %select_n3A_375 = arith.select %ge3A_374, %broadcast_in_dim3A_12, %broadcast_in_dim3A_10 : vector<16xi1>, vector<16xf32>
          %add3A_376 = arith.addf %add3A_363, %select_n3A_375 : vector<16xf32>
          %scan3A_377 = arith.constant 14 : i32
          %scan3A_378 = arith.addi %scan3A_196, %scan3A_377 : i32
          %mul3A_379 = arith.constant 16 : i32
          %mul3A_380 = arith.muli %scan3A_378, %mul3A_379 : i32
          %get3A_381 = arith.index_cast %scan3A_56 : i32 to index
          %get3A_382 = arith.index_cast %mul3A_380 : i32 to index
          %get3A_383 = tpu.vector_load %arg5[%get3A_381, %get3A_382] {strides = array<i32>} : memref<16x1024xf32, #tpu.memory_space<vmem>>, vector<1x16xf32>,
          %get3A_384 = vector.shape_cast %get3A_383 : vector<1x16xf32> to vector<16xf32>
          %bitcast_convert_type3A_385 = tpu.bitcast %get3A_384 : vector<16xf32> -> vector<16xi32>
          %and3A_386 = arith.andi %bitcast_convert_type3A_385, %broadcast_in_dim3A_16 : vector<16xi32>
          %ge3A_387 = arith.cmpi sge, %and3A_386, %broadcast_in_dim3A_20 : vector<16xi32>
          %select_n3A_388 = arith.select %ge3A_387, %broadcast_in_dim3A_12, %broadcast_in_dim3A_10 : vector<16xi1>, vector<16xf32>
          %add3A_389 = arith.addf %add3A_376, %select_n3A_388 : vector<16xf32>
          %scan3A_390 = arith.constant 15 : i32
          %scan3A_391 = arith.addi %scan3A_196, %scan3A_390 : i32
          %mul3A_392 = arith.constant 16 : i32
          %mul3A_393 = arith.muli %scan3A_391, %mul3A_392 : i32
          %get3A_394 = arith.index_cast %scan3A_56 : i32 to index
          %get3A_395 = arith.index_cast %mul3A_393 : i32 to index
          %get3A_396 = tpu.vector_load %arg5[%get3A_394, %get3A_395] {strides = array<i32>} : memref<16x1024xf32, #tpu.memory_space<vmem>>, vector<1x16xf32>,
          %get3A_397 = vector.shape_cast %get3A_396 : vector<1x16xf32> to vector<16xf32>
          %bitcast_convert_type3A_398 = tpu.bitcast %get3A_397 : vector<16xf32> -> vector<16xi32>
          %and3A_399 = arith.andi %bitcast_convert_type3A_398, %broadcast_in_dim3A_16 : vector<16xi32>
          %ge3A_400 = arith.cmpi sge, %and3A_399, %broadcast_in_dim3A_20 : vector<16xi32>
          %select_n3A_401 = arith.select %ge3A_400, %broadcast_in_dim3A_12, %broadcast_in_dim3A_10 : vector<16xi1>, vector<16xf32>
          %add3A_402 = arith.addf %add3A_389, %select_n3A_401 : vector<16xf32>
          scf.yield %add3A_402 : vector<16xf32>
        }
        %scan3A_110 = arith.constant 64 : i32
        %lt3A_111 = arith.constant 0 : i32
        %lt3A_112 = vector.broadcast %lt3A_111 : i32 to vector<16xi32>
        %lt3A_113 = arith.cmpi slt, %xor3A_26, %lt3A_112 : vector<16xi32>
        %add3A_114 = arith.constant 16 : i32
        %add3A_115 = vector.broadcast %add3A_114 : i32 to vector<16xi32>
        %add3A_116 = arith.addi %xor3A_26, %add3A_115 : vector<16xi32>
        %select_n3A_117 = arith.select %lt3A_113, %add3A_116, %xor3A_26 : vector<16xi1>, vector<16xi32>
        %broadcast_in_dim3A_118 = vector.shape_cast %select_n3A_117 : vector<16xi32> to vector<16x1xi32>
        %gather3A_119 = vector.shape_cast %broadcast_in_dim3A_118 : vector<16x1xi32> to vector<16xi32>
        %gather3A_120 = tpu.dynamic_gather %scan3A_109[%gather3A_119] in [0] : vector<16xf32>, vector<16xi32> -> vector<16xf32>
        %add3A_121 = arith.addf %scan3A_109, %gather3A_120 : vector<16xf32>
        %lt3A_122 = arith.constant 0 : i32
        %lt3A_123 = vector.broadcast %lt3A_122 : i32 to vector<16xi32>
        %lt3A_124 = arith.cmpi slt, %xor3A_29, %lt3A_123 : vector<16xi32>
        %add3A_125 = arith.constant 16 : i32
        %add3A_126 = vector.broadcast %add3A_125 : i32 to vector<16xi32>
        %add3A_127 = arith.addi %xor3A_29, %add3A_126 : vector<16xi32>
        %select_n3A_128 = arith.select %lt3A_124, %add3A_127, %xor3A_29 : vector<16xi1>, vector<16xi32>
        %broadcast_in_dim3A_129 = vector.shape_cast %select_n3A_128 : vector<16xi32> to vector<16x1xi32>
        %gather3A_130 = vector.shape_cast %broadcast_in_dim3A_129 : vector<16x1xi32> to vector<16xi32>
        %gather3A_131 = tpu.dynamic_gather %add3A_121[%gather3A_130] in [0] : vector<16xf32>, vector<16xi32> -> vector<16xf32>
        %add3A_132 = arith.addf %add3A_121, %gather3A_131 : vector<16xf32>
        %lt3A_133 = arith.constant 0 : i32
        %lt3A_134 = vector.broadcast %lt3A_133 : i32 to vector<16xi32>
        %lt3A_135 = arith.cmpi slt, %xor3A_32, %lt3A_134 : vector<16xi32>
        %add3A_136 = arith.constant 16 : i32
        %add3A_137 = vector.broadcast %add3A_136 : i32 to vector<16xi32>
        %add3A_138 = arith.addi %xor3A_32, %add3A_137 : vector<16xi32>
        %select_n3A_139 = arith.select %lt3A_135, %add3A_138, %xor3A_32 : vector<16xi1>, vector<16xi32>
        %broadcast_in_dim3A_140 = vector.shape_cast %select_n3A_139 : vector<16xi32> to vector<16x1xi32>
        %gather3A_141 = vector.shape_cast %broadcast_in_dim3A_140 : vector<16x1xi32> to vector<16xi32>
        %gather3A_142 = tpu.dynamic_gather %add3A_132[%gather3A_141] in [0] : vector<16xf32>, vector<16xi32> -> vector<16xf32>
        %add3A_143 = arith.addf %add3A_132, %gather3A_142 : vector<16xf32>
        %lt3A_144 = arith.constant 0 : i32
        %lt3A_145 = vector.broadcast %lt3A_144 : i32 to vector<16xi32>
        %lt3A_146 = arith.cmpi slt, %xor3A_35, %lt3A_145 : vector<16xi32>
        %add3A_147 = arith.constant 16 : i32
        %add3A_148 = vector.broadcast %add3A_147 : i32 to vector<16xi32>
        %add3A_149 = arith.addi %xor3A_35, %add3A_148 : vector<16xi32>
        %select_n3A_150 = arith.select %lt3A_146, %add3A_149, %xor3A_35 : vector<16xi1>, vector<16xi32>
        %broadcast_in_dim3A_151 = vector.shape_cast %select_n3A_150 : vector<16xi32> to vector<16x1xi32>
        %gather3A_152 = vector.shape_cast %broadcast_in_dim3A_151 : vector<16x1xi32> to vector<16xi32>
        %gather3A_153 = tpu.dynamic_gather %add3A_143[%gather3A_152] in [0] : vector<16xf32>, vector<16xi32> -> vector<16xf32>
        %add3A_154 = arith.addf %add3A_143, %gather3A_153 : vector<16xf32>
        %sub3A = arith.subf %add3A_104, %broadcast_in_dim3A_14 : vector<16xf32>
        %add3A_155 = arith.addf %sub3A, %broadcast_in_dim3A_12 : vector<16xf32>
        %max3A = arith.maximumf %add3A_155, %broadcast_in_dim3A_10 : vector<16xf32>
        %min3A = arith.minimumf %max3A, %broadcast_in_dim3A_12 : vector<16xf32>
        %convert_element_type3A = arith.fptosi %min3A : vector<16xf32> to vector<16xi32>
        %sub3A_156 = arith.subi %broadcast_in_dim3A_8, %convert_element_type3A : vector<16xi32>
        %sub3A_157 = arith.subf %add3A_154, %broadcast_in_dim3A_14 : vector<16xf32>
        %add3A_158 = arith.addf %sub3A_157, %broadcast_in_dim3A_12 : vector<16xf32>
        %max3A_159 = arith.maximumf %add3A_158, %broadcast_in_dim3A_10 : vector<16xf32>
        %min3A_160 = arith.minimumf %max3A_159, %broadcast_in_dim3A_12 : vector<16xf32>
        %convert_element_type3A_161 = arith.fptosi %min3A_160 : vector<16xf32> to vector<16xi32>
        %sub3A_162 = arith.subi %broadcast_in_dim3A_8, %convert_element_type3A_161 : vector<16xi32>
        %not3A = arith.constant dense<-1> : vector<16xi32>
        %not3A_163 = arith.xori %sub3A_162, %not3A : vector<16xi32>
        %and3A = arith.andi %sub3A_156, %not3A_163 : vector<16xi32>
        %and3A_164 = arith.andi %broadcast_in_dim3A_18, %and3A : vector<16xi32>
        %and3A_165 = arith.andi %broadcast_in_dim3A_20, %sub3A_162 : vector<16xi32>
        %or3A = arith.ori %and3A_164, %and3A_165 : vector<16xi32>
        %and3A_166 = arith.andi %broadcast_in_dim3A_22, %and3A : vector<16xi32>
        %not3A_167 = arith.constant dense<-1> : vector<16xi32>
        %not3A_168 = arith.xori %and3A, %not3A_167 : vector<16xi32>
        %and3A_169 = arith.andi %broadcast_in_dim3A_24, %not3A_168 : vector<16xi32>
        %or3A_170 = arith.ori %and3A_166, %and3A_169 : vector<16xi32>
        %bitcast_convert_type3A = tpu.bitcast %or3A : vector<16xi32> -> vector<16xf32>
        %swap3A = arith.constant 0 : index
        %swap3A_171 = tpu.vector_load %arg7[%swap3A] {strides = array<i32>} : memref<16xf32, #tpu.memory_space<vmem>>, vector<16xf32>,
        %swap3A_172 = vector.shape_cast %swap3A_171 : vector<16xf32> to vector<16xf32>
        %swap3A_173 = vector.shape_cast %bitcast_convert_type3A : vector<16xf32> to vector<16xf32>
        tpu.vector_store %arg7[%swap3A], %swap3A_173 {strides = array<i32>} : memref<16xf32, #tpu.memory_space<vmem>>, vector<16xf32>,
        %slice3A = vector.extract_strided_slice %add3A_104 {offsets = [0], sizes = [1], strides = [1]} : vector<16xf32> to vector<1xf32>
        %squeeze3A = vector.extract %slice3A[0] : f32 from vector<1xf32>
        %eq3A = arith.cmpf oeq, %squeeze3A, %scan3A : f32
        %slice3A_174 = vector.extract_strided_slice %add3A_154 {offsets = [0], sizes = [1], strides = [1]} : vector<16xf32> to vector<1xf32>
        %squeeze3A_175 = vector.extract %slice3A_174[0] : f32 from vector<1xf32>
        %eq3A_176 = arith.cmpf oeq, %squeeze3A_175, %scan3A : f32
        %or3A_177 = arith.ori %eq3A, %eq3A_176 : i1
        %scan3A_178 = arith.constant 0 : i32
        %scan3A_179 = arith.constant 30 : i32
        %scan3A_180 = arith.addi %scan3A_178, %scan3A_179 : i32
        %scan3A_181 = arith.constant 1 : i32
        %scan3A_182:2 = scf.for %scan3A_196 = %scan3A_178 to %scan3A_180 step %scan3A_181 iter_args(%scan3A_197 = %or3A_177, %scan3A_198 = %or3A_170) -> (i1, vector<16xi32>)  : i32 {
          %convert_element_type3A_199 = arith.extui %scan3A_197 : i1 to i32
          %cond3A = arith.constant 0 : i32
          %cond3A_200 = arith.constant 0 : i32
          %cond3A_201 = arith.cmpi ne, %convert_element_type3A_199, %cond3A_200 : i32
          %cond3A_202 = scf.if %cond3A_201 -> (i1) {
            scf.yield %scan3A_197 : i1
          } else {
            %get3A_210 = arith.constant 0 : index
            %get3A_211 = tpu.vector_load %arg7[%get3A_210] {strides = array<i32>} : memref<16xf32, #tpu.memory_space<vmem>>, vector<16xf32>,
            %get3A_212 = vector.shape_cast %get3A_211 : vector<16xf32> to vector<16xf32>
            %bitcast_convert_type3A_213 = tpu.bitcast %get3A_212 : vector<16xf32> -> vector<16xi32>
            %or3A_214 = arith.ori %bitcast_convert_type3A_213, %scan3A_198 : vector<16xi32>
            %scan3A_215 = arith.constant 0 : i32
            %scan3A_216 = arith.constant 64 : i32
            %scan3A_217 = arith.addi %scan3A_215, %scan3A_216 : i32
            %scan3A_218 = arith.constant 16 : i32
            %scan3A_219 = scf.for %scan3A_281 = %scan3A_215 to %scan3A_217 step %scan3A_218 iter_args(%scan3A_282 = %broadcast_in_dim3A_10) -> (vector<16xf32>)  : i32 {
              %mul3A_283 = arith.constant 16 : i32
              %mul3A_284 = arith.muli %scan3A_281, %mul3A_283 : i32
              %get3A_285 = arith.index_cast %scan3A_56 : i32 to index
              %get3A_286 = arith.index_cast %mul3A_284 : i32 to index
              %get3A_287 = tpu.vector_load %arg5[%get3A_285, %get3A_286] {strides = array<i32>} : memref<16x1024xf32, #tpu.memory_space<vmem>>, vector<1x16xf32>,
              %get3A_288 = vector.shape_cast %get3A_287 : vector<1x16xf32> to vector<16xf32>
              %bitcast_convert_type3A_289 = tpu.bitcast %get3A_288 : vector<16xf32> -> vector<16xi32>
              %and3A_290 = arith.andi %bitcast_convert_type3A_289, %broadcast_in_dim3A_16 : vector<16xi32>
              %ge3A = arith.cmpi sge, %and3A_290, %or3A_214 : vector<16xi32>
              %select_n3A_291 = arith.select %ge3A, %broadcast_in_dim3A_12, %broadcast_in_dim3A_10 : vector<16xi1>, vector<16xf32>
              %add3A_292 = arith.addf %scan3A_282, %select_n3A_291 : vector<16xf32>
              %scan3A_293 = arith.constant 1 : i32
              %scan3A_294 = arith.addi %scan3A_281, %scan3A_293 : i32
              %mul3A_295 = arith.constant 16 : i32
              %mul3A_296 = arith.muli %scan3A_294, %mul3A_295 : i32
              %get3A_297 = arith.index_cast %scan3A_56 : i32 to index
              %get3A_298 = arith.index_cast %mul3A_296 : i32 to index
              %get3A_299 = tpu.vector_load %arg5[%get3A_297, %get3A_298] {strides = array<i32>} : memref<16x1024xf32, #tpu.memory_space<vmem>>, vector<1x16xf32>,
              %get3A_300 = vector.shape_cast %get3A_299 : vector<1x16xf32> to vector<16xf32>
              %bitcast_convert_type3A_301 = tpu.bitcast %get3A_300 : vector<16xf32> -> vector<16xi32>
              %and3A_302 = arith.andi %bitcast_convert_type3A_301, %broadcast_in_dim3A_16 : vector<16xi32>
              %ge3A_303 = arith.cmpi sge, %and3A_302, %or3A_214 : vector<16xi32>
              %select_n3A_304 = arith.select %ge3A_303, %broadcast_in_dim3A_12, %broadcast_in_dim3A_10 : vector<16xi1>, vector<16xf32>
              %add3A_305 = arith.addf %add3A_292, %select_n3A_304 : vector<16xf32>
              %scan3A_306 = arith.constant 2 : i32
              %scan3A_307 = arith.addi %scan3A_281, %scan3A_306 : i32
              %mul3A_308 = arith.constant 16 : i32
              %mul3A_309 = arith.muli %scan3A_307, %mul3A_308 : i32
              %get3A_310 = arith.index_cast %scan3A_56 : i32 to index
              %get3A_311 = arith.index_cast %mul3A_309 : i32 to index
              %get3A_312 = tpu.vector_load %arg5[%get3A_310, %get3A_311] {strides = array<i32>} : memref<16x1024xf32, #tpu.memory_space<vmem>>, vector<1x16xf32>,
              %get3A_313 = vector.shape_cast %get3A_312 : vector<1x16xf32> to vector<16xf32>
              %bitcast_convert_type3A_314 = tpu.bitcast %get3A_313 : vector<16xf32> -> vector<16xi32>
              %and3A_315 = arith.andi %bitcast_convert_type3A_314, %broadcast_in_dim3A_16 : vector<16xi32>
              %ge3A_316 = arith.cmpi sge, %and3A_315, %or3A_214 : vector<16xi32>
              %select_n3A_317 = arith.select %ge3A_316, %broadcast_in_dim3A_12, %broadcast_in_dim3A_10 : vector<16xi1>, vector<16xf32>
              %add3A_318 = arith.addf %add3A_305, %select_n3A_317 : vector<16xf32>
              %scan3A_319 = arith.constant 3 : i32
              %scan3A_320 = arith.addi %scan3A_281, %scan3A_319 : i32
              %mul3A_321 = arith.constant 16 : i32
              %mul3A_322 = arith.muli %scan3A_320, %mul3A_321 : i32
              %get3A_323 = arith.index_cast %scan3A_56 : i32 to index
              %get3A_324 = arith.index_cast %mul3A_322 : i32 to index
              %get3A_325 = tpu.vector_load %arg5[%get3A_323, %get3A_324] {strides = array<i32>} : memref<16x1024xf32, #tpu.memory_space<vmem>>, vector<1x16xf32>,
              %get3A_326 = vector.shape_cast %get3A_325 : vector<1x16xf32> to vector<16xf32>
              %bitcast_convert_type3A_327 = tpu.bitcast %get3A_326 : vector<16xf32> -> vector<16xi32>
              %and3A_328 = arith.andi %bitcast_convert_type3A_327, %broadcast_in_dim3A_16 : vector<16xi32>
              %ge3A_329 = arith.cmpi sge, %and3A_328, %or3A_214 : vector<16xi32>
              %select_n3A_330 = arith.select %ge3A_329, %broadcast_in_dim3A_12, %broadcast_in_dim3A_10 : vector<16xi1>, vector<16xf32>
              %add3A_331 = arith.addf %add3A_318, %select_n3A_330 : vector<16xf32>
              %scan3A_332 = arith.constant 4 : i32
              %scan3A_333 = arith.addi %scan3A_281, %scan3A_332 : i32
              %mul3A_334 = arith.constant 16 : i32
              %mul3A_335 = arith.muli %scan3A_333, %mul3A_334 : i32
              %get3A_336 = arith.index_cast %scan3A_56 : i32 to index
              %get3A_337 = arith.index_cast %mul3A_335 : i32 to index
              %get3A_338 = tpu.vector_load %arg5[%get3A_336, %get3A_337] {strides = array<i32>} : memref<16x1024xf32, #tpu.memory_space<vmem>>, vector<1x16xf32>,
              %get3A_339 = vector.shape_cast %get3A_338 : vector<1x16xf32> to vector<16xf32>
              %bitcast_convert_type3A_340 = tpu.bitcast %get3A_339 : vector<16xf32> -> vector<16xi32>
              %and3A_341 = arith.andi %bitcast_convert_type3A_340, %broadcast_in_dim3A_16 : vector<16xi32>
              %ge3A_342 = arith.cmpi sge, %and3A_341, %or3A_214 : vector<16xi32>
              %select_n3A_343 = arith.select %ge3A_342, %broadcast_in_dim3A_12, %broadcast_in_dim3A_10 : vector<16xi1>, vector<16xf32>
              %add3A_344 = arith.addf %add3A_331, %select_n3A_343 : vector<16xf32>
              %scan3A_345 = arith.constant 5 : i32
              %scan3A_346 = arith.addi %scan3A_281, %scan3A_345 : i32
              %mul3A_347 = arith.constant 16 : i32
              %mul3A_348 = arith.muli %scan3A_346, %mul3A_347 : i32
              %get3A_349 = arith.index_cast %scan3A_56 : i32 to index
              %get3A_350 = arith.index_cast %mul3A_348 : i32 to index
              %get3A_351 = tpu.vector_load %arg5[%get3A_349, %get3A_350] {strides = array<i32>} : memref<16x1024xf32, #tpu.memory_space<vmem>>, vector<1x16xf32>,
              %get3A_352 = vector.shape_cast %get3A_351 : vector<1x16xf32> to vector<16xf32>
              %bitcast_convert_type3A_353 = tpu.bitcast %get3A_352 : vector<16xf32> -> vector<16xi32>
              %and3A_354 = arith.andi %bitcast_convert_type3A_353, %broadcast_in_dim3A_16 : vector<16xi32>
              %ge3A_355 = arith.cmpi sge, %and3A_354, %or3A_214 : vector<16xi32>
              %select_n3A_356 = arith.select %ge3A_355, %broadcast_in_dim3A_12, %broadcast_in_dim3A_10 : vector<16xi1>, vector<16xf32>
              %add3A_357 = arith.addf %add3A_344, %select_n3A_356 : vector<16xf32>
              %scan3A_358 = arith.constant 6 : i32
              %scan3A_359 = arith.addi %scan3A_281, %scan3A_358 : i32
              %mul3A_360 = arith.constant 16 : i32
              %mul3A_361 = arith.muli %scan3A_359, %mul3A_360 : i32
              %get3A_362 = arith.index_cast %scan3A_56 : i32 to index
              %get3A_363 = arith.index_cast %mul3A_361 : i32 to index
              %get3A_364 = tpu.vector_load %arg5[%get3A_362, %get3A_363] {strides = array<i32>} : memref<16x1024xf32, #tpu.memory_space<vmem>>, vector<1x16xf32>,
              %get3A_365 = vector.shape_cast %get3A_364 : vector<1x16xf32> to vector<16xf32>
              %bitcast_convert_type3A_366 = tpu.bitcast %get3A_365 : vector<16xf32> -> vector<16xi32>
              %and3A_367 = arith.andi %bitcast_convert_type3A_366, %broadcast_in_dim3A_16 : vector<16xi32>
              %ge3A_368 = arith.cmpi sge, %and3A_367, %or3A_214 : vector<16xi32>
              %select_n3A_369 = arith.select %ge3A_368, %broadcast_in_dim3A_12, %broadcast_in_dim3A_10 : vector<16xi1>, vector<16xf32>
              %add3A_370 = arith.addf %add3A_357, %select_n3A_369 : vector<16xf32>
              %scan3A_371 = arith.constant 7 : i32
              %scan3A_372 = arith.addi %scan3A_281, %scan3A_371 : i32
              %mul3A_373 = arith.constant 16 : i32
              %mul3A_374 = arith.muli %scan3A_372, %mul3A_373 : i32
              %get3A_375 = arith.index_cast %scan3A_56 : i32 to index
              %get3A_376 = arith.index_cast %mul3A_374 : i32 to index
              %get3A_377 = tpu.vector_load %arg5[%get3A_375, %get3A_376] {strides = array<i32>} : memref<16x1024xf32, #tpu.memory_space<vmem>>, vector<1x16xf32>,
              %get3A_378 = vector.shape_cast %get3A_377 : vector<1x16xf32> to vector<16xf32>
              %bitcast_convert_type3A_379 = tpu.bitcast %get3A_378 : vector<16xf32> -> vector<16xi32>
              %and3A_380 = arith.andi %bitcast_convert_type3A_379, %broadcast_in_dim3A_16 : vector<16xi32>
              %ge3A_381 = arith.cmpi sge, %and3A_380, %or3A_214 : vector<16xi32>
              %select_n3A_382 = arith.select %ge3A_381, %broadcast_in_dim3A_12, %broadcast_in_dim3A_10 : vector<16xi1>, vector<16xf32>
              %add3A_383 = arith.addf %add3A_370, %select_n3A_382 : vector<16xf32>
              %scan3A_384 = arith.constant 8 : i32
              %scan3A_385 = arith.addi %scan3A_281, %scan3A_384 : i32
              %mul3A_386 = arith.constant 16 : i32
              %mul3A_387 = arith.muli %scan3A_385, %mul3A_386 : i32
              %get3A_388 = arith.index_cast %scan3A_56 : i32 to index
              %get3A_389 = arith.index_cast %mul3A_387 : i32 to index
              %get3A_390 = tpu.vector_load %arg5[%get3A_388, %get3A_389] {strides = array<i32>} : memref<16x1024xf32, #tpu.memory_space<vmem>>, vector<1x16xf32>,
              %get3A_391 = vector.shape_cast %get3A_390 : vector<1x16xf32> to vector<16xf32>
              %bitcast_convert_type3A_392 = tpu.bitcast %get3A_391 : vector<16xf32> -> vector<16xi32>
              %and3A_393 = arith.andi %bitcast_convert_type3A_392, %broadcast_in_dim3A_16 : vector<16xi32>
              %ge3A_394 = arith.cmpi sge, %and3A_393, %or3A_214 : vector<16xi32>
              %select_n3A_395 = arith.select %ge3A_394, %broadcast_in_dim3A_12, %broadcast_in_dim3A_10 : vector<16xi1>, vector<16xf32>
              %add3A_396 = arith.addf %add3A_383, %select_n3A_395 : vector<16xf32>
              %scan3A_397 = arith.constant 9 : i32
              %scan3A_398 = arith.addi %scan3A_281, %scan3A_397 : i32
              %mul3A_399 = arith.constant 16 : i32
              %mul3A_400 = arith.muli %scan3A_398, %mul3A_399 : i32
              %get3A_401 = arith.index_cast %scan3A_56 : i32 to index
              %get3A_402 = arith.index_cast %mul3A_400 : i32 to index
              %get3A_403 = tpu.vector_load %arg5[%get3A_401, %get3A_402] {strides = array<i32>} : memref<16x1024xf32, #tpu.memory_space<vmem>>, vector<1x16xf32>,
              %get3A_404 = vector.shape_cast %get3A_403 : vector<1x16xf32> to vector<16xf32>
              %bitcast_convert_type3A_405 = tpu.bitcast %get3A_404 : vector<16xf32> -> vector<16xi32>
              %and3A_406 = arith.andi %bitcast_convert_type3A_405, %broadcast_in_dim3A_16 : vector<16xi32>
              %ge3A_407 = arith.cmpi sge, %and3A_406, %or3A_214 : vector<16xi32>
              %select_n3A_408 = arith.select %ge3A_407, %broadcast_in_dim3A_12, %broadcast_in_dim3A_10 : vector<16xi1>, vector<16xf32>
              %add3A_409 = arith.addf %add3A_396, %select_n3A_408 : vector<16xf32>
              %scan3A_410 = arith.constant 10 : i32
              %scan3A_411 = arith.addi %scan3A_281, %scan3A_410 : i32
              %mul3A_412 = arith.constant 16 : i32
              %mul3A_413 = arith.muli %scan3A_411, %mul3A_412 : i32
              %get3A_414 = arith.index_cast %scan3A_56 : i32 to index
              %get3A_415 = arith.index_cast %mul3A_413 : i32 to index
              %get3A_416 = tpu.vector_load %arg5[%get3A_414, %get3A_415] {strides = array<i32>} : memref<16x1024xf32, #tpu.memory_space<vmem>>, vector<1x16xf32>,
              %get3A_417 = vector.shape_cast %get3A_416 : vector<1x16xf32> to vector<16xf32>
              %bitcast_convert_type3A_418 = tpu.bitcast %get3A_417 : vector<16xf32> -> vector<16xi32>
              %and3A_419 = arith.andi %bitcast_convert_type3A_418, %broadcast_in_dim3A_16 : vector<16xi32>
              %ge3A_420 = arith.cmpi sge, %and3A_419, %or3A_214 : vector<16xi32>
              %select_n3A_421 = arith.select %ge3A_420, %broadcast_in_dim3A_12, %broadcast_in_dim3A_10 : vector<16xi1>, vector<16xf32>
              %add3A_422 = arith.addf %add3A_409, %select_n3A_421 : vector<16xf32>
              %scan3A_423 = arith.constant 11 : i32
              %scan3A_424 = arith.addi %scan3A_281, %scan3A_423 : i32
              %mul3A_425 = arith.constant 16 : i32
              %mul3A_426 = arith.muli %scan3A_424, %mul3A_425 : i32
              %get3A_427 = arith.index_cast %scan3A_56 : i32 to index
              %get3A_428 = arith.index_cast %mul3A_426 : i32 to index
              %get3A_429 = tpu.vector_load %arg5[%get3A_427, %get3A_428] {strides = array<i32>} : memref<16x1024xf32, #tpu.memory_space<vmem>>, vector<1x16xf32>,
              %get3A_430 = vector.shape_cast %get3A_429 : vector<1x16xf32> to vector<16xf32>
              %bitcast_convert_type3A_431 = tpu.bitcast %get3A_430 : vector<16xf32> -> vector<16xi32>
              %and3A_432 = arith.andi %bitcast_convert_type3A_431, %broadcast_in_dim3A_16 : vector<16xi32>
              %ge3A_433 = arith.cmpi sge, %and3A_432, %or3A_214 : vector<16xi32>
              %select_n3A_434 = arith.select %ge3A_433, %broadcast_in_dim3A_12, %broadcast_in_dim3A_10 : vector<16xi1>, vector<16xf32>
              %add3A_435 = arith.addf %add3A_422, %select_n3A_434 : vector<16xf32>
              %scan3A_436 = arith.constant 12 : i32
              %scan3A_437 = arith.addi %scan3A_281, %scan3A_436 : i32
              %mul3A_438 = arith.constant 16 : i32
              %mul3A_439 = arith.muli %scan3A_437, %mul3A_438 : i32
              %get3A_440 = arith.index_cast %scan3A_56 : i32 to index
              %get3A_441 = arith.index_cast %mul3A_439 : i32 to index
              %get3A_442 = tpu.vector_load %arg5[%get3A_440, %get3A_441] {strides = array<i32>} : memref<16x1024xf32, #tpu.memory_space<vmem>>, vector<1x16xf32>,
              %get3A_443 = vector.shape_cast %get3A_442 : vector<1x16xf32> to vector<16xf32>
              %bitcast_convert_type3A_444 = tpu.bitcast %get3A_443 : vector<16xf32> -> vector<16xi32>
              %and3A_445 = arith.andi %bitcast_convert_type3A_444, %broadcast_in_dim3A_16 : vector<16xi32>
              %ge3A_446 = arith.cmpi sge, %and3A_445, %or3A_214 : vector<16xi32>
              %select_n3A_447 = arith.select %ge3A_446, %broadcast_in_dim3A_12, %broadcast_in_dim3A_10 : vector<16xi1>, vector<16xf32>
              %add3A_448 = arith.addf %add3A_435, %select_n3A_447 : vector<16xf32>
              %scan3A_449 = arith.constant 13 : i32
              %scan3A_450 = arith.addi %scan3A_281, %scan3A_449 : i32
              %mul3A_451 = arith.constant 16 : i32
              %mul3A_452 = arith.muli %scan3A_450, %mul3A_451 : i32
              %get3A_453 = arith.index_cast %scan3A_56 : i32 to index
              %get3A_454 = arith.index_cast %mul3A_452 : i32 to index
              %get3A_455 = tpu.vector_load %arg5[%get3A_453, %get3A_454] {strides = array<i32>} : memref<16x1024xf32, #tpu.memory_space<vmem>>, vector<1x16xf32>,
              %get3A_456 = vector.shape_cast %get3A_455 : vector<1x16xf32> to vector<16xf32>
              %bitcast_convert_type3A_457 = tpu.bitcast %get3A_456 : vector<16xf32> -> vector<16xi32>
              %and3A_458 = arith.andi %bitcast_convert_type3A_457, %broadcast_in_dim3A_16 : vector<16xi32>
              %ge3A_459 = arith.cmpi sge, %and3A_458, %or3A_214 : vector<16xi32>
              %select_n3A_460 = arith.select %ge3A_459, %broadcast_in_dim3A_12, %broadcast_in_dim3A_10 : vector<16xi1>, vector<16xf32>
              %add3A_461 = arith.addf %add3A_448, %select_n3A_460 : vector<16xf32>
              %scan3A_462 = arith.constant 14 : i32
              %scan3A_463 = arith.addi %scan3A_281, %scan3A_462 : i32
              %mul3A_464 = arith.constant 16 : i32
              %mul3A_465 = arith.muli %scan3A_463, %mul3A_464 : i32
              %get3A_466 = arith.index_cast %scan3A_56 : i32 to index
              %get3A_467 = arith.index_cast %mul3A_465 : i32 to index
              %get3A_468 = tpu.vector_load %arg5[%get3A_466, %get3A_467] {strides = array<i32>} : memref<16x1024xf32, #tpu.memory_space<vmem>>, vector<1x16xf32>,
              %get3A_469 = vector.shape_cast %get3A_468 : vector<1x16xf32> to vector<16xf32>
              %bitcast_convert_type3A_470 = tpu.bitcast %get3A_469 : vector<16xf32> -> vector<16xi32>
              %and3A_471 = arith.andi %bitcast_convert_type3A_470, %broadcast_in_dim3A_16 : vector<16xi32>
              %ge3A_472 = arith.cmpi sge, %and3A_471, %or3A_214 : vector<16xi32>
              %select_n3A_473 = arith.select %ge3A_472, %broadcast_in_dim3A_12, %broadcast_in_dim3A_10 : vector<16xi1>, vector<16xf32>
              %add3A_474 = arith.addf %add3A_461, %select_n3A_473 : vector<16xf32>
              %scan3A_475 = arith.constant 15 : i32
              %scan3A_476 = arith.addi %scan3A_281, %scan3A_475 : i32
              %mul3A_477 = arith.constant 16 : i32
              %mul3A_478 = arith.muli %scan3A_476, %mul3A_477 : i32
              %get3A_479 = arith.index_cast %scan3A_56 : i32 to index
              %get3A_480 = arith.index_cast %mul3A_478 : i32 to index
              %get3A_481 = tpu.vector_load %arg5[%get3A_479, %get3A_480] {strides = array<i32>} : memref<16x1024xf32, #tpu.memory_space<vmem>>, vector<1x16xf32>,
              %get3A_482 = vector.shape_cast %get3A_481 : vector<1x16xf32> to vector<16xf32>
              %bitcast_convert_type3A_483 = tpu.bitcast %get3A_482 : vector<16xf32> -> vector<16xi32>
              %and3A_484 = arith.andi %bitcast_convert_type3A_483, %broadcast_in_dim3A_16 : vector<16xi32>
              %ge3A_485 = arith.cmpi sge, %and3A_484, %or3A_214 : vector<16xi32>
              %select_n3A_486 = arith.select %ge3A_485, %broadcast_in_dim3A_12, %broadcast_in_dim3A_10 : vector<16xi1>, vector<16xf32>
              %add3A_487 = arith.addf %add3A_474, %select_n3A_486 : vector<16xf32>
              scf.yield %add3A_487 : vector<16xf32>
            }
            %scan3A_220 = arith.constant 64 : i32
            %lt3A_221 = arith.constant 0 : i32
            %lt3A_222 = vector.broadcast %lt3A_221 : i32 to vector<16xi32>
            %lt3A_223 = arith.cmpi slt, %xor3A_26, %lt3A_222 : vector<16xi32>
            %add3A_224 = arith.constant 16 : i32
            %add3A_225 = vector.broadcast %add3A_224 : i32 to vector<16xi32>
            %add3A_226 = arith.addi %xor3A_26, %add3A_225 : vector<16xi32>
            %select_n3A_227 = arith.select %lt3A_223, %add3A_226, %xor3A_26 : vector<16xi1>, vector<16xi32>
            %broadcast_in_dim3A_228 = vector.shape_cast %select_n3A_227 : vector<16xi32> to vector<16x1xi32>
            %gather3A_229 = vector.shape_cast %broadcast_in_dim3A_228 : vector<16x1xi32> to vector<16xi32>
            %gather3A_230 = tpu.dynamic_gather %scan3A_219[%gather3A_229] in [0] : vector<16xf32>, vector<16xi32> -> vector<16xf32>
            %add3A_231 = arith.addf %scan3A_219, %gather3A_230 : vector<16xf32>
            %lt3A_232 = arith.constant 0 : i32
            %lt3A_233 = vector.broadcast %lt3A_232 : i32 to vector<16xi32>
            %lt3A_234 = arith.cmpi slt, %xor3A_29, %lt3A_233 : vector<16xi32>
            %add3A_235 = arith.constant 16 : i32
            %add3A_236 = vector.broadcast %add3A_235 : i32 to vector<16xi32>
            %add3A_237 = arith.addi %xor3A_29, %add3A_236 : vector<16xi32>
            %select_n3A_238 = arith.select %lt3A_234, %add3A_237, %xor3A_29 : vector<16xi1>, vector<16xi32>
            %broadcast_in_dim3A_239 = vector.shape_cast %select_n3A_238 : vector<16xi32> to vector<16x1xi32>
            %gather3A_240 = vector.shape_cast %broadcast_in_dim3A_239 : vector<16x1xi32> to vector<16xi32>
            %gather3A_241 = tpu.dynamic_gather %add3A_231[%gather3A_240] in [0] : vector<16xf32>, vector<16xi32> -> vector<16xf32>
            %add3A_242 = arith.addf %add3A_231, %gather3A_241 : vector<16xf32>
            %lt3A_243 = arith.constant 0 : i32
            %lt3A_244 = vector.broadcast %lt3A_243 : i32 to vector<16xi32>
            %lt3A_245 = arith.cmpi slt, %xor3A_32, %lt3A_244 : vector<16xi32>
            %add3A_246 = arith.constant 16 : i32
            %add3A_247 = vector.broadcast %add3A_246 : i32 to vector<16xi32>
            %add3A_248 = arith.addi %xor3A_32, %add3A_247 : vector<16xi32>
            %select_n3A_249 = arith.select %lt3A_245, %add3A_248, %xor3A_32 : vector<16xi1>, vector<16xi32>
            %broadcast_in_dim3A_250 = vector.shape_cast %select_n3A_249 : vector<16xi32> to vector<16x1xi32>
            %gather3A_251 = vector.shape_cast %broadcast_in_dim3A_250 : vector<16x1xi32> to vector<16xi32>
            %gather3A_252 = tpu.dynamic_gather %add3A_242[%gather3A_251] in [0] : vector<16xf32>, vector<16xi32> -> vector<16xf32>
            %add3A_253 = arith.addf %add3A_242, %gather3A_252 : vector<16xf32>
            %lt3A_254 = arith.constant 0 : i32
            %lt3A_255 = vector.broadcast %lt3A_254 : i32 to vector<16xi32>
            %lt3A_256 = arith.cmpi slt, %xor3A_35, %lt3A_255 : vector<16xi32>
            %add3A_257 = arith.constant 16 : i32
            %add3A_258 = vector.broadcast %add3A_257 : i32 to vector<16xi32>
            %add3A_259 = arith.addi %xor3A_35, %add3A_258 : vector<16xi32>
            %select_n3A_260 = arith.select %lt3A_256, %add3A_259, %xor3A_35 : vector<16xi1>, vector<16xi32>
            %broadcast_in_dim3A_261 = vector.shape_cast %select_n3A_260 : vector<16xi32> to vector<16x1xi32>
            %gather3A_262 = vector.shape_cast %broadcast_in_dim3A_261 : vector<16x1xi32> to vector<16xi32>
            %gather3A_263 = tpu.dynamic_gather %add3A_253[%gather3A_262] in [0] : vector<16xf32>, vector<16xi32> -> vector<16xf32>
            %add3A_264 = arith.addf %add3A_253, %gather3A_263 : vector<16xf32>
            %sub3A_265 = arith.subf %add3A_264, %broadcast_in_dim3A_14 : vector<16xf32>
            %add3A_266 = arith.addf %sub3A_265, %broadcast_in_dim3A_12 : vector<16xf32>
            %max3A_267 = arith.maximumf %add3A_266, %broadcast_in_dim3A_10 : vector<16xf32>
            %min3A_268 = arith.minimumf %max3A_267, %broadcast_in_dim3A_12 : vector<16xf32>
            %convert_element_type3A_269 = arith.fptosi %min3A_268 : vector<16xf32> to vector<16xi32>
            %sub3A_270 = arith.subi %broadcast_in_dim3A_8, %convert_element_type3A_269 : vector<16xi32>
            %and3A_271 = arith.andi %scan3A_198, %sub3A_270 : vector<16xi32>
            %or3A_272 = arith.ori %bitcast_convert_type3A_213, %and3A_271 : vector<16xi32>
            %bitcast_convert_type3A_273 = tpu.bitcast %or3A_272 : vector<16xi32> -> vector<16xf32>
            %swap3A_274 = arith.constant 0 : index
            %swap3A_275 = tpu.vector_load %arg7[%swap3A_274] {strides = array<i32>} : memref<16xf32, #tpu.memory_space<vmem>>, vector<16xf32>,
            %swap3A_276 = vector.shape_cast %swap3A_275 : vector<16xf32> to vector<16xf32>
            %swap3A_277 = vector.shape_cast %bitcast_convert_type3A_273 : vector<16xf32> to vector<16xf32>
            tpu.vector_store %arg7[%swap3A_274], %swap3A_277 {strides = array<i32>} : memref<16xf32, #tpu.memory_space<vmem>>, vector<16xf32>,
            %slice3A_278 = vector.extract_strided_slice %add3A_264 {offsets = [0], sizes = [1], strides = [1]} : vector<16xf32> to vector<1xf32>
            %squeeze3A_279 = vector.extract %slice3A_278[0] : f32 from vector<1xf32>
            %eq3A_280 = arith.cmpf oeq, %squeeze3A_279, %scan3A : f32
            scf.yield %eq3A_280 : i1
          }
          %slice3A_203 = vector.extract_strided_slice %scan3A_198 {offsets = [0], sizes = [1], strides = [1]} : vector<16xi32> to vector<1xi32>
          %squeeze3A_204 = vector.extract %slice3A_203[0] : i32 from vector<1xi32>
          %eq3A_205 = arith.constant 1 : i32
          %eq3A_206 = arith.cmpi eq, %squeeze3A_204, %eq3A_205 : i32
          %or3A_207 = arith.ori %cond3A_202, %eq3A_206 : i1
          %shift_right_arithmetic3A = arith.constant 1 : i32
          %shift_right_arithmetic3A_208 = vector.broadcast %shift_right_arithmetic3A : i32 to vector<16xi32>
          %shift_right_arithmetic3A_209 = arith.shrsi %scan3A_198, %shift_right_arithmetic3A_208 : vector<16xi32>
          scf.yield %or3A_207, %shift_right_arithmetic3A_209 : i1, vector<16xi32>
        }
        %scan3A_183 = arith.constant 30 : i32
        %get3A_184 = arith.constant 0 : index
        %get3A_185 = tpu.vector_load %arg7[%get3A_184] {strides = array<i32>} : memref<16xf32, #tpu.memory_space<vmem>>, vector<16xf32>,
        %get3A_186 = vector.shape_cast %get3A_185 : vector<16xf32> to vector<16xf32>
        %bitcast_convert_type3A_187 = tpu.bitcast %get3A_186 : vector<16xf32> -> vector<16xi32>
        %scan3A_188 = arith.constant 0 : i32
        %scan3A_189 = arith.constant 0 : i32
        %scan3A_190 = arith.constant 64 : i32
        %scan3A_191 = arith.addi %scan3A_189, %scan3A_190 : i32
        %scan3A_192 = arith.constant 16 : i32
        %scan3A_193 = scf.for %scan3A_196 = %scan3A_189 to %scan3A_191 step %scan3A_192 iter_args(%scan3A_197 = %scan3A_188) -> (i32)  : i32 {
          %mul3A_198 = arith.constant 16 : i32
          %mul3A_199 = arith.muli %scan3A_196, %mul3A_198 : i32
          %get3A_200 = arith.index_cast %scan3A_56 : i32 to index
          %get3A_201 = arith.index_cast %mul3A_199 : i32 to index
          %get3A_202 = tpu.vector_load %arg5[%get3A_200, %get3A_201] {strides = array<i32>} : memref<16x1024xf32, #tpu.memory_space<vmem>>, vector<1x16xf32>,
          %get3A_203 = vector.shape_cast %get3A_202 : vector<1x16xf32> to vector<16xf32>
          %bitcast_convert_type3A_204 = tpu.bitcast %get3A_203 : vector<16xf32> -> vector<16xi32>
          %and3A_205 = arith.andi %bitcast_convert_type3A_204, %broadcast_in_dim3A_16 : vector<16xi32>
          %ge3A = arith.cmpi sge, %and3A_205, %bitcast_convert_type3A_187 : vector<16xi32>
          %select_n3A_206 = arith.select %ge3A, %get3A_203, %broadcast_in_dim3A_10 : vector<16xi1>, vector<16xf32>
          %mul3A_207 = arith.mulf %select_n3A_206, %get3A_4 : vector<16xf32>
          %mul3A_208 = arith.mulf %get3A_203, %get3A_7 : vector<16xf32>
          %add3A_209 = arith.addf %mul3A_207, %mul3A_208 : vector<16xf32>
          %mul3A_210 = arith.constant 16 : i32
          %mul3A_211 = arith.muli %scan3A_196, %mul3A_210 : i32
          %swap3A_212 = arith.index_cast %scan3A_56 : i32 to index
          %swap3A_213 = arith.index_cast %mul3A_211 : i32 to index
          %swap3A_214 = tpu.vector_load %arg5[%swap3A_212, %swap3A_213] {strides = array<i32>} : memref<16x1024xf32, #tpu.memory_space<vmem>>, vector<1x16xf32>,
          %swap3A_215 = vector.shape_cast %swap3A_214 : vector<1x16xf32> to vector<16xf32>
          %swap3A_216 = vector.shape_cast %add3A_209 : vector<16xf32> to vector<1x16xf32>
          tpu.vector_store %arg5[%swap3A_212, %swap3A_213], %swap3A_216 {strides = array<i32>} : memref<16x1024xf32, #tpu.memory_space<vmem>>, vector<1x16xf32>,
          %scan3A_217 = arith.constant 0 : i32
          %scan3A_218 = arith.constant 1 : i32
          %scan3A_219 = arith.addi %scan3A_196, %scan3A_218 : i32
          %mul3A_220 = arith.constant 16 : i32
          %mul3A_221 = arith.muli %scan3A_219, %mul3A_220 : i32
          %get3A_222 = arith.index_cast %scan3A_56 : i32 to index
          %get3A_223 = arith.index_cast %mul3A_221 : i32 to index
          %get3A_224 = tpu.vector_load %arg5[%get3A_222, %get3A_223] {strides = array<i32>} : memref<16x1024xf32, #tpu.memory_space<vmem>>, vector<1x16xf32>,
          %get3A_225 = vector.shape_cast %get3A_224 : vector<1x16xf32> to vector<16xf32>
          %bitcast_convert_type3A_226 = tpu.bitcast %get3A_225 : vector<16xf32> -> vector<16xi32>
          %and3A_227 = arith.andi %bitcast_convert_type3A_226, %broadcast_in_dim3A_16 : vector<16xi32>
          %ge3A_228 = arith.cmpi sge, %and3A_227, %bitcast_convert_type3A_187 : vector<16xi32>
          %select_n3A_229 = arith.select %ge3A_228, %get3A_225, %broadcast_in_dim3A_10 : vector<16xi1>, vector<16xf32>
          %mul3A_230 = arith.mulf %select_n3A_229, %get3A_4 : vector<16xf32>
          %mul3A_231 = arith.mulf %get3A_225, %get3A_7 : vector<16xf32>
          %add3A_232 = arith.addf %mul3A_230, %mul3A_231 : vector<16xf32>
          %mul3A_233 = arith.constant 16 : i32
          %mul3A_234 = arith.muli %scan3A_219, %mul3A_233 : i32
          %swap3A_235 = arith.index_cast %scan3A_56 : i32 to index
          %swap3A_236 = arith.index_cast %mul3A_234 : i32 to index
          %swap3A_237 = tpu.vector_load %arg5[%swap3A_235, %swap3A_236] {strides = array<i32>} : memref<16x1024xf32, #tpu.memory_space<vmem>>, vector<1x16xf32>,
          %swap3A_238 = vector.shape_cast %swap3A_237 : vector<1x16xf32> to vector<16xf32>
          %swap3A_239 = vector.shape_cast %add3A_232 : vector<16xf32> to vector<1x16xf32>
          tpu.vector_store %arg5[%swap3A_235, %swap3A_236], %swap3A_239 {strides = array<i32>} : memref<16x1024xf32, #tpu.memory_space<vmem>>, vector<1x16xf32>,
          %scan3A_240 = arith.constant 0 : i32
          %scan3A_241 = arith.constant 2 : i32
          %scan3A_242 = arith.addi %scan3A_196, %scan3A_241 : i32
          %mul3A_243 = arith.constant 16 : i32
          %mul3A_244 = arith.muli %scan3A_242, %mul3A_243 : i32
          %get3A_245 = arith.index_cast %scan3A_56 : i32 to index
          %get3A_246 = arith.index_cast %mul3A_244 : i32 to index
          %get3A_247 = tpu.vector_load %arg5[%get3A_245, %get3A_246] {strides = array<i32>} : memref<16x1024xf32, #tpu.memory_space<vmem>>, vector<1x16xf32>,
          %get3A_248 = vector.shape_cast %get3A_247 : vector<1x16xf32> to vector<16xf32>
          %bitcast_convert_type3A_249 = tpu.bitcast %get3A_248 : vector<16xf32> -> vector<16xi32>
          %and3A_250 = arith.andi %bitcast_convert_type3A_249, %broadcast_in_dim3A_16 : vector<16xi32>
          %ge3A_251 = arith.cmpi sge, %and3A_250, %bitcast_convert_type3A_187 : vector<16xi32>
          %select_n3A_252 = arith.select %ge3A_251, %get3A_248, %broadcast_in_dim3A_10 : vector<16xi1>, vector<16xf32>
          %mul3A_253 = arith.mulf %select_n3A_252, %get3A_4 : vector<16xf32>
          %mul3A_254 = arith.mulf %get3A_248, %get3A_7 : vector<16xf32>
          %add3A_255 = arith.addf %mul3A_253, %mul3A_254 : vector<16xf32>
          %mul3A_256 = arith.constant 16 : i32
          %mul3A_257 = arith.muli %scan3A_242, %mul3A_256 : i32
          %swap3A_258 = arith.index_cast %scan3A_56 : i32 to index
          %swap3A_259 = arith.index_cast %mul3A_257 : i32 to index
          %swap3A_260 = tpu.vector_load %arg5[%swap3A_258, %swap3A_259] {strides = array<i32>} : memref<16x1024xf32, #tpu.memory_space<vmem>>, vector<1x16xf32>,
          %swap3A_261 = vector.shape_cast %swap3A_260 : vector<1x16xf32> to vector<16xf32>
          %swap3A_262 = vector.shape_cast %add3A_255 : vector<16xf32> to vector<1x16xf32>
          tpu.vector_store %arg5[%swap3A_258, %swap3A_259], %swap3A_262 {strides = array<i32>} : memref<16x1024xf32, #tpu.memory_space<vmem>>, vector<1x16xf32>,
          %scan3A_263 = arith.constant 0 : i32
          %scan3A_264 = arith.constant 3 : i32
          %scan3A_265 = arith.addi %scan3A_196, %scan3A_264 : i32
          %mul3A_266 = arith.constant 16 : i32
          %mul3A_267 = arith.muli %scan3A_265, %mul3A_266 : i32
          %get3A_268 = arith.index_cast %scan3A_56 : i32 to index
          %get3A_269 = arith.index_cast %mul3A_267 : i32 to index
          %get3A_270 = tpu.vector_load %arg5[%get3A_268, %get3A_269] {strides = array<i32>} : memref<16x1024xf32, #tpu.memory_space<vmem>>, vector<1x16xf32>,
          %get3A_271 = vector.shape_cast %get3A_270 : vector<1x16xf32> to vector<16xf32>
          %bitcast_convert_type3A_272 = tpu.bitcast %get3A_271 : vector<16xf32> -> vector<16xi32>
          %and3A_273 = arith.andi %bitcast_convert_type3A_272, %broadcast_in_dim3A_16 : vector<16xi32>
          %ge3A_274 = arith.cmpi sge, %and3A_273, %bitcast_convert_type3A_187 : vector<16xi32>
          %select_n3A_275 = arith.select %ge3A_274, %get3A_271, %broadcast_in_dim3A_10 : vector<16xi1>, vector<16xf32>
          %mul3A_276 = arith.mulf %select_n3A_275, %get3A_4 : vector<16xf32>
          %mul3A_277 = arith.mulf %get3A_271, %get3A_7 : vector<16xf32>
          %add3A_278 = arith.addf %mul3A_276, %mul3A_277 : vector<16xf32>
          %mul3A_279 = arith.constant 16 : i32
          %mul3A_280 = arith.muli %scan3A_265, %mul3A_279 : i32
          %swap3A_281 = arith.index_cast %scan3A_56 : i32 to index
          %swap3A_282 = arith.index_cast %mul3A_280 : i32 to index
          %swap3A_283 = tpu.vector_load %arg5[%swap3A_281, %swap3A_282] {strides = array<i32>} : memref<16x1024xf32, #tpu.memory_space<vmem>>, vector<1x16xf32>,
          %swap3A_284 = vector.shape_cast %swap3A_283 : vector<1x16xf32> to vector<16xf32>
          %swap3A_285 = vector.shape_cast %add3A_278 : vector<16xf32> to vector<1x16xf32>
          tpu.vector_store %arg5[%swap3A_281, %swap3A_282], %swap3A_285 {strides = array<i32>} : memref<16x1024xf32, #tpu.memory_space<vmem>>, vector<1x16xf32>,
          %scan3A_286 = arith.constant 0 : i32
          %scan3A_287 = arith.constant 4 : i32
          %scan3A_288 = arith.addi %scan3A_196, %scan3A_287 : i32
          %mul3A_289 = arith.constant 16 : i32
          %mul3A_290 = arith.muli %scan3A_288, %mul3A_289 : i32
          %get3A_291 = arith.index_cast %scan3A_56 : i32 to index
          %get3A_292 = arith.index_cast %mul3A_290 : i32 to index
          %get3A_293 = tpu.vector_load %arg5[%get3A_291, %get3A_292] {strides = array<i32>} : memref<16x1024xf32, #tpu.memory_space<vmem>>, vector<1x16xf32>,
          %get3A_294 = vector.shape_cast %get3A_293 : vector<1x16xf32> to vector<16xf32>
          %bitcast_convert_type3A_295 = tpu.bitcast %get3A_294 : vector<16xf32> -> vector<16xi32>
          %and3A_296 = arith.andi %bitcast_convert_type3A_295, %broadcast_in_dim3A_16 : vector<16xi32>
          %ge3A_297 = arith.cmpi sge, %and3A_296, %bitcast_convert_type3A_187 : vector<16xi32>
          %select_n3A_298 = arith.select %ge3A_297, %get3A_294, %broadcast_in_dim3A_10 : vector<16xi1>, vector<16xf32>
          %mul3A_299 = arith.mulf %select_n3A_298, %get3A_4 : vector<16xf32>
          %mul3A_300 = arith.mulf %get3A_294, %get3A_7 : vector<16xf32>
          %add3A_301 = arith.addf %mul3A_299, %mul3A_300 : vector<16xf32>
          %mul3A_302 = arith.constant 16 : i32
          %mul3A_303 = arith.muli %scan3A_288, %mul3A_302 : i32
          %swap3A_304 = arith.index_cast %scan3A_56 : i32 to index
          %swap3A_305 = arith.index_cast %mul3A_303 : i32 to index
          %swap3A_306 = tpu.vector_load %arg5[%swap3A_304, %swap3A_305] {strides = array<i32>} : memref<16x1024xf32, #tpu.memory_space<vmem>>, vector<1x16xf32>,
          %swap3A_307 = vector.shape_cast %swap3A_306 : vector<1x16xf32> to vector<16xf32>
          %swap3A_308 = vector.shape_cast %add3A_301 : vector<16xf32> to vector<1x16xf32>
          tpu.vector_store %arg5[%swap3A_304, %swap3A_305], %swap3A_308 {strides = array<i32>} : memref<16x1024xf32, #tpu.memory_space<vmem>>, vector<1x16xf32>,
          %scan3A_309 = arith.constant 0 : i32
          %scan3A_310 = arith.constant 5 : i32
          %scan3A_311 = arith.addi %scan3A_196, %scan3A_310 : i32
          %mul3A_312 = arith.constant 16 : i32
          %mul3A_313 = arith.muli %scan3A_311, %mul3A_312 : i32
          %get3A_314 = arith.index_cast %scan3A_56 : i32 to index
          %get3A_315 = arith.index_cast %mul3A_313 : i32 to index
          %get3A_316 = tpu.vector_load %arg5[%get3A_314, %get3A_315] {strides = array<i32>} : memref<16x1024xf32, #tpu.memory_space<vmem>>, vector<1x16xf32>,
          %get3A_317 = vector.shape_cast %get3A_316 : vector<1x16xf32> to vector<16xf32>
          %bitcast_convert_type3A_318 = tpu.bitcast %get3A_317 : vector<16xf32> -> vector<16xi32>
          %and3A_319 = arith.andi %bitcast_convert_type3A_318, %broadcast_in_dim3A_16 : vector<16xi32>
          %ge3A_320 = arith.cmpi sge, %and3A_319, %bitcast_convert_type3A_187 : vector<16xi32>
          %select_n3A_321 = arith.select %ge3A_320, %get3A_317, %broadcast_in_dim3A_10 : vector<16xi1>, vector<16xf32>
          %mul3A_322 = arith.mulf %select_n3A_321, %get3A_4 : vector<16xf32>
          %mul3A_323 = arith.mulf %get3A_317, %get3A_7 : vector<16xf32>
          %add3A_324 = arith.addf %mul3A_322, %mul3A_323 : vector<16xf32>
          %mul3A_325 = arith.constant 16 : i32
          %mul3A_326 = arith.muli %scan3A_311, %mul3A_325 : i32
          %swap3A_327 = arith.index_cast %scan3A_56 : i32 to index
          %swap3A_328 = arith.index_cast %mul3A_326 : i32 to index
          %swap3A_329 = tpu.vector_load %arg5[%swap3A_327, %swap3A_328] {strides = array<i32>} : memref<16x1024xf32, #tpu.memory_space<vmem>>, vector<1x16xf32>,
          %swap3A_330 = vector.shape_cast %swap3A_329 : vector<1x16xf32> to vector<16xf32>
          %swap3A_331 = vector.shape_cast %add3A_324 : vector<16xf32> to vector<1x16xf32>
          tpu.vector_store %arg5[%swap3A_327, %swap3A_328], %swap3A_331 {strides = array<i32>} : memref<16x1024xf32, #tpu.memory_space<vmem>>, vector<1x16xf32>,
          %scan3A_332 = arith.constant 0 : i32
          %scan3A_333 = arith.constant 6 : i32
          %scan3A_334 = arith.addi %scan3A_196, %scan3A_333 : i32
          %mul3A_335 = arith.constant 16 : i32
          %mul3A_336 = arith.muli %scan3A_334, %mul3A_335 : i32
          %get3A_337 = arith.index_cast %scan3A_56 : i32 to index
          %get3A_338 = arith.index_cast %mul3A_336 : i32 to index
          %get3A_339 = tpu.vector_load %arg5[%get3A_337, %get3A_338] {strides = array<i32>} : memref<16x1024xf32, #tpu.memory_space<vmem>>, vector<1x16xf32>,
          %get3A_340 = vector.shape_cast %get3A_339 : vector<1x16xf32> to vector<16xf32>
          %bitcast_convert_type3A_341 = tpu.bitcast %get3A_340 : vector<16xf32> -> vector<16xi32>
          %and3A_342 = arith.andi %bitcast_convert_type3A_341, %broadcast_in_dim3A_16 : vector<16xi32>
          %ge3A_343 = arith.cmpi sge, %and3A_342, %bitcast_convert_type3A_187 : vector<16xi32>
          %select_n3A_344 = arith.select %ge3A_343, %get3A_340, %broadcast_in_dim3A_10 : vector<16xi1>, vector<16xf32>
          %mul3A_345 = arith.mulf %select_n3A_344, %get3A_4 : vector<16xf32>
          %mul3A_346 = arith.mulf %get3A_340, %get3A_7 : vector<16xf32>
          %add3A_347 = arith.addf %mul3A_345, %mul3A_346 : vector<16xf32>
          %mul3A_348 = arith.constant 16 : i32
          %mul3A_349 = arith.muli %scan3A_334, %mul3A_348 : i32
          %swap3A_350 = arith.index_cast %scan3A_56 : i32 to index
          %swap3A_351 = arith.index_cast %mul3A_349 : i32 to index
          %swap3A_352 = tpu.vector_load %arg5[%swap3A_350, %swap3A_351] {strides = array<i32>} : memref<16x1024xf32, #tpu.memory_space<vmem>>, vector<1x16xf32>,
          %swap3A_353 = vector.shape_cast %swap3A_352 : vector<1x16xf32> to vector<16xf32>
          %swap3A_354 = vector.shape_cast %add3A_347 : vector<16xf32> to vector<1x16xf32>
          tpu.vector_store %arg5[%swap3A_350, %swap3A_351], %swap3A_354 {strides = array<i32>} : memref<16x1024xf32, #tpu.memory_space<vmem>>, vector<1x16xf32>,
          %scan3A_355 = arith.constant 0 : i32
          %scan3A_356 = arith.constant 7 : i32
          %scan3A_357 = arith.addi %scan3A_196, %scan3A_356 : i32
          %mul3A_358 = arith.constant 16 : i32
          %mul3A_359 = arith.muli %scan3A_357, %mul3A_358 : i32
          %get3A_360 = arith.index_cast %scan3A_56 : i32 to index
          %get3A_361 = arith.index_cast %mul3A_359 : i32 to index
          %get3A_362 = tpu.vector_load %arg5[%get3A_360, %get3A_361] {strides = array<i32>} : memref<16x1024xf32, #tpu.memory_space<vmem>>, vector<1x16xf32>,
          %get3A_363 = vector.shape_cast %get3A_362 : vector<1x16xf32> to vector<16xf32>
          %bitcast_convert_type3A_364 = tpu.bitcast %get3A_363 : vector<16xf32> -> vector<16xi32>
          %and3A_365 = arith.andi %bitcast_convert_type3A_364, %broadcast_in_dim3A_16 : vector<16xi32>
          %ge3A_366 = arith.cmpi sge, %and3A_365, %bitcast_convert_type3A_187 : vector<16xi32>
          %select_n3A_367 = arith.select %ge3A_366, %get3A_363, %broadcast_in_dim3A_10 : vector<16xi1>, vector<16xf32>
          %mul3A_368 = arith.mulf %select_n3A_367, %get3A_4 : vector<16xf32>
          %mul3A_369 = arith.mulf %get3A_363, %get3A_7 : vector<16xf32>
          %add3A_370 = arith.addf %mul3A_368, %mul3A_369 : vector<16xf32>
          %mul3A_371 = arith.constant 16 : i32
          %mul3A_372 = arith.muli %scan3A_357, %mul3A_371 : i32
          %swap3A_373 = arith.index_cast %scan3A_56 : i32 to index
          %swap3A_374 = arith.index_cast %mul3A_372 : i32 to index
          %swap3A_375 = tpu.vector_load %arg5[%swap3A_373, %swap3A_374] {strides = array<i32>} : memref<16x1024xf32, #tpu.memory_space<vmem>>, vector<1x16xf32>,
          %swap3A_376 = vector.shape_cast %swap3A_375 : vector<1x16xf32> to vector<16xf32>
          %swap3A_377 = vector.shape_cast %add3A_370 : vector<16xf32> to vector<1x16xf32>
          tpu.vector_store %arg5[%swap3A_373, %swap3A_374], %swap3A_377 {strides = array<i32>} : memref<16x1024xf32, #tpu.memory_space<vmem>>, vector<1x16xf32>,
          %scan3A_378 = arith.constant 0 : i32
          %scan3A_379 = arith.constant 8 : i32
          %scan3A_380 = arith.addi %scan3A_196, %scan3A_379 : i32
          %mul3A_381 = arith.constant 16 : i32
          %mul3A_382 = arith.muli %scan3A_380, %mul3A_381 : i32
          %get3A_383 = arith.index_cast %scan3A_56 : i32 to index
          %get3A_384 = arith.index_cast %mul3A_382 : i32 to index
          %get3A_385 = tpu.vector_load %arg5[%get3A_383, %get3A_384] {strides = array<i32>} : memref<16x1024xf32, #tpu.memory_space<vmem>>, vector<1x16xf32>,
          %get3A_386 = vector.shape_cast %get3A_385 : vector<1x16xf32> to vector<16xf32>
          %bitcast_convert_type3A_387 = tpu.bitcast %get3A_386 : vector<16xf32> -> vector<16xi32>
          %and3A_388 = arith.andi %bitcast_convert_type3A_387, %broadcast_in_dim3A_16 : vector<16xi32>
          %ge3A_389 = arith.cmpi sge, %and3A_388, %bitcast_convert_type3A_187 : vector<16xi32>
          %select_n3A_390 = arith.select %ge3A_389, %get3A_386, %broadcast_in_dim3A_10 : vector<16xi1>, vector<16xf32>
          %mul3A_391 = arith.mulf %select_n3A_390, %get3A_4 : vector<16xf32>
          %mul3A_392 = arith.mulf %get3A_386, %get3A_7 : vector<16xf32>
          %add3A_393 = arith.addf %mul3A_391, %mul3A_392 : vector<16xf32>
          %mul3A_394 = arith.constant 16 : i32
          %mul3A_395 = arith.muli %scan3A_380, %mul3A_394 : i32
          %swap3A_396 = arith.index_cast %scan3A_56 : i32 to index
          %swap3A_397 = arith.index_cast %mul3A_395 : i32 to index
          %swap3A_398 = tpu.vector_load %arg5[%swap3A_396, %swap3A_397] {strides = array<i32>} : memref<16x1024xf32, #tpu.memory_space<vmem>>, vector<1x16xf32>,
          %swap3A_399 = vector.shape_cast %swap3A_398 : vector<1x16xf32> to vector<16xf32>
          %swap3A_400 = vector.shape_cast %add3A_393 : vector<16xf32> to vector<1x16xf32>
          tpu.vector_store %arg5[%swap3A_396, %swap3A_397], %swap3A_400 {strides = array<i32>} : memref<16x1024xf32, #tpu.memory_space<vmem>>, vector<1x16xf32>,
          %scan3A_401 = arith.constant 0 : i32
          %scan3A_402 = arith.constant 9 : i32
          %scan3A_403 = arith.addi %scan3A_196, %scan3A_402 : i32
          %mul3A_404 = arith.constant 16 : i32
          %mul3A_405 = arith.muli %scan3A_403, %mul3A_404 : i32
          %get3A_406 = arith.index_cast %scan3A_56 : i32 to index
          %get3A_407 = arith.index_cast %mul3A_405 : i32 to index
          %get3A_408 = tpu.vector_load %arg5[%get3A_406, %get3A_407] {strides = array<i32>} : memref<16x1024xf32, #tpu.memory_space<vmem>>, vector<1x16xf32>,
          %get3A_409 = vector.shape_cast %get3A_408 : vector<1x16xf32> to vector<16xf32>
          %bitcast_convert_type3A_410 = tpu.bitcast %get3A_409 : vector<16xf32> -> vector<16xi32>
          %and3A_411 = arith.andi %bitcast_convert_type3A_410, %broadcast_in_dim3A_16 : vector<16xi32>
          %ge3A_412 = arith.cmpi sge, %and3A_411, %bitcast_convert_type3A_187 : vector<16xi32>
          %select_n3A_413 = arith.select %ge3A_412, %get3A_409, %broadcast_in_dim3A_10 : vector<16xi1>, vector<16xf32>
          %mul3A_414 = arith.mulf %select_n3A_413, %get3A_4 : vector<16xf32>
          %mul3A_415 = arith.mulf %get3A_409, %get3A_7 : vector<16xf32>
          %add3A_416 = arith.addf %mul3A_414, %mul3A_415 : vector<16xf32>
          %mul3A_417 = arith.constant 16 : i32
          %mul3A_418 = arith.muli %scan3A_403, %mul3A_417 : i32
          %swap3A_419 = arith.index_cast %scan3A_56 : i32 to index
          %swap3A_420 = arith.index_cast %mul3A_418 : i32 to index
          %swap3A_421 = tpu.vector_load %arg5[%swap3A_419, %swap3A_420] {strides = array<i32>} : memref<16x1024xf32, #tpu.memory_space<vmem>>, vector<1x16xf32>,
          %swap3A_422 = vector.shape_cast %swap3A_421 : vector<1x16xf32> to vector<16xf32>
          %swap3A_423 = vector.shape_cast %add3A_416 : vector<16xf32> to vector<1x16xf32>
          tpu.vector_store %arg5[%swap3A_419, %swap3A_420], %swap3A_423 {strides = array<i32>} : memref<16x1024xf32, #tpu.memory_space<vmem>>, vector<1x16xf32>,
          %scan3A_424 = arith.constant 0 : i32
          %scan3A_425 = arith.constant 10 : i32
          %scan3A_426 = arith.addi %scan3A_196, %scan3A_425 : i32
          %mul3A_427 = arith.constant 16 : i32
          %mul3A_428 = arith.muli %scan3A_426, %mul3A_427 : i32
          %get3A_429 = arith.index_cast %scan3A_56 : i32 to index
          %get3A_430 = arith.index_cast %mul3A_428 : i32 to index
          %get3A_431 = tpu.vector_load %arg5[%get3A_429, %get3A_430] {strides = array<i32>} : memref<16x1024xf32, #tpu.memory_space<vmem>>, vector<1x16xf32>,
          %get3A_432 = vector.shape_cast %get3A_431 : vector<1x16xf32> to vector<16xf32>
          %bitcast_convert_type3A_433 = tpu.bitcast %get3A_432 : vector<16xf32> -> vector<16xi32>
          %and3A_434 = arith.andi %bitcast_convert_type3A_433, %broadcast_in_dim3A_16 : vector<16xi32>
          %ge3A_435 = arith.cmpi sge, %and3A_434, %bitcast_convert_type3A_187 : vector<16xi32>
          %select_n3A_436 = arith.select %ge3A_435, %get3A_432, %broadcast_in_dim3A_10 : vector<16xi1>, vector<16xf32>
          %mul3A_437 = arith.mulf %select_n3A_436, %get3A_4 : vector<16xf32>
          %mul3A_438 = arith.mulf %get3A_432, %get3A_7 : vector<16xf32>
          %add3A_439 = arith.addf %mul3A_437, %mul3A_438 : vector<16xf32>
          %mul3A_440 = arith.constant 16 : i32
          %mul3A_441 = arith.muli %scan3A_426, %mul3A_440 : i32
          %swap3A_442 = arith.index_cast %scan3A_56 : i32 to index
          %swap3A_443 = arith.index_cast %mul3A_441 : i32 to index
          %swap3A_444 = tpu.vector_load %arg5[%swap3A_442, %swap3A_443] {strides = array<i32>} : memref<16x1024xf32, #tpu.memory_space<vmem>>, vector<1x16xf32>,
          %swap3A_445 = vector.shape_cast %swap3A_444 : vector<1x16xf32> to vector<16xf32>
          %swap3A_446 = vector.shape_cast %add3A_439 : vector<16xf32> to vector<1x16xf32>
          tpu.vector_store %arg5[%swap3A_442, %swap3A_443], %swap3A_446 {strides = array<i32>} : memref<16x1024xf32, #tpu.memory_space<vmem>>, vector<1x16xf32>,
          %scan3A_447 = arith.constant 0 : i32
          %scan3A_448 = arith.constant 11 : i32
          %scan3A_449 = arith.addi %scan3A_196, %scan3A_448 : i32
          %mul3A_450 = arith.constant 16 : i32
          %mul3A_451 = arith.muli %scan3A_449, %mul3A_450 : i32
          %get3A_452 = arith.index_cast %scan3A_56 : i32 to index
          %get3A_453 = arith.index_cast %mul3A_451 : i32 to index
          %get3A_454 = tpu.vector_load %arg5[%get3A_452, %get3A_453] {strides = array<i32>} : memref<16x1024xf32, #tpu.memory_space<vmem>>, vector<1x16xf32>,
          %get3A_455 = vector.shape_cast %get3A_454 : vector<1x16xf32> to vector<16xf32>
          %bitcast_convert_type3A_456 = tpu.bitcast %get3A_455 : vector<16xf32> -> vector<16xi32>
          %and3A_457 = arith.andi %bitcast_convert_type3A_456, %broadcast_in_dim3A_16 : vector<16xi32>
          %ge3A_458 = arith.cmpi sge, %and3A_457, %bitcast_convert_type3A_187 : vector<16xi32>
          %select_n3A_459 = arith.select %ge3A_458, %get3A_455, %broadcast_in_dim3A_10 : vector<16xi1>, vector<16xf32>
          %mul3A_460 = arith.mulf %select_n3A_459, %get3A_4 : vector<16xf32>
          %mul3A_461 = arith.mulf %get3A_455, %get3A_7 : vector<16xf32>
          %add3A_462 = arith.addf %mul3A_460, %mul3A_461 : vector<16xf32>
          %mul3A_463 = arith.constant 16 : i32
          %mul3A_464 = arith.muli %scan3A_449, %mul3A_463 : i32
          %swap3A_465 = arith.index_cast %scan3A_56 : i32 to index
          %swap3A_466 = arith.index_cast %mul3A_464 : i32 to index
          %swap3A_467 = tpu.vector_load %arg5[%swap3A_465, %swap3A_466] {strides = array<i32>} : memref<16x1024xf32, #tpu.memory_space<vmem>>, vector<1x16xf32>,
          %swap3A_468 = vector.shape_cast %swap3A_467 : vector<1x16xf32> to vector<16xf32>
          %swap3A_469 = vector.shape_cast %add3A_462 : vector<16xf32> to vector<1x16xf32>
          tpu.vector_store %arg5[%swap3A_465, %swap3A_466], %swap3A_469 {strides = array<i32>} : memref<16x1024xf32, #tpu.memory_space<vmem>>, vector<1x16xf32>,
          %scan3A_470 = arith.constant 0 : i32
          %scan3A_471 = arith.constant 12 : i32
          %scan3A_472 = arith.addi %scan3A_196, %scan3A_471 : i32
          %mul3A_473 = arith.constant 16 : i32
          %mul3A_474 = arith.muli %scan3A_472, %mul3A_473 : i32
          %get3A_475 = arith.index_cast %scan3A_56 : i32 to index
          %get3A_476 = arith.index_cast %mul3A_474 : i32 to index
          %get3A_477 = tpu.vector_load %arg5[%get3A_475, %get3A_476] {strides = array<i32>} : memref<16x1024xf32, #tpu.memory_space<vmem>>, vector<1x16xf32>,
          %get3A_478 = vector.shape_cast %get3A_477 : vector<1x16xf32> to vector<16xf32>
          %bitcast_convert_type3A_479 = tpu.bitcast %get3A_478 : vector<16xf32> -> vector<16xi32>
          %and3A_480 = arith.andi %bitcast_convert_type3A_479, %broadcast_in_dim3A_16 : vector<16xi32>
          %ge3A_481 = arith.cmpi sge, %and3A_480, %bitcast_convert_type3A_187 : vector<16xi32>
          %select_n3A_482 = arith.select %ge3A_481, %get3A_478, %broadcast_in_dim3A_10 : vector<16xi1>, vector<16xf32>
          %mul3A_483 = arith.mulf %select_n3A_482, %get3A_4 : vector<16xf32>
          %mul3A_484 = arith.mulf %get3A_478, %get3A_7 : vector<16xf32>
          %add3A_485 = arith.addf %mul3A_483, %mul3A_484 : vector<16xf32>
          %mul3A_486 = arith.constant 16 : i32
          %mul3A_487 = arith.muli %scan3A_472, %mul3A_486 : i32
          %swap3A_488 = arith.index_cast %scan3A_56 : i32 to index
          %swap3A_489 = arith.index_cast %mul3A_487 : i32 to index
          %swap3A_490 = tpu.vector_load %arg5[%swap3A_488, %swap3A_489] {strides = array<i32>} : memref<16x1024xf32, #tpu.memory_space<vmem>>, vector<1x16xf32>,
          %swap3A_491 = vector.shape_cast %swap3A_490 : vector<1x16xf32> to vector<16xf32>
          %swap3A_492 = vector.shape_cast %add3A_485 : vector<16xf32> to vector<1x16xf32>
          tpu.vector_store %arg5[%swap3A_488, %swap3A_489], %swap3A_492 {strides = array<i32>} : memref<16x1024xf32, #tpu.memory_space<vmem>>, vector<1x16xf32>,
          %scan3A_493 = arith.constant 0 : i32
          %scan3A_494 = arith.constant 13 : i32
          %scan3A_495 = arith.addi %scan3A_196, %scan3A_494 : i32
          %mul3A_496 = arith.constant 16 : i32
          %mul3A_497 = arith.muli %scan3A_495, %mul3A_496 : i32
          %get3A_498 = arith.index_cast %scan3A_56 : i32 to index
          %get3A_499 = arith.index_cast %mul3A_497 : i32 to index
          %get3A_500 = tpu.vector_load %arg5[%get3A_498, %get3A_499] {strides = array<i32>} : memref<16x1024xf32, #tpu.memory_space<vmem>>, vector<1x16xf32>,
          %get3A_501 = vector.shape_cast %get3A_500 : vector<1x16xf32> to vector<16xf32>
          %bitcast_convert_type3A_502 = tpu.bitcast %get3A_501 : vector<16xf32> -> vector<16xi32>
          %and3A_503 = arith.andi %bitcast_convert_type3A_502, %broadcast_in_dim3A_16 : vector<16xi32>
          %ge3A_504 = arith.cmpi sge, %and3A_503, %bitcast_convert_type3A_187 : vector<16xi32>
          %select_n3A_505 = arith.select %ge3A_504, %get3A_501, %broadcast_in_dim3A_10 : vector<16xi1>, vector<16xf32>
          %mul3A_506 = arith.mulf %select_n3A_505, %get3A_4 : vector<16xf32>
          %mul3A_507 = arith.mulf %get3A_501, %get3A_7 : vector<16xf32>
          %add3A_508 = arith.addf %mul3A_506, %mul3A_507 : vector<16xf32>
          %mul3A_509 = arith.constant 16 : i32
          %mul3A_510 = arith.muli %scan3A_495, %mul3A_509 : i32
          %swap3A_511 = arith.index_cast %scan3A_56 : i32 to index
          %swap3A_512 = arith.index_cast %mul3A_510 : i32 to index
          %swap3A_513 = tpu.vector_load %arg5[%swap3A_511, %swap3A_512] {strides = array<i32>} : memref<16x1024xf32, #tpu.memory_space<vmem>>, vector<1x16xf32>,
          %swap3A_514 = vector.shape_cast %swap3A_513 : vector<1x16xf32> to vector<16xf32>
          %swap3A_515 = vector.shape_cast %add3A_508 : vector<16xf32> to vector<1x16xf32>
          tpu.vector_store %arg5[%swap3A_511, %swap3A_512], %swap3A_515 {strides = array<i32>} : memref<16x1024xf32, #tpu.memory_space<vmem>>, vector<1x16xf32>,
          %scan3A_516 = arith.constant 0 : i32
          %scan3A_517 = arith.constant 14 : i32
          %scan3A_518 = arith.addi %scan3A_196, %scan3A_517 : i32
          %mul3A_519 = arith.constant 16 : i32
          %mul3A_520 = arith.muli %scan3A_518, %mul3A_519 : i32
          %get3A_521 = arith.index_cast %scan3A_56 : i32 to index
          %get3A_522 = arith.index_cast %mul3A_520 : i32 to index
          %get3A_523 = tpu.vector_load %arg5[%get3A_521, %get3A_522] {strides = array<i32>} : memref<16x1024xf32, #tpu.memory_space<vmem>>, vector<1x16xf32>,
          %get3A_524 = vector.shape_cast %get3A_523 : vector<1x16xf32> to vector<16xf32>
          %bitcast_convert_type3A_525 = tpu.bitcast %get3A_524 : vector<16xf32> -> vector<16xi32>
          %and3A_526 = arith.andi %bitcast_convert_type3A_525, %broadcast_in_dim3A_16 : vector<16xi32>
          %ge3A_527 = arith.cmpi sge, %and3A_526, %bitcast_convert_type3A_187 : vector<16xi32>
          %select_n3A_528 = arith.select %ge3A_527, %get3A_524, %broadcast_in_dim3A_10 : vector<16xi1>, vector<16xf32>
          %mul3A_529 = arith.mulf %select_n3A_528, %get3A_4 : vector<16xf32>
          %mul3A_530 = arith.mulf %get3A_524, %get3A_7 : vector<16xf32>
          %add3A_531 = arith.addf %mul3A_529, %mul3A_530 : vector<16xf32>
          %mul3A_532 = arith.constant 16 : i32
          %mul3A_533 = arith.muli %scan3A_518, %mul3A_532 : i32
          %swap3A_534 = arith.index_cast %scan3A_56 : i32 to index
          %swap3A_535 = arith.index_cast %mul3A_533 : i32 to index
          %swap3A_536 = tpu.vector_load %arg5[%swap3A_534, %swap3A_535] {strides = array<i32>} : memref<16x1024xf32, #tpu.memory_space<vmem>>, vector<1x16xf32>,
          %swap3A_537 = vector.shape_cast %swap3A_536 : vector<1x16xf32> to vector<16xf32>
          %swap3A_538 = vector.shape_cast %add3A_531 : vector<16xf32> to vector<1x16xf32>
          tpu.vector_store %arg5[%swap3A_534, %swap3A_535], %swap3A_538 {strides = array<i32>} : memref<16x1024xf32, #tpu.memory_space<vmem>>, vector<1x16xf32>,
          %scan3A_539 = arith.constant 0 : i32
          %scan3A_540 = arith.constant 15 : i32
          %scan3A_541 = arith.addi %scan3A_196, %scan3A_540 : i32
          %mul3A_542 = arith.constant 16 : i32
          %mul3A_543 = arith.muli %scan3A_541, %mul3A_542 : i32
          %get3A_544 = arith.index_cast %scan3A_56 : i32 to index
          %get3A_545 = arith.index_cast %mul3A_543 : i32 to index
          %get3A_546 = tpu.vector_load %arg5[%get3A_544, %get3A_545] {strides = array<i32>} : memref<16x1024xf32, #tpu.memory_space<vmem>>, vector<1x16xf32>,
          %get3A_547 = vector.shape_cast %get3A_546 : vector<1x16xf32> to vector<16xf32>
          %bitcast_convert_type3A_548 = tpu.bitcast %get3A_547 : vector<16xf32> -> vector<16xi32>
          %and3A_549 = arith.andi %bitcast_convert_type3A_548, %broadcast_in_dim3A_16 : vector<16xi32>
          %ge3A_550 = arith.cmpi sge, %and3A_549, %bitcast_convert_type3A_187 : vector<16xi32>
          %select_n3A_551 = arith.select %ge3A_550, %get3A_547, %broadcast_in_dim3A_10 : vector<16xi1>, vector<16xf32>
          %mul3A_552 = arith.mulf %select_n3A_551, %get3A_4 : vector<16xf32>
          %mul3A_553 = arith.mulf %get3A_547, %get3A_7 : vector<16xf32>
          %add3A_554 = arith.addf %mul3A_552, %mul3A_553 : vector<16xf32>
          %mul3A_555 = arith.constant 16 : i32
          %mul3A_556 = arith.muli %scan3A_541, %mul3A_555 : i32
          %swap3A_557 = arith.index_cast %scan3A_56 : i32 to index
          %swap3A_558 = arith.index_cast %mul3A_556 : i32 to index
          %swap3A_559 = tpu.vector_load %arg5[%swap3A_557, %swap3A_558] {strides = array<i32>} : memref<16x1024xf32, #tpu.memory_space<vmem>>, vector<1x16xf32>,
          %swap3A_560 = vector.shape_cast %swap3A_559 : vector<1x16xf32> to vector<16xf32>
          %swap3A_561 = vector.shape_cast %add3A_554 : vector<16xf32> to vector<1x16xf32>
          tpu.vector_store %arg5[%swap3A_557, %swap3A_558], %swap3A_561 {strides = array<i32>} : memref<16x1024xf32, #tpu.memory_space<vmem>>, vector<1x16xf32>,
          %scan3A_562 = arith.constant 0 : i32
          scf.yield %scan3A_562 : i32
        }
        %scan3A_194 = arith.constant 64 : i32
        %scan3A_195 = arith.constant 0 : i32
        scf.yield %scan3A_195 : i32
      }
      %scan3A_54 = arith.constant 16 : i32
      "tpu.region"() ({
        %run_scoped3A = tpu.sem_alloc : memref<!tpu.dma_semaphore, #tpu.memory_space<semaphore_mem>>
        %dma_start3A = arith.constant 0 : i32
        %dma_start3A_56 = tpu.memref_slice %arg4[%add3A_47, %dma_start3A] : memref<4096x1024xf32, #tpu.memory_space<hbm>> -> memref<16x1024xf32, #tpu.memory_space<hbm>>
        %dma_start3A_57 = arith.constant 0 : i32
        %dma_start3A_58 = tpu.memref_slice %arg4[%add3A_47, %dma_start3A_57] : memref<4096x1024xf32, #tpu.memory_space<hbm>> -> memref<16x1024xf32, #tpu.memory_space<hbm>>
        tpu.enqueue_dma source(%arg5 : memref<16x1024xf32, #tpu.memory_space<vmem>>) target(%dma_start3A_58 : memref<16x1024xf32, #tpu.memory_space<hbm>>) target_semaphore(%run_scoped3A : memref<!tpu.dma_semaphore, #tpu.memory_space<semaphore_mem>>)
        %dma_wait3A = arith.constant 0 : i32
        %dma_wait3A_59 = tpu.memref_slice %arg4[%add3A_47, %dma_wait3A] : memref<4096x1024xf32, #tpu.memory_space<hbm>> -> memref<16x1024xf32, #tpu.memory_space<hbm>>
        %dma_wait3A_60 = arith.constant 0 : i32
        %dma_wait3A_61 = tpu.memref_slice %arg4[%add3A_47, %dma_wait3A_60] : memref<4096x1024xf32, #tpu.memory_space<hbm>> -> memref<16x1024xf32, #tpu.memory_space<hbm>>
        tpu.wait_dma2 semaphore(%run_scoped3A : memref<!tpu.dma_semaphore, #tpu.memory_space<semaphore_mem>>) src(%arg5 : memref<16x1024xf32, #tpu.memory_space<vmem>>) dst(%dma_wait3A_61 : memref<16x1024xf32, #tpu.memory_space<hbm>>)
        tpu.yield
      }) : () -> ()
      %scan3A_55 = arith.constant 0 : i32
      scf.yield %scan3A_55 : i32
    }
    %scan3A_42 = arith.constant 8 : i32
    return
  }
}

module attributes {stable_mosaic.version = 14 : i64} {
  func.func @_tc_body(%arg0: i32, %arg1: memref<2xf32, #tpu.memory_space<smem>>, %arg2: memref<256x1024xf32, #tpu.memory_space<vmem>>, %arg3: memref<256x1024xf32, #tpu.memory_space<vmem>>) attributes {dimension_semantics = [#tpu.dimension_semantics<arbitrary>], iteration_bounds = array<i64: 32>, scalar_prefetch = 0 : i64, scratch_operands = 0 : i64, tpu.core_type = #tpu.core_type<tc>, window_params = [{transform_indices = @transform_0, window_bounds = array<i64: 2>}, {transform_indices = @transform_1, window_bounds = array<i64: 256, 1024>}, {transform_indices = @transform_2, window_bounds = array<i64: 256, 1024>}]} {
    %get3A = arith.constant 0 : index
    %get3A_0 = arith.constant 0 : index
    %get3A_1 = vector.load %arg2[%get3A, %get3A_0] : memref<256x1024xf32, #tpu.memory_space<vmem>>, vector<256x1024xf32>
    %abs3A = math.absf %get3A_1 : vector<256x1024xf32>
    %bitcast_convert_type3A = tpu.bitcast %abs3A : vector<256x1024xf32> -> vector<256x1024xi32>
    %broadcast_in_dim3A = arith.constant 0 : i32
    %broadcast_in_dim3A_2 = vector.broadcast %broadcast_in_dim3A : i32 to vector<256x1xi32>
    %add3A = arith.constant 1073741824 : i32
    %add3A_3 = vector.broadcast %add3A : i32 to vector<256x1xi32>
    %add3A_4 = arith.addi %broadcast_in_dim3A_2, %add3A_3 : vector<256x1xi32>
    %ge3A = vector.broadcast %add3A_4 : vector<256x1xi32> to vector<256x1024xi32>
    %ge3A_5 = arith.cmpi sge, %bitcast_convert_type3A, %ge3A : vector<256x1024xi32>
    %convert_element_type3A = arith.extui %ge3A_5 : vector<256x1024xi1> to vector<256x1024xi32>
    %reduce_sum3A = arith.constant dense<0> : vector<256xi32>
    %reduce_sum3A_6 = vector.multi_reduction <add>, %convert_element_type3A, %reduce_sum3A [1] : vector<256x1024xi32> to vector<256xi32>
    %broadcast_in_dim3A_7 = vector.shape_cast %reduce_sum3A_6 : vector<256xi32> to vector<256x1xi32>
    %ge3A_8 = arith.constant 102 : i32
    %ge3A_9 = vector.broadcast %ge3A_8 : i32 to vector<256x1xi32>
    %ge3A_10 = arith.cmpi sge, %broadcast_in_dim3A_7, %ge3A_9 : vector<256x1xi32>
    %select_n3A = arith.select %ge3A_10, %add3A_4, %broadcast_in_dim3A_2 : vector<256x1xi1>, vector<256x1xi32>
    %add3A_11 = arith.constant 536870912 : i32
    %add3A_12 = vector.broadcast %add3A_11 : i32 to vector<256x1xi32>
    %add3A_13 = arith.addi %select_n3A, %add3A_12 : vector<256x1xi32>
    %ge3A_14 = vector.broadcast %add3A_13 : vector<256x1xi32> to vector<256x1024xi32>
    %ge3A_15 = arith.cmpi sge, %bitcast_convert_type3A, %ge3A_14 : vector<256x1024xi32>
    %convert_element_type3A_16 = arith.extui %ge3A_15 : vector<256x1024xi1> to vector<256x1024xi32>
    %reduce_sum3A_17 = arith.constant dense<0> : vector<256xi32>
    %reduce_sum3A_18 = vector.multi_reduction <add>, %convert_element_type3A_16, %reduce_sum3A_17 [1] : vector<256x1024xi32> to vector<256xi32>
    %broadcast_in_dim3A_19 = vector.shape_cast %reduce_sum3A_18 : vector<256xi32> to vector<256x1xi32>
    %ge3A_20 = arith.constant 102 : i32
    %ge3A_21 = vector.broadcast %ge3A_20 : i32 to vector<256x1xi32>
    %ge3A_22 = arith.cmpi sge, %broadcast_in_dim3A_19, %ge3A_21 : vector<256x1xi32>
    %select_n3A_23 = arith.select %ge3A_22, %add3A_13, %select_n3A : vector<256x1xi1>, vector<256x1xi32>
    %add3A_24 = arith.constant 268435456 : i32
    %add3A_25 = vector.broadcast %add3A_24 : i32 to vector<256x1xi32>
    %add3A_26 = arith.addi %select_n3A_23, %add3A_25 : vector<256x1xi32>
    %ge3A_27 = vector.broadcast %add3A_26 : vector<256x1xi32> to vector<256x1024xi32>
    %ge3A_28 = arith.cmpi sge, %bitcast_convert_type3A, %ge3A_27 : vector<256x1024xi32>
    %convert_element_type3A_29 = arith.extui %ge3A_28 : vector<256x1024xi1> to vector<256x1024xi32>
    %reduce_sum3A_30 = arith.constant dense<0> : vector<256xi32>
    %reduce_sum3A_31 = vector.multi_reduction <add>, %convert_element_type3A_29, %reduce_sum3A_30 [1] : vector<256x1024xi32> to vector<256xi32>
    %broadcast_in_dim3A_32 = vector.shape_cast %reduce_sum3A_31 : vector<256xi32> to vector<256x1xi32>
    %ge3A_33 = arith.constant 102 : i32
    %ge3A_34 = vector.broadcast %ge3A_33 : i32 to vector<256x1xi32>
    %ge3A_35 = arith.cmpi sge, %broadcast_in_dim3A_32, %ge3A_34 : vector<256x1xi32>
    %select_n3A_36 = arith.select %ge3A_35, %add3A_26, %select_n3A_23 : vector<256x1xi1>, vector<256x1xi32>
    %add3A_37 = arith.constant 134217728 : i32
    %add3A_38 = vector.broadcast %add3A_37 : i32 to vector<256x1xi32>
    %add3A_39 = arith.addi %select_n3A_36, %add3A_38 : vector<256x1xi32>
    %ge3A_40 = vector.broadcast %add3A_39 : vector<256x1xi32> to vector<256x1024xi32>
    %ge3A_41 = arith.cmpi sge, %bitcast_convert_type3A, %ge3A_40 : vector<256x1024xi32>
    %convert_element_type3A_42 = arith.extui %ge3A_41 : vector<256x1024xi1> to vector<256x1024xi32>
    %reduce_sum3A_43 = arith.constant dense<0> : vector<256xi32>
    %reduce_sum3A_44 = vector.multi_reduction <add>, %convert_element_type3A_42, %reduce_sum3A_43 [1] : vector<256x1024xi32> to vector<256xi32>
    %broadcast_in_dim3A_45 = vector.shape_cast %reduce_sum3A_44 : vector<256xi32> to vector<256x1xi32>
    %ge3A_46 = arith.constant 102 : i32
    %ge3A_47 = vector.broadcast %ge3A_46 : i32 to vector<256x1xi32>
    %ge3A_48 = arith.cmpi sge, %broadcast_in_dim3A_45, %ge3A_47 : vector<256x1xi32>
    %select_n3A_49 = arith.select %ge3A_48, %add3A_39, %select_n3A_36 : vector<256x1xi1>, vector<256x1xi32>
    %add3A_50 = arith.constant 67108864 : i32
    %add3A_51 = vector.broadcast %add3A_50 : i32 to vector<256x1xi32>
    %add3A_52 = arith.addi %select_n3A_49, %add3A_51 : vector<256x1xi32>
    %ge3A_53 = vector.broadcast %add3A_52 : vector<256x1xi32> to vector<256x1024xi32>
    %ge3A_54 = arith.cmpi sge, %bitcast_convert_type3A, %ge3A_53 : vector<256x1024xi32>
    %convert_element_type3A_55 = arith.extui %ge3A_54 : vector<256x1024xi1> to vector<256x1024xi32>
    %reduce_sum3A_56 = arith.constant dense<0> : vector<256xi32>
    %reduce_sum3A_57 = vector.multi_reduction <add>, %convert_element_type3A_55, %reduce_sum3A_56 [1] : vector<256x1024xi32> to vector<256xi32>
    %broadcast_in_dim3A_58 = vector.shape_cast %reduce_sum3A_57 : vector<256xi32> to vector<256x1xi32>
    %ge3A_59 = arith.constant 102 : i32
    %ge3A_60 = vector.broadcast %ge3A_59 : i32 to vector<256x1xi32>
    %ge3A_61 = arith.cmpi sge, %broadcast_in_dim3A_58, %ge3A_60 : vector<256x1xi32>
    %select_n3A_62 = arith.select %ge3A_61, %add3A_52, %select_n3A_49 : vector<256x1xi1>, vector<256x1xi32>
    %add3A_63 = arith.constant 33554432 : i32
    %add3A_64 = vector.broadcast %add3A_63 : i32 to vector<256x1xi32>
    %add3A_65 = arith.addi %select_n3A_62, %add3A_64 : vector<256x1xi32>
    %ge3A_66 = vector.broadcast %add3A_65 : vector<256x1xi32> to vector<256x1024xi32>
    %ge3A_67 = arith.cmpi sge, %bitcast_convert_type3A, %ge3A_66 : vector<256x1024xi32>
    %convert_element_type3A_68 = arith.extui %ge3A_67 : vector<256x1024xi1> to vector<256x1024xi32>
    %reduce_sum3A_69 = arith.constant dense<0> : vector<256xi32>
    %reduce_sum3A_70 = vector.multi_reduction <add>, %convert_element_type3A_68, %reduce_sum3A_69 [1] : vector<256x1024xi32> to vector<256xi32>
    %broadcast_in_dim3A_71 = vector.shape_cast %reduce_sum3A_70 : vector<256xi32> to vector<256x1xi32>
    %ge3A_72 = arith.constant 102 : i32
    %ge3A_73 = vector.broadcast %ge3A_72 : i32 to vector<256x1xi32>
    %ge3A_74 = arith.cmpi sge, %broadcast_in_dim3A_71, %ge3A_73 : vector<256x1xi32>
    %select_n3A_75 = arith.select %ge3A_74, %add3A_65, %select_n3A_62 : vector<256x1xi1>, vector<256x1xi32>
    %add3A_76 = arith.constant 16777216 : i32
    %add3A_77 = vector.broadcast %add3A_76 : i32 to vector<256x1xi32>
    %add3A_78 = arith.addi %select_n3A_75, %add3A_77 : vector<256x1xi32>
    %ge3A_79 = vector.broadcast %add3A_78 : vector<256x1xi32> to vector<256x1024xi32>
    %ge3A_80 = arith.cmpi sge, %bitcast_convert_type3A, %ge3A_79 : vector<256x1024xi32>
    %convert_element_type3A_81 = arith.extui %ge3A_80 : vector<256x1024xi1> to vector<256x1024xi32>
    %reduce_sum3A_82 = arith.constant dense<0> : vector<256xi32>
    %reduce_sum3A_83 = vector.multi_reduction <add>, %convert_element_type3A_81, %reduce_sum3A_82 [1] : vector<256x1024xi32> to vector<256xi32>
    %broadcast_in_dim3A_84 = vector.shape_cast %reduce_sum3A_83 : vector<256xi32> to vector<256x1xi32>
    %ge3A_85 = arith.constant 102 : i32
    %ge3A_86 = vector.broadcast %ge3A_85 : i32 to vector<256x1xi32>
    %ge3A_87 = arith.cmpi sge, %broadcast_in_dim3A_84, %ge3A_86 : vector<256x1xi32>
    %select_n3A_88 = arith.select %ge3A_87, %add3A_78, %select_n3A_75 : vector<256x1xi1>, vector<256x1xi32>
    %add3A_89 = arith.constant 8388608 : i32
    %add3A_90 = vector.broadcast %add3A_89 : i32 to vector<256x1xi32>
    %add3A_91 = arith.addi %select_n3A_88, %add3A_90 : vector<256x1xi32>
    %ge3A_92 = vector.broadcast %add3A_91 : vector<256x1xi32> to vector<256x1024xi32>
    %ge3A_93 = arith.cmpi sge, %bitcast_convert_type3A, %ge3A_92 : vector<256x1024xi32>
    %convert_element_type3A_94 = arith.extui %ge3A_93 : vector<256x1024xi1> to vector<256x1024xi32>
    %reduce_sum3A_95 = arith.constant dense<0> : vector<256xi32>
    %reduce_sum3A_96 = vector.multi_reduction <add>, %convert_element_type3A_94, %reduce_sum3A_95 [1] : vector<256x1024xi32> to vector<256xi32>
    %broadcast_in_dim3A_97 = vector.shape_cast %reduce_sum3A_96 : vector<256xi32> to vector<256x1xi32>
    %ge3A_98 = arith.constant 102 : i32
    %ge3A_99 = vector.broadcast %ge3A_98 : i32 to vector<256x1xi32>
    %ge3A_100 = arith.cmpi sge, %broadcast_in_dim3A_97, %ge3A_99 : vector<256x1xi32>
    %select_n3A_101 = arith.select %ge3A_100, %add3A_91, %select_n3A_88 : vector<256x1xi1>, vector<256x1xi32>
    %add3A_102 = arith.constant 4194304 : i32
    %add3A_103 = vector.broadcast %add3A_102 : i32 to vector<256x1xi32>
    %add3A_104 = arith.addi %select_n3A_101, %add3A_103 : vector<256x1xi32>
    %ge3A_105 = vector.broadcast %add3A_104 : vector<256x1xi32> to vector<256x1024xi32>
    %ge3A_106 = arith.cmpi sge, %bitcast_convert_type3A, %ge3A_105 : vector<256x1024xi32>
    %convert_element_type3A_107 = arith.extui %ge3A_106 : vector<256x1024xi1> to vector<256x1024xi32>
    %reduce_sum3A_108 = arith.constant dense<0> : vector<256xi32>
    %reduce_sum3A_109 = vector.multi_reduction <add>, %convert_element_type3A_107, %reduce_sum3A_108 [1] : vector<256x1024xi32> to vector<256xi32>
    %broadcast_in_dim3A_110 = vector.shape_cast %reduce_sum3A_109 : vector<256xi32> to vector<256x1xi32>
    %ge3A_111 = arith.constant 102 : i32
    %ge3A_112 = vector.broadcast %ge3A_111 : i32 to vector<256x1xi32>
    %ge3A_113 = arith.cmpi sge, %broadcast_in_dim3A_110, %ge3A_112 : vector<256x1xi32>
    %select_n3A_114 = arith.select %ge3A_113, %add3A_104, %select_n3A_101 : vector<256x1xi1>, vector<256x1xi32>
    %add3A_115 = arith.constant 2097152 : i32
    %add3A_116 = vector.broadcast %add3A_115 : i32 to vector<256x1xi32>
    %add3A_117 = arith.addi %select_n3A_114, %add3A_116 : vector<256x1xi32>
    %ge3A_118 = vector.broadcast %add3A_117 : vector<256x1xi32> to vector<256x1024xi32>
    %ge3A_119 = arith.cmpi sge, %bitcast_convert_type3A, %ge3A_118 : vector<256x1024xi32>
    %convert_element_type3A_120 = arith.extui %ge3A_119 : vector<256x1024xi1> to vector<256x1024xi32>
    %reduce_sum3A_121 = arith.constant dense<0> : vector<256xi32>
    %reduce_sum3A_122 = vector.multi_reduction <add>, %convert_element_type3A_120, %reduce_sum3A_121 [1] : vector<256x1024xi32> to vector<256xi32>
    %broadcast_in_dim3A_123 = vector.shape_cast %reduce_sum3A_122 : vector<256xi32> to vector<256x1xi32>
    %ge3A_124 = arith.constant 102 : i32
    %ge3A_125 = vector.broadcast %ge3A_124 : i32 to vector<256x1xi32>
    %ge3A_126 = arith.cmpi sge, %broadcast_in_dim3A_123, %ge3A_125 : vector<256x1xi32>
    %select_n3A_127 = arith.select %ge3A_126, %add3A_117, %select_n3A_114 : vector<256x1xi1>, vector<256x1xi32>
    %add3A_128 = arith.constant 1048576 : i32
    %add3A_129 = vector.broadcast %add3A_128 : i32 to vector<256x1xi32>
    %add3A_130 = arith.addi %select_n3A_127, %add3A_129 : vector<256x1xi32>
    %ge3A_131 = vector.broadcast %add3A_130 : vector<256x1xi32> to vector<256x1024xi32>
    %ge3A_132 = arith.cmpi sge, %bitcast_convert_type3A, %ge3A_131 : vector<256x1024xi32>
    %convert_element_type3A_133 = arith.extui %ge3A_132 : vector<256x1024xi1> to vector<256x1024xi32>
    %reduce_sum3A_134 = arith.constant dense<0> : vector<256xi32>
    %reduce_sum3A_135 = vector.multi_reduction <add>, %convert_element_type3A_133, %reduce_sum3A_134 [1] : vector<256x1024xi32> to vector<256xi32>
    %broadcast_in_dim3A_136 = vector.shape_cast %reduce_sum3A_135 : vector<256xi32> to vector<256x1xi32>
    %ge3A_137 = arith.constant 102 : i32
    %ge3A_138 = vector.broadcast %ge3A_137 : i32 to vector<256x1xi32>
    %ge3A_139 = arith.cmpi sge, %broadcast_in_dim3A_136, %ge3A_138 : vector<256x1xi32>
    %select_n3A_140 = arith.select %ge3A_139, %add3A_130, %select_n3A_127 : vector<256x1xi1>, vector<256x1xi32>
    %add3A_141 = arith.constant 524288 : i32
    %add3A_142 = vector.broadcast %add3A_141 : i32 to vector<256x1xi32>
    %add3A_143 = arith.addi %select_n3A_140, %add3A_142 : vector<256x1xi32>
    %ge3A_144 = vector.broadcast %add3A_143 : vector<256x1xi32> to vector<256x1024xi32>
    %ge3A_145 = arith.cmpi sge, %bitcast_convert_type3A, %ge3A_144 : vector<256x1024xi32>
    %convert_element_type3A_146 = arith.extui %ge3A_145 : vector<256x1024xi1> to vector<256x1024xi32>
    %reduce_sum3A_147 = arith.constant dense<0> : vector<256xi32>
    %reduce_sum3A_148 = vector.multi_reduction <add>, %convert_element_type3A_146, %reduce_sum3A_147 [1] : vector<256x1024xi32> to vector<256xi32>
    %broadcast_in_dim3A_149 = vector.shape_cast %reduce_sum3A_148 : vector<256xi32> to vector<256x1xi32>
    %ge3A_150 = arith.constant 102 : i32
    %ge3A_151 = vector.broadcast %ge3A_150 : i32 to vector<256x1xi32>
    %ge3A_152 = arith.cmpi sge, %broadcast_in_dim3A_149, %ge3A_151 : vector<256x1xi32>
    %select_n3A_153 = arith.select %ge3A_152, %add3A_143, %select_n3A_140 : vector<256x1xi1>, vector<256x1xi32>
    %add3A_154 = arith.constant 262144 : i32
    %add3A_155 = vector.broadcast %add3A_154 : i32 to vector<256x1xi32>
    %add3A_156 = arith.addi %select_n3A_153, %add3A_155 : vector<256x1xi32>
    %ge3A_157 = vector.broadcast %add3A_156 : vector<256x1xi32> to vector<256x1024xi32>
    %ge3A_158 = arith.cmpi sge, %bitcast_convert_type3A, %ge3A_157 : vector<256x1024xi32>
    %convert_element_type3A_159 = arith.extui %ge3A_158 : vector<256x1024xi1> to vector<256x1024xi32>
    %reduce_sum3A_160 = arith.constant dense<0> : vector<256xi32>
    %reduce_sum3A_161 = vector.multi_reduction <add>, %convert_element_type3A_159, %reduce_sum3A_160 [1] : vector<256x1024xi32> to vector<256xi32>
    %broadcast_in_dim3A_162 = vector.shape_cast %reduce_sum3A_161 : vector<256xi32> to vector<256x1xi32>
    %ge3A_163 = arith.constant 102 : i32
    %ge3A_164 = vector.broadcast %ge3A_163 : i32 to vector<256x1xi32>
    %ge3A_165 = arith.cmpi sge, %broadcast_in_dim3A_162, %ge3A_164 : vector<256x1xi32>
    %select_n3A_166 = arith.select %ge3A_165, %add3A_156, %select_n3A_153 : vector<256x1xi1>, vector<256x1xi32>
    %add3A_167 = arith.constant 131072 : i32
    %add3A_168 = vector.broadcast %add3A_167 : i32 to vector<256x1xi32>
    %add3A_169 = arith.addi %select_n3A_166, %add3A_168 : vector<256x1xi32>
    %ge3A_170 = vector.broadcast %add3A_169 : vector<256x1xi32> to vector<256x1024xi32>
    %ge3A_171 = arith.cmpi sge, %bitcast_convert_type3A, %ge3A_170 : vector<256x1024xi32>
    %convert_element_type3A_172 = arith.extui %ge3A_171 : vector<256x1024xi1> to vector<256x1024xi32>
    %reduce_sum3A_173 = arith.constant dense<0> : vector<256xi32>
    %reduce_sum3A_174 = vector.multi_reduction <add>, %convert_element_type3A_172, %reduce_sum3A_173 [1] : vector<256x1024xi32> to vector<256xi32>
    %broadcast_in_dim3A_175 = vector.shape_cast %reduce_sum3A_174 : vector<256xi32> to vector<256x1xi32>
    %ge3A_176 = arith.constant 102 : i32
    %ge3A_177 = vector.broadcast %ge3A_176 : i32 to vector<256x1xi32>
    %ge3A_178 = arith.cmpi sge, %broadcast_in_dim3A_175, %ge3A_177 : vector<256x1xi32>
    %select_n3A_179 = arith.select %ge3A_178, %add3A_169, %select_n3A_166 : vector<256x1xi1>, vector<256x1xi32>
    %add3A_180 = arith.constant 65536 : i32
    %add3A_181 = vector.broadcast %add3A_180 : i32 to vector<256x1xi32>
    %add3A_182 = arith.addi %select_n3A_179, %add3A_181 : vector<256x1xi32>
    %ge3A_183 = vector.broadcast %add3A_182 : vector<256x1xi32> to vector<256x1024xi32>
    %ge3A_184 = arith.cmpi sge, %bitcast_convert_type3A, %ge3A_183 : vector<256x1024xi32>
    %convert_element_type3A_185 = arith.extui %ge3A_184 : vector<256x1024xi1> to vector<256x1024xi32>
    %reduce_sum3A_186 = arith.constant dense<0> : vector<256xi32>
    %reduce_sum3A_187 = vector.multi_reduction <add>, %convert_element_type3A_185, %reduce_sum3A_186 [1] : vector<256x1024xi32> to vector<256xi32>
    %broadcast_in_dim3A_188 = vector.shape_cast %reduce_sum3A_187 : vector<256xi32> to vector<256x1xi32>
    %ge3A_189 = arith.constant 102 : i32
    %ge3A_190 = vector.broadcast %ge3A_189 : i32 to vector<256x1xi32>
    %ge3A_191 = arith.cmpi sge, %broadcast_in_dim3A_188, %ge3A_190 : vector<256x1xi32>
    %select_n3A_192 = arith.select %ge3A_191, %add3A_182, %select_n3A_179 : vector<256x1xi1>, vector<256x1xi32>
    %add3A_193 = arith.constant 32768 : i32
    %add3A_194 = vector.broadcast %add3A_193 : i32 to vector<256x1xi32>
    %add3A_195 = arith.addi %select_n3A_192, %add3A_194 : vector<256x1xi32>
    %ge3A_196 = vector.broadcast %add3A_195 : vector<256x1xi32> to vector<256x1024xi32>
    %ge3A_197 = arith.cmpi sge, %bitcast_convert_type3A, %ge3A_196 : vector<256x1024xi32>
    %convert_element_type3A_198 = arith.extui %ge3A_197 : vector<256x1024xi1> to vector<256x1024xi32>
    %reduce_sum3A_199 = arith.constant dense<0> : vector<256xi32>
    %reduce_sum3A_200 = vector.multi_reduction <add>, %convert_element_type3A_198, %reduce_sum3A_199 [1] : vector<256x1024xi32> to vector<256xi32>
    %broadcast_in_dim3A_201 = vector.shape_cast %reduce_sum3A_200 : vector<256xi32> to vector<256x1xi32>
    %ge3A_202 = arith.constant 102 : i32
    %ge3A_203 = vector.broadcast %ge3A_202 : i32 to vector<256x1xi32>
    %ge3A_204 = arith.cmpi sge, %broadcast_in_dim3A_201, %ge3A_203 : vector<256x1xi32>
    %select_n3A_205 = arith.select %ge3A_204, %add3A_195, %select_n3A_192 : vector<256x1xi1>, vector<256x1xi32>
    %add3A_206 = arith.constant 16384 : i32
    %add3A_207 = vector.broadcast %add3A_206 : i32 to vector<256x1xi32>
    %add3A_208 = arith.addi %select_n3A_205, %add3A_207 : vector<256x1xi32>
    %ge3A_209 = vector.broadcast %add3A_208 : vector<256x1xi32> to vector<256x1024xi32>
    %ge3A_210 = arith.cmpi sge, %bitcast_convert_type3A, %ge3A_209 : vector<256x1024xi32>
    %convert_element_type3A_211 = arith.extui %ge3A_210 : vector<256x1024xi1> to vector<256x1024xi32>
    %reduce_sum3A_212 = arith.constant dense<0> : vector<256xi32>
    %reduce_sum3A_213 = vector.multi_reduction <add>, %convert_element_type3A_211, %reduce_sum3A_212 [1] : vector<256x1024xi32> to vector<256xi32>
    %broadcast_in_dim3A_214 = vector.shape_cast %reduce_sum3A_213 : vector<256xi32> to vector<256x1xi32>
    %ge3A_215 = arith.constant 102 : i32
    %ge3A_216 = vector.broadcast %ge3A_215 : i32 to vector<256x1xi32>
    %ge3A_217 = arith.cmpi sge, %broadcast_in_dim3A_214, %ge3A_216 : vector<256x1xi32>
    %select_n3A_218 = arith.select %ge3A_217, %add3A_208, %select_n3A_205 : vector<256x1xi1>, vector<256x1xi32>
    %add3A_219 = arith.constant 8192 : i32
    %add3A_220 = vector.broadcast %add3A_219 : i32 to vector<256x1xi32>
    %add3A_221 = arith.addi %select_n3A_218, %add3A_220 : vector<256x1xi32>
    %ge3A_222 = vector.broadcast %add3A_221 : vector<256x1xi32> to vector<256x1024xi32>
    %ge3A_223 = arith.cmpi sge, %bitcast_convert_type3A, %ge3A_222 : vector<256x1024xi32>
    %convert_element_type3A_224 = arith.extui %ge3A_223 : vector<256x1024xi1> to vector<256x1024xi32>
    %reduce_sum3A_225 = arith.constant dense<0> : vector<256xi32>
    %reduce_sum3A_226 = vector.multi_reduction <add>, %convert_element_type3A_224, %reduce_sum3A_225 [1] : vector<256x1024xi32> to vector<256xi32>
    %broadcast_in_dim3A_227 = vector.shape_cast %reduce_sum3A_226 : vector<256xi32> to vector<256x1xi32>
    %ge3A_228 = arith.constant 102 : i32
    %ge3A_229 = vector.broadcast %ge3A_228 : i32 to vector<256x1xi32>
    %ge3A_230 = arith.cmpi sge, %broadcast_in_dim3A_227, %ge3A_229 : vector<256x1xi32>
    %select_n3A_231 = arith.select %ge3A_230, %add3A_221, %select_n3A_218 : vector<256x1xi1>, vector<256x1xi32>
    %add3A_232 = arith.constant 4096 : i32
    %add3A_233 = vector.broadcast %add3A_232 : i32 to vector<256x1xi32>
    %add3A_234 = arith.addi %select_n3A_231, %add3A_233 : vector<256x1xi32>
    %ge3A_235 = vector.broadcast %add3A_234 : vector<256x1xi32> to vector<256x1024xi32>
    %ge3A_236 = arith.cmpi sge, %bitcast_convert_type3A, %ge3A_235 : vector<256x1024xi32>
    %convert_element_type3A_237 = arith.extui %ge3A_236 : vector<256x1024xi1> to vector<256x1024xi32>
    %reduce_sum3A_238 = arith.constant dense<0> : vector<256xi32>
    %reduce_sum3A_239 = vector.multi_reduction <add>, %convert_element_type3A_237, %reduce_sum3A_238 [1] : vector<256x1024xi32> to vector<256xi32>
    %broadcast_in_dim3A_240 = vector.shape_cast %reduce_sum3A_239 : vector<256xi32> to vector<256x1xi32>
    %ge3A_241 = arith.constant 102 : i32
    %ge3A_242 = vector.broadcast %ge3A_241 : i32 to vector<256x1xi32>
    %ge3A_243 = arith.cmpi sge, %broadcast_in_dim3A_240, %ge3A_242 : vector<256x1xi32>
    %select_n3A_244 = arith.select %ge3A_243, %add3A_234, %select_n3A_231 : vector<256x1xi1>, vector<256x1xi32>
    %add3A_245 = arith.constant 2048 : i32
    %add3A_246 = vector.broadcast %add3A_245 : i32 to vector<256x1xi32>
    %add3A_247 = arith.addi %select_n3A_244, %add3A_246 : vector<256x1xi32>
    %ge3A_248 = vector.broadcast %add3A_247 : vector<256x1xi32> to vector<256x1024xi32>
    %ge3A_249 = arith.cmpi sge, %bitcast_convert_type3A, %ge3A_248 : vector<256x1024xi32>
    %convert_element_type3A_250 = arith.extui %ge3A_249 : vector<256x1024xi1> to vector<256x1024xi32>
    %reduce_sum3A_251 = arith.constant dense<0> : vector<256xi32>
    %reduce_sum3A_252 = vector.multi_reduction <add>, %convert_element_type3A_250, %reduce_sum3A_251 [1] : vector<256x1024xi32> to vector<256xi32>
    %broadcast_in_dim3A_253 = vector.shape_cast %reduce_sum3A_252 : vector<256xi32> to vector<256x1xi32>
    %ge3A_254 = arith.constant 102 : i32
    %ge3A_255 = vector.broadcast %ge3A_254 : i32 to vector<256x1xi32>
    %ge3A_256 = arith.cmpi sge, %broadcast_in_dim3A_253, %ge3A_255 : vector<256x1xi32>
    %select_n3A_257 = arith.select %ge3A_256, %add3A_247, %select_n3A_244 : vector<256x1xi1>, vector<256x1xi32>
    %add3A_258 = arith.constant 1024 : i32
    %add3A_259 = vector.broadcast %add3A_258 : i32 to vector<256x1xi32>
    %add3A_260 = arith.addi %select_n3A_257, %add3A_259 : vector<256x1xi32>
    %ge3A_261 = vector.broadcast %add3A_260 : vector<256x1xi32> to vector<256x1024xi32>
    %ge3A_262 = arith.cmpi sge, %bitcast_convert_type3A, %ge3A_261 : vector<256x1024xi32>
    %convert_element_type3A_263 = arith.extui %ge3A_262 : vector<256x1024xi1> to vector<256x1024xi32>
    %reduce_sum3A_264 = arith.constant dense<0> : vector<256xi32>
    %reduce_sum3A_265 = vector.multi_reduction <add>, %convert_element_type3A_263, %reduce_sum3A_264 [1] : vector<256x1024xi32> to vector<256xi32>
    %broadcast_in_dim3A_266 = vector.shape_cast %reduce_sum3A_265 : vector<256xi32> to vector<256x1xi32>
    %ge3A_267 = arith.constant 102 : i32
    %ge3A_268 = vector.broadcast %ge3A_267 : i32 to vector<256x1xi32>
    %ge3A_269 = arith.cmpi sge, %broadcast_in_dim3A_266, %ge3A_268 : vector<256x1xi32>
    %select_n3A_270 = arith.select %ge3A_269, %add3A_260, %select_n3A_257 : vector<256x1xi1>, vector<256x1xi32>
    %add3A_271 = arith.constant 512 : i32
    %add3A_272 = vector.broadcast %add3A_271 : i32 to vector<256x1xi32>
    %add3A_273 = arith.addi %select_n3A_270, %add3A_272 : vector<256x1xi32>
    %ge3A_274 = vector.broadcast %add3A_273 : vector<256x1xi32> to vector<256x1024xi32>
    %ge3A_275 = arith.cmpi sge, %bitcast_convert_type3A, %ge3A_274 : vector<256x1024xi32>
    %convert_element_type3A_276 = arith.extui %ge3A_275 : vector<256x1024xi1> to vector<256x1024xi32>
    %reduce_sum3A_277 = arith.constant dense<0> : vector<256xi32>
    %reduce_sum3A_278 = vector.multi_reduction <add>, %convert_element_type3A_276, %reduce_sum3A_277 [1] : vector<256x1024xi32> to vector<256xi32>
    %broadcast_in_dim3A_279 = vector.shape_cast %reduce_sum3A_278 : vector<256xi32> to vector<256x1xi32>
    %ge3A_280 = arith.constant 102 : i32
    %ge3A_281 = vector.broadcast %ge3A_280 : i32 to vector<256x1xi32>
    %ge3A_282 = arith.cmpi sge, %broadcast_in_dim3A_279, %ge3A_281 : vector<256x1xi32>
    %select_n3A_283 = arith.select %ge3A_282, %add3A_273, %select_n3A_270 : vector<256x1xi1>, vector<256x1xi32>
    %add3A_284 = arith.constant 256 : i32
    %add3A_285 = vector.broadcast %add3A_284 : i32 to vector<256x1xi32>
    %add3A_286 = arith.addi %select_n3A_283, %add3A_285 : vector<256x1xi32>
    %ge3A_287 = vector.broadcast %add3A_286 : vector<256x1xi32> to vector<256x1024xi32>
    %ge3A_288 = arith.cmpi sge, %bitcast_convert_type3A, %ge3A_287 : vector<256x1024xi32>
    %convert_element_type3A_289 = arith.extui %ge3A_288 : vector<256x1024xi1> to vector<256x1024xi32>
    %reduce_sum3A_290 = arith.constant dense<0> : vector<256xi32>
    %reduce_sum3A_291 = vector.multi_reduction <add>, %convert_element_type3A_289, %reduce_sum3A_290 [1] : vector<256x1024xi32> to vector<256xi32>
    %broadcast_in_dim3A_292 = vector.shape_cast %reduce_sum3A_291 : vector<256xi32> to vector<256x1xi32>
    %ge3A_293 = arith.constant 102 : i32
    %ge3A_294 = vector.broadcast %ge3A_293 : i32 to vector<256x1xi32>
    %ge3A_295 = arith.cmpi sge, %broadcast_in_dim3A_292, %ge3A_294 : vector<256x1xi32>
    %select_n3A_296 = arith.select %ge3A_295, %add3A_286, %select_n3A_283 : vector<256x1xi1>, vector<256x1xi32>
    %add3A_297 = arith.constant 128 : i32
    %add3A_298 = vector.broadcast %add3A_297 : i32 to vector<256x1xi32>
    %add3A_299 = arith.addi %select_n3A_296, %add3A_298 : vector<256x1xi32>
    %ge3A_300 = vector.broadcast %add3A_299 : vector<256x1xi32> to vector<256x1024xi32>
    %ge3A_301 = arith.cmpi sge, %bitcast_convert_type3A, %ge3A_300 : vector<256x1024xi32>
    %convert_element_type3A_302 = arith.extui %ge3A_301 : vector<256x1024xi1> to vector<256x1024xi32>
    %reduce_sum3A_303 = arith.constant dense<0> : vector<256xi32>
    %reduce_sum3A_304 = vector.multi_reduction <add>, %convert_element_type3A_302, %reduce_sum3A_303 [1] : vector<256x1024xi32> to vector<256xi32>
    %broadcast_in_dim3A_305 = vector.shape_cast %reduce_sum3A_304 : vector<256xi32> to vector<256x1xi32>
    %ge3A_306 = arith.constant 102 : i32
    %ge3A_307 = vector.broadcast %ge3A_306 : i32 to vector<256x1xi32>
    %ge3A_308 = arith.cmpi sge, %broadcast_in_dim3A_305, %ge3A_307 : vector<256x1xi32>
    %select_n3A_309 = arith.select %ge3A_308, %add3A_299, %select_n3A_296 : vector<256x1xi1>, vector<256x1xi32>
    %add3A_310 = arith.constant 64 : i32
    %add3A_311 = vector.broadcast %add3A_310 : i32 to vector<256x1xi32>
    %add3A_312 = arith.addi %select_n3A_309, %add3A_311 : vector<256x1xi32>
    %ge3A_313 = vector.broadcast %add3A_312 : vector<256x1xi32> to vector<256x1024xi32>
    %ge3A_314 = arith.cmpi sge, %bitcast_convert_type3A, %ge3A_313 : vector<256x1024xi32>
    %convert_element_type3A_315 = arith.extui %ge3A_314 : vector<256x1024xi1> to vector<256x1024xi32>
    %reduce_sum3A_316 = arith.constant dense<0> : vector<256xi32>
    %reduce_sum3A_317 = vector.multi_reduction <add>, %convert_element_type3A_315, %reduce_sum3A_316 [1] : vector<256x1024xi32> to vector<256xi32>
    %broadcast_in_dim3A_318 = vector.shape_cast %reduce_sum3A_317 : vector<256xi32> to vector<256x1xi32>
    %ge3A_319 = arith.constant 102 : i32
    %ge3A_320 = vector.broadcast %ge3A_319 : i32 to vector<256x1xi32>
    %ge3A_321 = arith.cmpi sge, %broadcast_in_dim3A_318, %ge3A_320 : vector<256x1xi32>
    %select_n3A_322 = arith.select %ge3A_321, %add3A_312, %select_n3A_309 : vector<256x1xi1>, vector<256x1xi32>
    %add3A_323 = arith.constant 32 : i32
    %add3A_324 = vector.broadcast %add3A_323 : i32 to vector<256x1xi32>
    %add3A_325 = arith.addi %select_n3A_322, %add3A_324 : vector<256x1xi32>
    %ge3A_326 = vector.broadcast %add3A_325 : vector<256x1xi32> to vector<256x1024xi32>
    %ge3A_327 = arith.cmpi sge, %bitcast_convert_type3A, %ge3A_326 : vector<256x1024xi32>
    %convert_element_type3A_328 = arith.extui %ge3A_327 : vector<256x1024xi1> to vector<256x1024xi32>
    %reduce_sum3A_329 = arith.constant dense<0> : vector<256xi32>
    %reduce_sum3A_330 = vector.multi_reduction <add>, %convert_element_type3A_328, %reduce_sum3A_329 [1] : vector<256x1024xi32> to vector<256xi32>
    %broadcast_in_dim3A_331 = vector.shape_cast %reduce_sum3A_330 : vector<256xi32> to vector<256x1xi32>
    %ge3A_332 = arith.constant 102 : i32
    %ge3A_333 = vector.broadcast %ge3A_332 : i32 to vector<256x1xi32>
    %ge3A_334 = arith.cmpi sge, %broadcast_in_dim3A_331, %ge3A_333 : vector<256x1xi32>
    %select_n3A_335 = arith.select %ge3A_334, %add3A_325, %select_n3A_322 : vector<256x1xi1>, vector<256x1xi32>
    %add3A_336 = arith.constant 16 : i32
    %add3A_337 = vector.broadcast %add3A_336 : i32 to vector<256x1xi32>
    %add3A_338 = arith.addi %select_n3A_335, %add3A_337 : vector<256x1xi32>
    %ge3A_339 = vector.broadcast %add3A_338 : vector<256x1xi32> to vector<256x1024xi32>
    %ge3A_340 = arith.cmpi sge, %bitcast_convert_type3A, %ge3A_339 : vector<256x1024xi32>
    %convert_element_type3A_341 = arith.extui %ge3A_340 : vector<256x1024xi1> to vector<256x1024xi32>
    %reduce_sum3A_342 = arith.constant dense<0> : vector<256xi32>
    %reduce_sum3A_343 = vector.multi_reduction <add>, %convert_element_type3A_341, %reduce_sum3A_342 [1] : vector<256x1024xi32> to vector<256xi32>
    %broadcast_in_dim3A_344 = vector.shape_cast %reduce_sum3A_343 : vector<256xi32> to vector<256x1xi32>
    %ge3A_345 = arith.constant 102 : i32
    %ge3A_346 = vector.broadcast %ge3A_345 : i32 to vector<256x1xi32>
    %ge3A_347 = arith.cmpi sge, %broadcast_in_dim3A_344, %ge3A_346 : vector<256x1xi32>
    %select_n3A_348 = arith.select %ge3A_347, %add3A_338, %select_n3A_335 : vector<256x1xi1>, vector<256x1xi32>
    %add3A_349 = arith.constant 8 : i32
    %add3A_350 = vector.broadcast %add3A_349 : i32 to vector<256x1xi32>
    %add3A_351 = arith.addi %select_n3A_348, %add3A_350 : vector<256x1xi32>
    %ge3A_352 = vector.broadcast %add3A_351 : vector<256x1xi32> to vector<256x1024xi32>
    %ge3A_353 = arith.cmpi sge, %bitcast_convert_type3A, %ge3A_352 : vector<256x1024xi32>
    %convert_element_type3A_354 = arith.extui %ge3A_353 : vector<256x1024xi1> to vector<256x1024xi32>
    %reduce_sum3A_355 = arith.constant dense<0> : vector<256xi32>
    %reduce_sum3A_356 = vector.multi_reduction <add>, %convert_element_type3A_354, %reduce_sum3A_355 [1] : vector<256x1024xi32> to vector<256xi32>
    %broadcast_in_dim3A_357 = vector.shape_cast %reduce_sum3A_356 : vector<256xi32> to vector<256x1xi32>
    %ge3A_358 = arith.constant 102 : i32
    %ge3A_359 = vector.broadcast %ge3A_358 : i32 to vector<256x1xi32>
    %ge3A_360 = arith.cmpi sge, %broadcast_in_dim3A_357, %ge3A_359 : vector<256x1xi32>
    %select_n3A_361 = arith.select %ge3A_360, %add3A_351, %select_n3A_348 : vector<256x1xi1>, vector<256x1xi32>
    %add3A_362 = arith.constant 4 : i32
    %add3A_363 = vector.broadcast %add3A_362 : i32 to vector<256x1xi32>
    %add3A_364 = arith.addi %select_n3A_361, %add3A_363 : vector<256x1xi32>
    %ge3A_365 = vector.broadcast %add3A_364 : vector<256x1xi32> to vector<256x1024xi32>
    %ge3A_366 = arith.cmpi sge, %bitcast_convert_type3A, %ge3A_365 : vector<256x1024xi32>
    %convert_element_type3A_367 = arith.extui %ge3A_366 : vector<256x1024xi1> to vector<256x1024xi32>
    %reduce_sum3A_368 = arith.constant dense<0> : vector<256xi32>
    %reduce_sum3A_369 = vector.multi_reduction <add>, %convert_element_type3A_367, %reduce_sum3A_368 [1] : vector<256x1024xi32> to vector<256xi32>
    %broadcast_in_dim3A_370 = vector.shape_cast %reduce_sum3A_369 : vector<256xi32> to vector<256x1xi32>
    %ge3A_371 = arith.constant 102 : i32
    %ge3A_372 = vector.broadcast %ge3A_371 : i32 to vector<256x1xi32>
    %ge3A_373 = arith.cmpi sge, %broadcast_in_dim3A_370, %ge3A_372 : vector<256x1xi32>
    %select_n3A_374 = arith.select %ge3A_373, %add3A_364, %select_n3A_361 : vector<256x1xi1>, vector<256x1xi32>
    %add3A_375 = arith.constant 2 : i32
    %add3A_376 = vector.broadcast %add3A_375 : i32 to vector<256x1xi32>
    %add3A_377 = arith.addi %select_n3A_374, %add3A_376 : vector<256x1xi32>
    %ge3A_378 = vector.broadcast %add3A_377 : vector<256x1xi32> to vector<256x1024xi32>
    %ge3A_379 = arith.cmpi sge, %bitcast_convert_type3A, %ge3A_378 : vector<256x1024xi32>
    %convert_element_type3A_380 = arith.extui %ge3A_379 : vector<256x1024xi1> to vector<256x1024xi32>
    %reduce_sum3A_381 = arith.constant dense<0> : vector<256xi32>
    %reduce_sum3A_382 = vector.multi_reduction <add>, %convert_element_type3A_380, %reduce_sum3A_381 [1] : vector<256x1024xi32> to vector<256xi32>
    %broadcast_in_dim3A_383 = vector.shape_cast %reduce_sum3A_382 : vector<256xi32> to vector<256x1xi32>
    %ge3A_384 = arith.constant 102 : i32
    %ge3A_385 = vector.broadcast %ge3A_384 : i32 to vector<256x1xi32>
    %ge3A_386 = arith.cmpi sge, %broadcast_in_dim3A_383, %ge3A_385 : vector<256x1xi32>
    %select_n3A_387 = arith.select %ge3A_386, %add3A_377, %select_n3A_374 : vector<256x1xi1>, vector<256x1xi32>
    %add3A_388 = arith.constant 1 : i32
    %add3A_389 = vector.broadcast %add3A_388 : i32 to vector<256x1xi32>
    %add3A_390 = arith.addi %select_n3A_387, %add3A_389 : vector<256x1xi32>
    %ge3A_391 = vector.broadcast %add3A_390 : vector<256x1xi32> to vector<256x1024xi32>
    %ge3A_392 = arith.cmpi sge, %bitcast_convert_type3A, %ge3A_391 : vector<256x1024xi32>
    %convert_element_type3A_393 = arith.extui %ge3A_392 : vector<256x1024xi1> to vector<256x1024xi32>
    %reduce_sum3A_394 = arith.constant dense<0> : vector<256xi32>
    %reduce_sum3A_395 = vector.multi_reduction <add>, %convert_element_type3A_393, %reduce_sum3A_394 [1] : vector<256x1024xi32> to vector<256xi32>
    %broadcast_in_dim3A_396 = vector.shape_cast %reduce_sum3A_395 : vector<256xi32> to vector<256x1xi32>
    %ge3A_397 = arith.constant 102 : i32
    %ge3A_398 = vector.broadcast %ge3A_397 : i32 to vector<256x1xi32>
    %ge3A_399 = arith.cmpi sge, %broadcast_in_dim3A_396, %ge3A_398 : vector<256x1xi32>
    %select_n3A_400 = arith.select %ge3A_399, %add3A_390, %select_n3A_387 : vector<256x1xi1>, vector<256x1xi32>
    %ge3A_401 = vector.broadcast %select_n3A_400 : vector<256x1xi32> to vector<256x1024xi32>
    %ge3A_402 = arith.cmpi sge, %bitcast_convert_type3A, %ge3A_401 : vector<256x1024xi32>
    %broadcast_in_dim3A_403 = arith.constant 0.000000e+00 : f32
    %broadcast_in_dim3A_404 = vector.broadcast %broadcast_in_dim3A_403 : f32 to vector<256x1024xf32>
    %select_n3A_405 = arith.select %ge3A_402, %get3A_1, %broadcast_in_dim3A_404 : vector<256x1024xi1>, vector<256x1024xf32>
    %get3A_406 = arith.constant 0 : index
    %get3A_407 = memref.load %arg1[%get3A_406] : memref<2xf32, #tpu.memory_space<smem>>
    %mul3A = vector.broadcast %get3A_407 : f32 to vector<256x1024xf32>
    %mul3A_408 = arith.mulf %select_n3A_405, %mul3A : vector<256x1024xf32>
    %get3A_409 = arith.constant 1 : index
    %get3A_410 = memref.load %arg1[%get3A_409] : memref<2xf32, #tpu.memory_space<smem>>
    %mul3A_411 = vector.broadcast %get3A_410 : f32 to vector<256x1024xf32>
    %mul3A_412 = arith.mulf %get3A_1, %mul3A_411 : vector<256x1024xf32>
    %add3A_413 = arith.addf %mul3A_408, %mul3A_412 : vector<256x1024xf32>
    %swap3A = arith.constant 0 : index
    %swap3A_414 = arith.constant 0 : index
    %swap3A_415 = vector.load %arg3[%swap3A, %swap3A_414] : memref<256x1024xf32, #tpu.memory_space<vmem>>, vector<256x1024xf32>
    tpu.vector_store %arg3[%swap3A, %swap3A_414], %add3A_413 {strides = array<i32>} : memref<256x1024xf32, #tpu.memory_space<vmem>>, vector<256x1024xf32>,
    return
  }
  func.func @transform_0(%arg0: i32) -> i32 {
    %c0_i32 = arith.constant 0 : i32
    %c0_i32_0 = arith.constant 0 : i32
    return %c0_i32 : i32
  }
  func.func @transform_1(%arg0: i32) -> (i32, i32) {
    %add3A = arith.constant 0 : i32
    %add3A_0 = arith.addi %arg0, %add3A : i32
    %c0_i32 = arith.constant 0 : i32
    %c0_i32_1 = arith.constant 0 : i32
    return %add3A_0, %c0_i32 : i32, i32
  }
  func.func @transform_2(%arg0: i32) -> (i32, i32) {
    %add3A = arith.constant 0 : i32
    %add3A_0 = arith.addi %arg0, %add3A : i32
    %c0_i32 = arith.constant 0 : i32
    %c0_i32_1 = arith.constant 0 : i32
    return %add3A_0, %c0_i32 : i32, i32
  }
}

</mosaic_0001>

<sc_bundles>
// kernel: kernel.4.cloned.1.call-start
scs
__scs_entry_jumppad:
0x0: {  	(pc) =	sbr.rel $0x88, $3  }
0x1: {  	(tag) =	ssettag $0x0;
	lr =	simm.s32 $0x1  }
0x2: {  	[smem:$0x3F9F] =	sst lr;
	_ =	strace $0xD0000000  }
0x3: {  	_ = 	snop  }
0x4: {  	_ = 	snop  }
0x5: {  	_ = 	snop  }
0x6: {  	_ = 	snop  }
0x7: {  	_ = 	snop  }
__scs_overlays_trampoline_lowered:
0x8: {  	[smem:$0x3FAE] =	sst s0  }
0x9: {  	[smem:$0x3FAF] =	sst s1  }
0xa: {  	[smem:$0x3FB0] =	sst s2  }
0xb: {  	[smem:$0x3FB1] =	sst s3  }
0xc: {  	[smem:$0x3FB2] =	sst s4  }
0xd: {  	[smem:$0x3FB3] =	sst s5  }
0xe: {  	[smem:$0x3FB4] =	sst s6  }
0xf: {  	[smem:$0x3FB5] =	sst s7  }
0x10: {  	[smem:$0x3FB6] =	sst s8  }
0x11: {  	[smem:$0x3FB7] =	sst s9;
	s0 =	simm.s32 @!p0 $0x0  }
0x12: {  	s1 =	sld [smem:$0x3F9D];
	s0 =	simm.s32 @p0 $0x1  }
0x13: {  	[smem:$0x3FB8] =	sst s0;
	s0 =	simm.s32 @!p1 $0x0  }
0x14: {  	s2 =	sld [smem:$0x3F9C];
	s0 =	simm.s32 @p1 $0x1  }
0x15: {  	[smem:$0x3FB9] =	sst s0;
	s0 =	simm.s32 @!p2 $0x0  }
0x16: {  	s3 =	sld [smem:$0x3FDB];
	s0 =	simm.s32 @p2 $0x1  }
0x17: {  	s4 =	simm.s32 $0x1BF5;
	[smem:$0x3FBB] =	sst s0  }
0x18: {  	s0 =	sld [smem:$0x3F9E];
	_ =	swait.ge [sflag:s4], $0x0  }
0x19: {  	s7 =	sld [smem:$0x3F9F]  }
0x1a: {  	s8 =	sadd.s32 $0xFFFFE003, lr  }
0x1b: {  	s9 =	sadd.s32 $0xFFFFFEF7, lr;
	s5 =	simm.s32 $0xFFFFFFFF;
	p2 =	slt.u32 s8, $0xFFFFF086  }
0x1c: {  	p1 =	slt.u32 s9, $0xF7A;
	s5 =	simm.s32 @!p2 $0x0  }
0x1d: {  	s5 =	simm.s32 @p1 $0x1;
	p0 =	seq.s32 s7, s2  }
0x1e: {  	s7 =	smul.u32 @!p0 $0xF7A, s2;
	p2 =	seq.s32 @!p0 s5, $0x0  }
0x1f: {  	s9 =	smul.u32 $0xF7A, s1;
	s8 =	simm.s32 @!p0 $0x1BF5;
	p2 =	por !p2, p0  }
0x20: {  	[sflag:s8] =	ssyncset.s32 @!p0 $0xFFFFF086;
	s6 =	sadd.s32 @!p0 s3, s7;
	s7 =	simm.s32 @!p0 $0x108  }
0x21: {  	s3 =	sadd.s32 s3, s9;
	s6 =	sadd.s32 @!p0 $0x88, s6;
	s7 =	simm.s32 @p2 $0x1082  }
0x22: {  	[simem:s7], [sflag:s8] =	dma.local @!p0 [hbm:s6], $0xF7A  }
0x23: {  	s9 =	sor.u32 $0xD0000000, s2;
	s6 =	simm.s32 $0x108;
	_ =	swait.ge @!p0 [sflag:s8], $0x0  }
0x24: {  	s3 =	sadd.s32 $0x88, s3;
	s6 =	simm.s32 @!p1 $0x1082;
	[sflag:s4] =	ssyncset.s32 $0xFFFFF086  }
0x25: {  	[simem:s6], [sflag:s4] =	dma.local [hbm:s3], $0xF7A  }
0x26: {  	[smem:$0x3F9F] =	sst s1;
	(tag) =	ssettag s2;
	_ =	strace s9  }
0x27: {  	s1 =	sld [smem:$0x3FAF]  }
0x28: {  	s2 =	sld [smem:$0x3FB0]  }
0x29: {  	s4 =	sld [smem:$0x3FB2]  }
0x2a: {  	p0 =	seq.s32 s5, $0x0;
	s5 =	sld [smem:$0x3FB3]  }
0x2b: {  	s6 =	sld [smem:$0x3FB4]  }
0x2c: {  	s7 =	sld [smem:$0x3FB5]  }
0x2d: {  	s3 =	simm.s32 $0x108;
	s8 =	sld [smem:$0x3FB6]  }
0x2e: {  	s3 =	simm.s32 @!p0 $0x1082;
	s9 =	sld [smem:$0x3FB7]  }
0x2f: {  	lr =	sadd.s32 s0, s3;
	s0 =	sld [smem:$0x3FAE]  }
0x30: {  	s3 =	sld [smem:$0x3FB1]  }
0x31: {  	[smem:$0x3FBA] =	sst s10  }
0x32: {  	s10 =	sld [smem:$0x3FB8];
	_ =	sdelay $0x3  }
0x33: {  	p0 =	seq.s32 s10, $0x1;
	s10 =	sld [smem:$0x3FBA];
	_ =	sdelay $0x3  }
0x34: {  	[smem:$0x3FBA] =	sst s10  }
0x35: {  	s10 =	sld [smem:$0x3FB9];
	_ =	sdelay $0x3  }
0x36: {  	p1 =	seq.s32 s10, $0x1;
	s10 =	sld [smem:$0x3FBA];
	_ =	sdelay $0x3  }
0x37: {  	[smem:$0x3FBA] =	sst s10  }
0x38: {  	s10 =	sld [smem:$0x3FBB]  }
0x39: {  	_ = 	snop;
	(pc) =	sbr.ind lr, $3  }
0x3a: {  	_ = 	snop  }
0x3b: {  	_ = 	snop  }
0x3c: {  	p2 =	seq.s32 s10, $0x1;
	s10 =	sld [smem:$0x3FBA]  }
0x3d: {  	_ =	shalt  }
0x3e: {  	_ =	shalt  }
0x3f: {  	_ =	shalt  }
0x40: {  	_ =	shalt  }
0x41: {  	_ =	shalt  }
0x42: {  	_ =	shalt  }
0x43: {  	_ =	shalt  }
0x44: {  	_ =	shalt  }
0x45: {  	_ =	shalt  }
0x46: {  	_ =	shalt  }
0x47: {  	_ =	shalt  }
0x48: {  	_ =	shalt  }
0x49: {  	_ =	shalt  }
0x4a: {  	_ =	shalt  }
0x4b: {  	_ =	shalt  }
0x4c: {  	_ =	shalt  }
0x4d: {  	_ =	shalt  }
0x4e: {  	_ =	shalt  }
0x4f: {  	_ =	shalt  }
0x50: {  	_ =	shalt  }
0x51: {  	_ =	shalt  }
0x52: {  	_ =	shalt  }
0x53: {  	_ =	shalt  }
0x54: {  	_ =	shalt  }
0x55: {  	_ =	shalt  }
0x56: {  	_ =	shalt  }
0x57: {  	_ =	shalt  }
0x58: {  	_ =	shalt  }
0x59: {  	_ =	shalt  }
0x5a: {  	_ =	shalt  }
0x5b: {  	_ =	shalt  }
0x5c: {  	_ =	shalt  }
0x5d: {  	_ =	shalt  }
0x5e: {  	_ =	shalt  }
0x5f: {  	_ =	shalt  }
0x60: {  	_ =	shalt  }
0x61: {  	_ =	shalt  }
0x62: {  	_ =	shalt  }
0x63: {  	_ =	shalt  }
0x64: {  	_ =	shalt  }
0x65: {  	_ =	shalt  }
0x66: {  	_ =	shalt  }
0x67: {  	_ =	shalt  }
0x68: {  	_ =	shalt  }
0x69: {  	_ =	shalt  }
0x6a: {  	_ =	shalt  }
0x6b: {  	_ =	shalt  }
0x6c: {  	_ =	shalt  }
0x6d: {  	_ =	shalt  }
0x6e: {  	_ =	shalt  }
0x6f: {  	_ =	shalt  }
0x70: {  	_ =	shalt  }
0x71: {  	_ =	shalt  }
0x72: {  	_ =	shalt  }
0x73: {  	_ =	shalt  }
0x74: {  	_ =	shalt  }
0x75: {  	_ =	shalt  }
0x76: {  	_ =	shalt  }
0x77: {  	_ =	shalt  }
0x78: {  	_ =	shalt  }
0x79: {  	_ =	shalt  }
0x7a: {  	_ =	shalt  }
0x7b: {  	_ =	shalt  }
0x7c: {  	_ =	shalt  }
0x7d: {  	_ =	shalt  }
0x7e: {  	_ =	shalt  }
0x7f: {  	_ =	shalt  }
0x80: {  	_ =	shalt  }
0x81: {  	_ =	shalt  }
0x82: {  	_ =	shalt  }
0x83: {  	_ =	shalt  }
0x84: {  	_ =	shalt  }
0x85: {  	_ =	shalt  }
0x86: {  	_ =	shalt  }
0x87: {  	_ =	shalt  }
.Lfunc_end0:
.L_simem_size_0:
called_computation.4_lowered:
.L_overlay_start_0:
0x88: {  	s2 =	sld [smem:$0x3FD9]  }
0x89: {  	s3 =	sld [smem:$0x3FFE];
	_ =	sdelay $0x1  }
0x8a: {  	s1 =	srdreg.scid  }
0x8b: {  	s0 =	sand.u32 $0x1, s1  }
0x8c: {  	s16 =	sshll.u32 s0, $0xA;
	s2 =	sadd.s32 s3, s2  }
0x8d: {  	s2 =	sadd.s32 s2, s16  }
0x8e: {  	[smem:$0x3FC6] =	sst s2  }
0x8f: {  	_ = 	snop  }
0x90: {  	(tm) =	ssettm $0x1  }
0x91: {  	s17 =	sld [smem:$0x3FFB];
	_ =	sdelay $0x3  }
0x92: {  	_ =	strace s17  }
0x93: {  	s2 =	sld [smem:$0x3FFC];
	_ =	sdelay $0x3  }
0x94: {  	_ =	strace s2  }
0x95: {  	s2 =	sld [smem:$0x3FFD];
	_ =	sdelay $0x3  }
0x96: {  	_ =	strace s2  }
0x97: {  	_ =	strace $0x8FFFFFFF  }
0x98: {  	s18 =	sld [smem:$0x3FDB];
	_ =	sdelay $0x1  }
0x99: {  	s19 =	simm.s32 $_scs_section_size  }
0x9a: {  	s4 =	simm.s32 $_size__tile_overlayer_lowered;
	s5 =	simm.s32 $_tile_overlayer_lowered  }
0x9b: {  	s22 =	simm.s32 $0x1BFF;
	s21 =	sshll.u32 s5, $0x1;
	s2 =	sadd.s32 s19, s18  }
0x9c: {  	s6 =	simm.s32 $0x0;
	s20 =	sshll.u32 s4, $0x1;
	s4 =	sadd.s32 s21, s2  }
0x9d: {  	[timem:s6], [sflag:s22] =	dma.local [hbm:s4], s20  }
0x9e: {  	_ =	swait.ge [sflag:s22], s20  }
0x9f: {  	s3 =	ssub.s32 $0x0, s20;
	[sflag:s22] =	ssyncset.done $0x0  }
0xa0: {  	[sflag:s22] =	ssyncadd.s32 s3;
	_ =	sdelay $0x1  }
0xa1: {  	s23 =	simm.s32 $0x1B8B  }
0xa2: {  	_ =	swait.ge [sflag:s23], $0x1  }
0xa3: {  	[sflag:s23] =	ssyncset.done $0x0  }
0xa4: {  	s25 =	simm.s32 $0x1B8E;
	s24 =	sld [smem:$0x3FFE];
	[sflag:s23] =	ssyncadd.s32 $0xFFFFFFFF  }
0xa5: {  	s26 =	simm.s32 $execute0_lowered;
	[smem:$0x3FD2] =	sst s25  }
0xa6: {  	s4 =	sshll.u32 s26, $0x1;
	_ =	strace $0x80000049;
	[dreg:$0x1] =	wrdreg $0xFFFFFFFF  }
0xa7: {  	s28 =	simm.s32 $_size_execute0_lowered;
	s2 =	sadd.s32 s2, s4;
	[dreg:$0x0] =	wrdreg $0x0  }
0xa8: {  	s4 =	sshll.u32 s28, $0x1;
	[dreg:$0x2] =	wrdreg s2  }
0xa9: {  	[dreg:$0x3] =	wrdreg s4  }
0xaa: {  	[dreg:$0x4] =	wrdreg $0xC0  }
0xab: {  	_ =	task [dreg:s6], $0x5FFFF  }
0xac: {  	[dreg:$0x1] =	wrdreg $0xFFFFFFFF  }
0xad: {  	[dreg:$0x0] =	wrdreg $0x60  }
0xae: {  	[dreg:$0x2] =	wrdreg s24  }
0xaf: {  	[dreg:$0x3] =	wrdreg $0x9  }
0xb0: {  	_ =	task.clear_ibuf [dreg:s6], $0x4FFFF;
	_ =	strace $0x90000049  }
0xb1: {  	s29 =	simm.s32 $0x9;
	_ =	strace $0x8000004B  }
0xb2: {  	_ =	swait.ge [sflag:s29], $0x1  }
0xb3: {  	[sflag:s29] =	ssyncadd.s32 $0xFFFFFFFF  }
0xb4: {  	_ =	strace $0x9000004B  }
0xb5: {  	_ =	sfence  }
0xb6: {  	s30 =	sld [smem:$0x0];
	_ =	sdelay $0x2  }
0xb7: {  	s31 =	sshll.u32 s1, $0xD;
	s1 =	sshrl.u32 s1, $0x2  }
0xb8: {  	s3 =	sand.u32 $0x4000, s31;
	s1 =	sadd.s32 s1, s30  }
0xb9: {  	s0 =	sor.u32 s3, s0;
	s1 =	sshll.u32 s1, $0x11  }
0xba: {  	s0 =	sor.u32 s1, s0  }
0xbb: {  	s0 =	sadd.s32 $0x8F2B, s0  }
0xbc: {  	[sflag:s0] =	ssyncadd.remote.s32 $0x1  }
0xbd: {  	_ =	sfence.sel $0xFFFF  }
0xbe: {  	[dreg:$0x0] =	wrdreg $0xFFFFFFFF;
	(pc) =	sbr.abs _section_cstart, $3  }
0xbf: {  	[dreg:$0x1] =	wrdreg $0xFFFFFFFF  }
0xc0: {  	_ =	task.clear_ibuf [dreg:s6], $0x2FFFF;
	_ =	strace $0x9FFFFFFF  }
0xc1: {  	(tm) =	ssettm $0x7FFFFFFF  }
tec
execute0_lowered:
.L_overlay_start_1:
0x0: {  	(tag) =	ssettag $0x1  }
0x1: {  	v0 =	vimm.s32 $0xEFCDAB89;
	v1 =	vimm.s32 $0x67452301  }
0x2: {  	v2 =	vimm.s32 $0xDCFE98BA;
	v3 =	vimm.s32 $0x54761032;
	v4 =	vimm.s32 $0xBA98FEDC  }
0x3: {  	v5 =	vimm.s32 $0x32107654;
	v6 =	vimm.s32 $0xFEDCBA98;
	v7 =	vimm.s32 $0x76543210  }
0x4: {  	s5 =	rddreg [dreg:$0x0];
	v0 =	vunpack.c.l.s4.s8 v0;
	v1 =	vunpack.c.l.s4.s8 v1;
	v2 =	vunpack.c.l.s4.s8 v2  }
0x5: {  	s0 =	rddreg [dreg:$0x1];
	s1 =	simm.s32 $0x0;
	v3 =	vunpack.c.l.s4.s8 v3;
	v4 =	vunpack.c.l.s4.s8 v4;
	v5 =	vunpack.c.l.s4.s8 v5  }
0x6: {  	s2 =	srdreg.scid;
	s3 =	stileid.u32;
	s9 =	simm.s32 $0x1;
	v6 =	vunpack.c.l.s4.s8 v6;
	v7 =	vunpack.c.l.s4.s8 v7;
	v0 =	vunpack.c.0.s8.s32 v0  }
0x7: {  	s10 =	simm.s32 $0x0;
	[smem:$0x7FF] =	sst s1;
	s6 =	sand.u32 $0x1, s2;
	v1 =	vunpack.c.0.s8.s32 v1;
	v2 =	vunpack.c.0.s8.s32 v2;
	v3 =	vunpack.c.0.s8.s32 v3  }
0x8: {  	s2 =	sadd.s32 $0x181A00, s5;
	s4 =	sadd.s32 $0x181800, s5;
	s7 =	ssub.s32 $0x2, s6;
	v4 =	vunpack.c.0.s8.s32 v4;
	v5 =	vunpack.c.0.s8.s32 v5;
	v6 =	vunpack.c.0.s8.s32 v6  }
0x9: {  	s31 =	sshll.u32 s3, $0xF;
	s5 =	sadd.s32 $0x201A00, s5;
	s8 =	sshrl.u32 s7, $0x1;
	v7 =	vunpack.c.0.s8.s32 v7;
	v0 =	vcombine.low v1, v0  }
0xa: {  	_ =	strace $0x8000004A;
	s6 =	sshll.u32 s6, $0xE;
	s7 =	ssub.s32 s7, s8;
	v1 =	vcombine.low v3, v2;
	v2 =	vcombine.low v5, v4;
	v4 =	vand.u32 $0xF, v6  }
0xb: {  	s6 =	sor.u32 s6, s31;
	s8 =	simm.s32 $0x4000;
	s7 =	smax.u32 s7, $0x1;
	v3 =	vimm.f32 $0.0e+00;
	v5 =	vimm.f32 $1.000000000e+00;
	v4 =	vcombine.low v4, v7  }
.LBB2_1:
0xc: {  	[tilespmem:s8], [sflag:$0x1] =	stream.linear.gather [hbm4b:s4+s1], $0x80, $0x38;
	[tilespmem:$0x4100] =	vst v63  }
0xd: {  	_ =	swait.ge [sflag:s9], $0x80  }
0xe: {  	[sflag:s9] =	ssyncset.done $0x0  }
0xf: {  	[sflag:s9] =	ssyncadd.s32 $0xFFFFFF80  }
0x10: {  	v6 =	vld [tilespmem:$0x4000];
	_ =	sdelay $0x1  }
0x11: {  	v7 =	vld [tilespmem:$0x4010];
	_ =	sdelay $0x1  }
0x12: {  	s11 =	simm.s32 $0x0  }
.LBB2_2:
0x13: {  	s12 =	sshll.u32 s11, $0xB  }
0x14: {  	s12 =	sadd.s32 s6, s12  }
0x15: {  	s13 =	simm.s32 $0x0;
	s14 =	sadd.s32 s2, s12  }
0x16: {  	[tilespmem:s13], [sflag:$0x1] =	stream.linear.gather [hbm4b:s14+s13], $0x4000, $0x38;
	[tilespmem:$0x4100] =	vst v63  }
0x17: {  	_ =	swait.ge [sflag:s9], $0x4000  }
0x18: {  	[sflag:s9] =	ssyncset.done $0x0  }
0x19: {  	s15 =	simm.s32 $0x0;
	s14 =	simm.s32 $0x0;
	[sflag:s9] =	ssyncadd.s32 $0xFFFFC000  }
.LBB2_3:
0x1a: {  	s16 =	sshll.u32 s14, $0x2;
	s17 =	sand.u32 $0x7, s13  }
0x1b: {  	s16 =	sand.u32 $0xFFFF8000, s16;
	s17 =	sshll.u32 s17, $0x9  }
0x1c: {  	s16 =	sor.u32 s17, s16  }
0x1d: {  	s16 =	sshrl.u32 s16, $0x2  }
0x1e: {  	s16 =	sor.u32 $0x400, s16  }
0x1f: {  	v8 =	vld [tilespmem:s16+$0xFFFFFC00];
	_ =	sdelay $0x1  }
0x20: {  	v9 =	vld [tilespmem:s16+$0xFFFFFC10];
	_ =	sdelay $0x1  }
0x21: {  	v10 =	vld [tilespmem:s16+$0xFFFFFC20]  }
0x22: {  	v8 =	vand.u32 $0x7F800000, v8  }
0x23: {  	vm0 =	vgt.u32 v8, $0x3F7FFFFF;
	v8 =	vld [tilespmem:s16+$0xFFFFFC30]  }
0x24: {  	v11 =	vimm.f32 $0.0e+00;
	v9 =	vand.u32 $0x7F800000, v9;
	v12 =	vsel vm0, $0x3F800000, v3  }
0x25: {  	vm4 =	vgt.u32 v9, $0x3F7FFFFF;
	v9 =	vld [tilespmem:s16+$0xFFFFFC40];
	v11 =	vadd.f32 v12, v11  }
0x26: {  	v10 =	vand.u32 $0x7F800000, v10;
	v12 =	vsel vm4, $0x3F800000, v3  }
0x27: {  	vm5 =	vgt.u32 v10, $0x3F7FFFFF;
	v10 =	vld [tilespmem:s16+$0xFFFFFC50];
	v11 =	vadd.f32 v12, v11  }
0x28: {  	v12 =	vsel vm5, $0x3F800000, v3;
	v8 =	vand.u32 $0x7F800000, v8  }
0x29: {  	v11 =	vadd.f32 v12, v11;
	vm6 =	vgt.u32 v8, $0x3F7FFFFF;
	v8 =	vld [tilespmem:s16+$0xFFFFFC60]  }
0x2a: {  	v9 =	vand.u32 $0x7F800000, v9;
	v12 =	vsel vm6, $0x3F800000, v3  }
0x2b: {  	vm7 =	vgt.u32 v9, $0x3F7FFFFF;
	v9 =	vld [tilespmem:s16+$0xFFFFFC70];
	v11 =	vadd.f32 v12, v11  }
0x2c: {  	v10 =	vand.u32 $0x7F800000, v10;
	v12 =	vsel vm7, $0x3F800000, v3  }
0x2d: {  	vm8 =	vgt.u32 v10, $0x3F7FFFFF;
	v10 =	vld [tilespmem:s16+$0x0];
	v11 =	vadd.f32 v12, v11  }
0x2e: {  	v12 =	vsel vm8, $0x3F800000, v3;
	v8 =	vand.u32 $0x7F800000, v8  }
0x2f: {  	v11 =	vadd.f32 v12, v11;
	vm9 =	vgt.u32 v8, $0x3F7FFFFF;
	v8 =	vld [tilespmem:s16+$0x10]  }
0x30: {  	v9 =	vand.u32 $0x7F800000, v9;
	v12 =	vsel vm9, $0x3F800000, v3  }
0x31: {  	vm10 =	vgt.u32 v9, $0x3F7FFFFF;
	v9 =	vld [tilespmem:s16+$0x20];
	v11 =	vadd.f32 v12, v11  }
0x32: {  	v10 =	vand.u32 $0x7F800000, v10;
	v12 =	vsel vm10, $0x3F800000, v3  }
0x33: {  	vm11 =	vgt.u32 v10, $0x3F7FFFFF;
	v10 =	vld [tilespmem:s16+$0x30];
	v11 =	vadd.f32 v12, v11  }
0x34: {  	v12 =	vsel vm11, $0x3F800000, v3;
	v8 =	vand.u32 $0x7F800000, v8  }
0x35: {  	v13 =	vld [tilespmem:s16+$0x40];
	v11 =	vadd.f32 v12, v11;
	vm12 =	vgt.u32 v8, $0x3F7FFFFF  }
0x36: {  	v9 =	vand.u32 $0x7F800000, v9;
	v8 =	vsel vm12, $0x3F800000, v3  }
0x37: {  	v12 =	vld [tilespmem:s16+$0x50];
	vm13 =	vgt.u32 v9, $0x3F7FFFFF;
	v8 =	vadd.f32 v8, v11  }
0x38: {  	v10 =	vand.u32 $0x7F800000, v10;
	v9 =	vsel vm13, $0x3F800000, v3  }
0x39: {  	vm14 =	vgt.u32 v10, $0x3F7FFFFF;
	v8 =	vadd.f32 v9, v8;
	v9 =	vld [tilespmem:s16+$0x60]  }
0x3a: {  	v10 =	vand.u32 $0x7F800000, v13;
	v11 =	vsel vm14, $0x3F800000, v3  }
0x3b: {  	vm15 =	vgt.u32 v10, $0x3F7FFFFF;
	v10 =	vadd.f32 v11, v8;
	v8 =	vld [tilespmem:s16+$0x70]  }
0x3c: {  	s17 =	simm.s32 $0x0;
	s18 =	sadd.s32 $0x800, s16;
	v12 =	vand.u32 $0x7F800000, v12;
	v11 =	vsel vm15, $0x3F800000, v3  }
.LBB2_4:
0x3d: {  	v13 =	vld [tilespmem:s18+$0xFFFFFC00];
	s17 =	sadd.s32 $0x10, s17;
	v10 =	vadd.f32 v11, v10;
	vm0 =	vgt.u32 v12, $0x3F7FFFFF  }
0x3e: {  	p0 =	slt.u32 s17, $0x30;
	v11 =	vsel vm0, $0x3F800000, v3;
	v9 =	vand.u32 $0x7F800000, v9  }
0x3f: {  	v12 =	vld [tilespmem:s18+$0xFFFFFC10];
	v10 =	vadd.f32 v11, v10;
	vm0 =	vgt.u32 v9, $0x3F7FFFFF  }
0x40: {  	v9 =	vsel vm0, $0x3F800000, v3;
	v8 =	vand.u32 $0x7F800000, v8  }
0x41: {  	v11 =	vld [tilespmem:s18+$0xFFFFFC20];
	v9 =	vadd.f32 v9, v10;
	vm0 =	vgt.u32 v8, $0x3F7FFFFF  }
0x42: {  	v8 =	vand.u32 $0x7F800000, v13;
	v10 =	vsel vm0, $0x3F800000, v3  }
0x43: {  	vm0 =	vgt.u32 v8, $0x3F7FFFFF;
	v8 =	vld [tilespmem:s18+$0xFFFFFC30];
	v9 =	vadd.f32 v10, v9  }
0x44: {  	v10 =	vsel vm0, $0x3F800000, v3;
	v12 =	vand.u32 $0x7F800000, v12  }
0x45: {  	v9 =	vadd.f32 v10, v9;
	vm0 =	vgt.u32 v12, $0x3F7FFFFF;
	v10 =	vld [tilespmem:s18+$0xFFFFFC40]  }
0x46: {  	v12 =	vsel vm0, $0x3F800000, v3;
	v11 =	vand.u32 $0x7F800000, v11  }
0x47: {  	v9 =	vadd.f32 v12, v9;
	vm0 =	vgt.u32 v11, $0x3F7FFFFF;
	v11 =	vld [tilespmem:s18+$0xFFFFFC50]  }
0x48: {  	v12 =	vsel vm0, $0x3F800000, v3;
	v8 =	vand.u32 $0x7F800000, v8  }
0x49: {  	v9 =	vadd.f32 v12, v9;
	vm0 =	vgt.u32 v8, $0x3F7FFFFF;
	v8 =	vld [tilespmem:s18+$0xFFFFFC60]  }
0x4a: {  	v12 =	vsel vm0, $0x3F800000, v3;
	v10 =	vand.u32 $0x7F800000, v10  }
0x4b: {  	v9 =	vadd.f32 v12, v9;
	vm0 =	vgt.u32 v10, $0x3F7FFFFF;
	v10 =	vld [tilespmem:s18+$0xFFFFFC70]  }
0x4c: {  	v12 =	vsel vm0, $0x3F800000, v3;
	v11 =	vand.u32 $0x7F800000, v11  }
0x4d: {  	v9 =	vadd.f32 v12, v9;
	vm0 =	vgt.u32 v11, $0x3F7FFFFF;
	v11 =	vld [tilespmem:s18+$0x0]  }
0x4e: {  	v12 =	vsel vm0, $0x3F800000, v3;
	v8 =	vand.u32 $0x7F800000, v8  }
0x4f: {  	v9 =	vadd.f32 v12, v9;
	vm0 =	vgt.u32 v8, $0x3F7FFFFF;
	v8 =	vld [tilespmem:s18+$0x10]  }
0x50: {  	v12 =	vsel vm0, $0x3F800000, v3;
	v10 =	vand.u32 $0x7F800000, v10  }
0x51: {  	v9 =	vadd.f32 v12, v9;
	vm0 =	vgt.u32 v10, $0x3F7FFFFF;
	v10 =	vld [tilespmem:s18+$0x20]  }
0x52: {  	v12 =	vsel vm0, $0x3F800000, v3;
	v11 =	vand.u32 $0x7F800000, v11  }
0x53: {  	v9 =	vadd.f32 v12, v9;
	vm0 =	vgt.u32 v11, $0x3F7FFFFF;
	v11 =	vld [tilespmem:s18+$0x30]  }
0x54: {  	v12 =	vsel vm0, $0x3F800000, v3;
	v8 =	vand.u32 $0x7F800000, v8  }
0x55: {  	v9 =	vadd.f32 v12, v9;
	vm0 =	vgt.u32 v8, $0x3F7FFFFF;
	v8 =	vld [tilespmem:s18+$0x40]  }
0x56: {  	v12 =	vsel vm0, $0x3F800000, v3;
	v10 =	vand.u32 $0x7F800000, v10  }
0x57: {  	v9 =	vadd.f32 v12, v9;
	vm0 =	vgt.u32 v10, $0x3F7FFFFF;
	v12 =	vld [tilespmem:s18+$0x50]  }
.Ltmp0:
0x58: {  	v10 =	vsel vm0, $0x3F800000, v3;
	v11 =	vand.u32 $0x7F800000, v11;
	(pc) =	sbr.rel @p0 .LBB2_4-.Ltmp0, $4  }
0x59: {  	v10 =	vadd.f32 v10, v9;
	vm0 =	vgt.u32 v11, $0x3F7FFFFF;
	v9 =	vld [tilespmem:s18+$0x60]  }
0x5a: {  	v11 =	vsel vm0, $0x3F800000, v3;
	v8 =	vand.u32 $0x7F800000, v8  }
0x5b: {  	v10 =	vadd.f32 v11, v10;
	vm0 =	vgt.u32 v8, $0x3F7FFFFF;
	v8 =	vld [tilespmem:s18+$0x70]  }
0x5c: {  	s18 =	sadd.s32 $0x800, s18;
	v11 =	vsel vm0, $0x3F800000, v3;
	v12 =	vand.u32 $0x7F800000, v12  }
0x5d: {  	v13 =	vld [tilespmem:s16+$0xFFFFFC00];
	_ =	sdelay $0x1  }
0x5e: {  	v14 =	vld [tilespmem:s16+$0xFFFFFC10];
	_ =	sdelay $0x1  }
0x5f: {  	v10 =	vadd.f32 v11, v10;
	vm0 =	vgt.u32 v12, $0x3F7FFFFF;
	v11 =	vld [tilespmem:s16+$0xFFFFFC20]  }
0x60: {  	v12 =	vsel vm0, $0x3F800000, v3;
	v13 =	vand.u32 $0x40000000, v13  }
0x61: {  	v10 =	vadd.f32 v12, v10;
	v12 =	vld [tilespmem:s16+$0xFFFFFC30];
	vm13 =	veq.s32 v13, $0x0  }
0x62: {  	v14 =	vand.u32 $0x40000000, v14;
	v13 =	vimm.f32 $0.0e+00;
	v15 =	vsel vm13, $0x0, v5  }
0x63: {  	v9 =	vand.u32 $0x7F800000, v9;
	vm14 =	veq.s32 v14, $0x0;
	v14 =	vld [tilespmem:s16+$0xFFFFFC40];
	v13 =	vadd.f32 v15, v13  }
0x64: {  	vm15 =	vgt.u32 v9, $0x3F7FFFFF;
	v9 =	vand.u32 $0x40000000, v11;
	v15 =	vsel vm14, $0x0, v5  }
0x65: {  	v8 =	vand.u32 $0x7F800000, v8;
	vm4 =	veq.s32 v9, $0x0;
	v9 =	vld [tilespmem:s16+$0xFFFFFC50];
	v13 =	vadd.f32 v15, v13  }
0x66: {  	v11 =	vsel vm15, $0x3F800000, v3;
	v12 =	vand.u32 $0x40000000, v12;
	v15 =	vsel vm4, $0x0, v5  }
0x67: {  	v10 =	vadd.f32 v11, v10;
	vm5 =	veq.s32 v12, $0x0;
	v12 =	vld [tilespmem:s16+$0xFFFFFC60];
	v11 =	vadd.f32 v15, v13  }
0x68: {  	vm6 =	vgt.u32 v8, $0x3F7FFFFF;
	v8 =	vand.u32 $0x40000000, v14;
	v13 =	vsel vm5, $0x0, v5  }
0x69: {  	v14 =	vsel vm6, $0x3F800000, v3;
	vm7 =	veq.s32 v8, $0x0;
	v8 =	vld [tilespmem:s16+$0xFFFFFC70];
	v11 =	vadd.f32 v13, v11  }
0x6a: {  	v9 =	vand.u32 $0x40000000, v9;
	v10 =	vadd.f32 v14, v10;
	v13 =	vsel vm7, $0x0, v5  }
0x6b: {  	vm8 =	veq.s32 v9, $0x0;
	v9 =	vld [tilespmem:s16+$0x0];
	v11 =	vadd.f32 v13, v11  }
0x6c: {  	v14 =	vsel vm8, $0x0, v5;
	v12 =	vand.u32 $0x40000000, v12;
	v13 =	vperm.xlane v10, v0  }
0x6d: {  	vm9 =	veq.s32 v12, $0x0;
	v12 =	vld [tilespmem:s16+$0x10];
	v11 =	vadd.f32 v14, v11  }
0x6e: {  	v8 =	vand.u32 $0x40000000, v8;
	v10 =	vadd.f32 v13, v10;
	v13 =	vsel vm9, $0x0, v5  }
0x6f: {  	vm10 =	veq.s32 v8, $0x0;
	v8 =	vld [tilespmem:s16+$0x20];
	v11 =	vadd.f32 v13, v11  }
0x70: {  	v9 =	vand.u32 $0x40000000, v9;
	v14 =	vsel vm10, $0x0, v5;
	v13 =	vperm.xlane v10, v1  }
0x71: {  	vm11 =	veq.s32 v9, $0x0;
	v9 =	vld [tilespmem:s16+$0x30];
	v11 =	vadd.f32 v14, v11  }
0x72: {  	v12 =	vand.u32 $0x40000000, v12;
	v10 =	vadd.f32 v13, v10;
	v13 =	vsel vm11, $0x0, v5  }
0x73: {  	vm12 =	veq.s32 v12, $0x0;
	v14 =	vld [tilespmem:s16+$0x40];
	v11 =	vadd.f32 v13, v11  }
0x74: {  	v8 =	vand.u32 $0x40000000, v8;
	v12 =	vperm.xlane v10, v2;
	v13 =	vsel vm12, $0x0, v5  }
0x75: {  	v15 =	vld [tilespmem:s16+$0x50];
	vm13 =	veq.s32 v8, $0x0;
	v11 =	vadd.f32 v13, v11  }
0x76: {  	v9 =	vand.u32 $0x40000000, v9;
	v8 =	vadd.f32 v12, v10;
	v10 =	vsel vm13, $0x0, v5  }
0x77: {  	vm14 =	veq.s32 v9, $0x0;
	v11 =	vadd.f32 v10, v11;
	v10 =	vld [tilespmem:s16+$0x60]  }
0x78: {  	v13 =	vsel vm14, $0x0, v5;
	v12 =	vand.u32 $0x40000000, v14  }
0x79: {  	vm15 =	veq.s32 v12, $0x0;
	v12 =	vadd.f32 v13, v11;
	v11 =	vld [tilespmem:s16+$0x70]  }
0x7a: {  	s17 =	simm.s32 $0x0;
	s18 =	sadd.s32 $0x800, s16;
	v14 =	vand.u32 $0x40000000, v15;
	v9 =	vperm.xlane v8, v4;
	v13 =	vsel vm15, $0x0, v5  }
.LBB2_6:
0x7b: {  	v15 =	vld [tilespmem:s18+$0xFFFFFC00];
	s17 =	sadd.s32 $0x10, s17;
	v12 =	vadd.f32 v13, v12;
	vm0 =	veq.s32 v14, $0x0  }
0x7c: {  	p0 =	slt.u32 s17, $0x30;
	v13 =	vsel vm0, $0x0, v5;
	v10 =	vand.u32 $0x40000000, v10  }
0x7d: {  	v14 =	vld [tilespmem:s18+$0xFFFFFC10];
	v12 =	vadd.f32 v13, v12;
	vm0 =	veq.s32 v10, $0x0  }
0x7e: {  	v10 =	vsel vm0, $0x0, v5;
	v11 =	vand.u32 $0x40000000, v11  }
0x7f: {  	v13 =	vld [tilespmem:s18+$0xFFFFFC20];
	v10 =	vadd.f32 v10, v12;
	vm0 =	veq.s32 v11, $0x0  }
0x80: {  	v11 =	vand.u32 $0x40000000, v15;
	v12 =	vsel vm0, $0x0, v5  }
0x81: {  	vm0 =	veq.s32 v11, $0x0;
	v11 =	vld [tilespmem:s18+$0xFFFFFC30];
	v10 =	vadd.f32 v12, v10  }
0x82: {  	v12 =	vsel vm0, $0x0, v5;
	v14 =	vand.u32 $0x40000000, v14  }
0x83: {  	v10 =	vadd.f32 v12, v10;
	vm0 =	veq.s32 v14, $0x0;
	v12 =	vld [tilespmem:s18+$0xFFFFFC40]  }
0x84: {  	v14 =	vsel vm0, $0x0, v5;
	v13 =	vand.u32 $0x40000000, v13  }
0x85: {  	v10 =	vadd.f32 v14, v10;
	vm0 =	veq.s32 v13, $0x0;
	v13 =	vld [tilespmem:s18+$0xFFFFFC50]  }
0x86: {  	v14 =	vsel vm0, $0x0, v5;
	v11 =	vand.u32 $0x40000000, v11  }
0x87: {  	v10 =	vadd.f32 v14, v10;
	vm0 =	veq.s32 v11, $0x0;
	v11 =	vld [tilespmem:s18+$0xFFFFFC60]  }
0x88: {  	v14 =	vsel vm0, $0x0, v5;
	v12 =	vand.u32 $0x40000000, v12  }
0x89: {  	v10 =	vadd.f32 v14, v10;
	vm0 =	veq.s32 v12, $0x0;
	v12 =	vld [tilespmem:s18+$0xFFFFFC70]  }
0x8a: {  	v14 =	vsel vm0, $0x0, v5;
	v13 =	vand.u32 $0x40000000, v13  }
0x8b: {  	v10 =	vadd.f32 v14, v10;
	vm0 =	veq.s32 v13, $0x0;
	v13 =	vld [tilespmem:s18+$0x0]  }
0x8c: {  	v14 =	vsel vm0, $0x0, v5;
	v11 =	vand.u32 $0x40000000, v11  }
0x8d: {  	v10 =	vadd.f32 v14, v10;
	vm0 =	veq.s32 v11, $0x0;
	v11 =	vld [tilespmem:s18+$0x10]  }
0x8e: {  	v14 =	vsel vm0, $0x0, v5;
	v12 =	vand.u32 $0x40000000, v12  }
0x8f: {  	v10 =	vadd.f32 v14, v10;
	vm0 =	veq.s32 v12, $0x0;
	v12 =	vld [tilespmem:s18+$0x20]  }
0x90: {  	v14 =	vsel vm0, $0x0, v5;
	v13 =	vand.u32 $0x40000000, v13  }
0x91: {  	v10 =	vadd.f32 v14, v10;
	vm0 =	veq.s32 v13, $0x0;
	v13 =	vld [tilespmem:s18+$0x30]  }
0x92: {  	v14 =	vsel vm0, $0x0, v5;
	v11 =	vand.u32 $0x40000000, v11  }
0x93: {  	v10 =	vadd.f32 v14, v10;
	vm0 =	veq.s32 v11, $0x0;
	v11 =	vld [tilespmem:s18+$0x40]  }
0x94: {  	v14 =	vsel vm0, $0x0, v5;
	v12 =	vand.u32 $0x40000000, v12  }
0x95: {  	v10 =	vadd.f32 v14, v10;
	vm0 =	veq.s32 v12, $0x0;
	v14 =	vld [tilespmem:s18+$0x50]  }
.Ltmp1:
0x96: {  	v12 =	vsel vm0, $0x0, v5;
	v13 =	vand.u32 $0x40000000, v13;
	(pc) =	sbr.rel @p0 .LBB2_6-.Ltmp1, $4  }
0x97: {  	v12 =	vadd.f32 v12, v10;
	vm0 =	veq.s32 v13, $0x0;
	v10 =	vld [tilespmem:s18+$0x60]  }
0x98: {  	v13 =	vsel vm0, $0x0, v5;
	v11 =	vand.u32 $0x40000000, v11  }
0x99: {  	v12 =	vadd.f32 v13, v12;
	vm0 =	veq.s32 v11, $0x0;
	v11 =	vld [tilespmem:s18+$0x70]  }
0x9a: {  	s18 =	sadd.s32 $0x800, s18;
	v13 =	vsel vm0, $0x0, v5;
	v14 =	vand.u32 $0x40000000, v14  }
0x9b: {  	v12 =	vadd.f32 v13, v12;
	vm0 =	veq.s32 v14, $0x0  }
0x9c: {  	v63 =	vsel vm0, $0x0, v5;
	v10 =	vand.u32 $0x40000000, v10  }
0x9d: {  	v12 =	vadd.f32 v63, v12;
	vm14 =	veq.s32 v10, $0x0  }
0x9e: {  	v10 =	vsel vm14, $0x0, v5;
	v11 =	vand.u32 $0x40000000, v11  }
0x9f: {  	v10 =	vadd.f32 v10, v12;
	vm15 =	veq.s32 v11, $0x0  }
0xa0: {  	v11 =	vsel vm15, $0x0, v5  }
0xa1: {  	v10 =	vadd.f32 v11, v10;
	_ =	sdelay $0x1  }
0xa2: {  	v11 =	vperm.xlane v10, v0;
	_ =	sdelay $0x1  }
0xa3: {  	v10 =	vadd.f32 v11, v10;
	_ =	sdelay $0x1  }
0xa4: {  	v11 =	vperm.xlane v10, v1;
	_ =	sdelay $0x1  }
0xa5: {  	v10 =	vadd.f32 v11, v10;
	_ =	sdelay $0x1  }
0xa6: {  	v11 =	vperm.xlane v10, v2;
	_ =	sdelay $0x1  }
0xa7: {  	v10 =	vadd.f32 v11, v10;
	_ =	sdelay $0x1  }
0xa8: {  	v11 =	vperm.xlane v10, v4  }
0xa9: {  	v8 =	vadd.f32 v9, v8  }
0xaa: {  	v9 =	vadd.f32 v11, v10  }
0xab: {  	(v2sf) =	vpush v8, $0x0  }
0xac: {  	(v2sf) =	vpush v9, $0x0;
	_ =	sdelay $0x4  }
0xad: {  	v8 =	vadd.f32 $-1.020000000e+02, v8;
	v9 =	vadd.f32 $-1.020000000e+02, v9;
	_ =	sdelay $0x1  }
0xae: {  	v8 =	vadd.f32 $1.000000000e+00, v8;
	v9 =	vadd.f32 $1.000000000e+00, v9;
	_ =	sdelay $0x1  }
0xaf: {  	v8 =	vmax.f32 v8, $0.0e+00;
	v9 =	vmax.f32 v9, $0.0e+00  }
0xb0: {  	v8 =	vmin.f32 v8, $1.000000000e+00;
	v9 =	vmin.f32 v9, $1.000000000e+00  }
0xb1: {  	v8 =	vtrunc.f32 v8;
	v9 =	vtrunc.f32 v9  }
0xb2: {  	v8 =	vcvt.f32.s32 v8;
	v9 =	vcvt.f32.s32 v9;
	_ =	sdelay $0x1  }
.Ltmp2:
0xb3: {  	v8 =	vsub.s32 $0x0, v8;
	s17 =	spop (v2sf);
	v10 =	vadd.s32 $0xFFFFFFFF, v9;
	(pc) =	sbr.rel .LBB2_8-.Ltmp2, $4  }
0xb4: {  	v9 =	vsub.s32 $0x0, v9;
	v10 =	vand.u32 v8, v10;
	s18 =	spop (v2sf)  }
0xb5: {  	p0 =	seq.f32 s17, $1.020000000e+02;
	v9 =	vand.u32 $0x40000000, v9;
	v8 =	vand.u32 $0x3F800000, v10;
	p1 =	seq.f32 s18, $1.020000000e+02  }
0xb6: {  	v8 =	vor.u32 v9, v8;
	v9 =	vand.u32 $0x20400000, v10  }
0xb7: {  	s17 =	simm.s32 $0x0;
	v9 =	vxor.u32 $0x20000000, v9;
	[tilespmem:$0x4080] =	vst v8;
	p1 =	por p0, p1  }
.LBB2_12:
0xb8: {  	(v2sf) =	vpush v9, $0x0;
	_ =	sdelay $0xa  }
0xb9: {  	s17 =	sadd.s32 $0x1, s17  }
0xba: {  	p2 =	sne.s32 s17, $0x1E  }
.Ltmp3:
0xbb: {  	_ = 	snop;
	(pc) =	sbr.rel @!p2 .LBB2_13-.Ltmp3, $4  }
0xbc: {  	_ = 	snop  }
0xbd: {  	s18 =	spop (v2sf)  }
0xbe: {  	p1 =	seq.s32 s18, $0x1  }
0xbf: {  	v9 =	vshrl.u32 v9, $0x1;
	p1 =	por p1, p0  }
.LBB2_8:
.Ltmp4:
0xc0: {  	(pc) =	sbr.rel @p1 .LBB2_12-.Ltmp4, $2  }
0xc1: {  	_ =	sdelay $0x2  }
0xc2: {  	p0 =	por $0x1, $0x1  }
0xc3: {  	v11 =	vld [tilespmem:s16+$0xFFFFFC00];
	_ =	sdelay $0x1  }
0xc4: {  	v12 =	vld [tilespmem:s16+$0xFFFFFC10];
	_ =	sdelay $0x1  }
0xc5: {  	v13 =	vld [tilespmem:s16+$0xFFFFFC20]  }
0xc6: {  	v10 =	vor.u32 v9, v8;
	v11 =	vand.u32 $0x7FFFFFFF, v11  }
0xc7: {  	vm0 =	vlt.s32 v11, v10;
	v11 =	vld [tilespmem:s16+$0xFFFFFC30]  }
0xc8: {  	v14 =	vimm.f32 $0.0e+00;
	v12 =	vand.u32 $0x7FFFFFFF, v12;
	v15 =	vsel vm0, $0x0, v5  }
0xc9: {  	vm4 =	vlt.s32 v12, v10;
	v12 =	vld [tilespmem:s16+$0xFFFFFC40];
	v14 =	vadd.f32 v15, v14  }
0xca: {  	v13 =	vand.u32 $0x7FFFFFFF, v13;
	v15 =	vsel vm4, $0x0, v5  }
0xcb: {  	vm5 =	vlt.s32 v13, v10;
	v13 =	vld [tilespmem:s16+$0xFFFFFC50];
	v14 =	vadd.f32 v15, v14  }
0xcc: {  	v15 =	vsel vm5, $0x0, v5;
	v11 =	vand.u32 $0x7FFFFFFF, v11  }
0xcd: {  	v14 =	vadd.f32 v15, v14;
	vm6 =	vlt.s32 v11, v10;
	v11 =	vld [tilespmem:s16+$0xFFFFFC60]  }
0xce: {  	v12 =	vand.u32 $0x7FFFFFFF, v12;
	v15 =	vsel vm6, $0x0, v5  }
0xcf: {  	vm7 =	vlt.s32 v12, v10;
	v12 =	vld [tilespmem:s16+$0xFFFFFC70];
	v14 =	vadd.f32 v15, v14  }
0xd0: {  	v13 =	vand.u32 $0x7FFFFFFF, v13;
	v15 =	vsel vm7, $0x0, v5  }
0xd1: {  	vm8 =	vlt.s32 v13, v10;
	v13 =	vld [tilespmem:s16+$0x0];
	v14 =	vadd.f32 v15, v14  }
0xd2: {  	v15 =	vsel vm8, $0x0, v5;
	v11 =	vand.u32 $0x7FFFFFFF, v11  }
0xd3: {  	v14 =	vadd.f32 v15, v14;
	vm9 =	vlt.s32 v11, v10;
	v11 =	vld [tilespmem:s16+$0x10]  }
0xd4: {  	v12 =	vand.u32 $0x7FFFFFFF, v12;
	v15 =	vsel vm9, $0x0, v5  }
0xd5: {  	vm10 =	vlt.s32 v12, v10;
	v12 =	vld [tilespmem:s16+$0x20];
	v14 =	vadd.f32 v15, v14  }
0xd6: {  	v13 =	vand.u32 $0x7FFFFFFF, v13;
	v15 =	vsel vm10, $0x0, v5  }
0xd7: {  	vm11 =	vlt.s32 v13, v10;
	v13 =	vld [tilespmem:s16+$0x30];
	v14 =	vadd.f32 v15, v14  }
0xd8: {  	v15 =	vsel vm11, $0x0, v5;
	v11 =	vand.u32 $0x7FFFFFFF, v11  }
0xd9: {  	v16 =	vld [tilespmem:s16+$0x40];
	v14 =	vadd.f32 v15, v14;
	vm12 =	vlt.s32 v11, v10  }
0xda: {  	v12 =	vand.u32 $0x7FFFFFFF, v12;
	v11 =	vsel vm12, $0x0, v5  }
0xdb: {  	v15 =	vld [tilespmem:s16+$0x50];
	vm13 =	vlt.s32 v12, v10;
	v11 =	vadd.f32 v11, v14  }
0xdc: {  	v13 =	vand.u32 $0x7FFFFFFF, v13;
	v12 =	vsel vm13, $0x0, v5  }
0xdd: {  	vm14 =	vlt.s32 v13, v10;
	v12 =	vadd.f32 v12, v11;
	v11 =	vld [tilespmem:s16+$0x60]  }
0xde: {  	v13 =	vand.u32 $0x7FFFFFFF, v16;
	v14 =	vsel vm14, $0x0, v5  }
0xdf: {  	vm15 =	vlt.s32 v13, v10;
	v13 =	vadd.f32 v14, v12;
	v12 =	vld [tilespmem:s16+$0x70]  }
0xe0: {  	s18 =	simm.s32 $0x0;
	s19 =	sadd.s32 $0x800, s16;
	v15 =	vand.u32 $0x7FFFFFFF, v15;
	v14 =	vsel vm15, $0x0, v5  }
.LBB2_10:
0xe1: {  	v16 =	vld [tilespmem:s19+$0xFFFFFC00];
	s18 =	sadd.s32 $0x10, s18;
	v13 =	vadd.f32 v14, v13;
	vm0 =	vlt.s32 v15, v10  }
0xe2: {  	p0 =	slt.u32 s18, $0x30;
	v14 =	vsel vm0, $0x0, v5;
	v11 =	vand.u32 $0x7FFFFFFF, v11  }
0xe3: {  	v15 =	vld [tilespmem:s19+$0xFFFFFC10];
	v13 =	vadd.f32 v14, v13;
	vm0 =	vlt.s32 v11, v10  }
0xe4: {  	v11 =	vsel vm0, $0x0, v5;
	v12 =	vand.u32 $0x7FFFFFFF, v12  }
0xe5: {  	v14 =	vld [tilespmem:s19+$0xFFFFFC20];
	v11 =	vadd.f32 v11, v13;
	vm0 =	vlt.s32 v12, v10  }
0xe6: {  	v12 =	vand.u32 $0x7FFFFFFF, v16;
	v13 =	vsel vm0, $0x0, v5  }
0xe7: {  	vm0 =	vlt.s32 v12, v10;
	v12 =	vld [tilespmem:s19+$0xFFFFFC30];
	v11 =	vadd.f32 v13, v11  }
0xe8: {  	v13 =	vsel vm0, $0x0, v5;
	v15 =	vand.u32 $0x7FFFFFFF, v15  }
0xe9: {  	v11 =	vadd.f32 v13, v11;
	vm0 =	vlt.s32 v15, v10;
	v13 =	vld [tilespmem:s19+$0xFFFFFC40]  }
0xea: {  	v15 =	vsel vm0, $0x0, v5;
	v14 =	vand.u32 $0x7FFFFFFF, v14  }
0xeb: {  	v11 =	vadd.f32 v15, v11;
	vm0 =	vlt.s32 v14, v10;
	v14 =	vld [tilespmem:s19+$0xFFFFFC50]  }
0xec: {  	v15 =	vsel vm0, $0x0, v5;
	v12 =	vand.u32 $0x7FFFFFFF, v12  }
0xed: {  	v11 =	vadd.f32 v15, v11;
	vm0 =	vlt.s32 v12, v10;
	v12 =	vld [tilespmem:s19+$0xFFFFFC60]  }
0xee: {  	v15 =	vsel vm0, $0x0, v5;
	v13 =	vand.u32 $0x7FFFFFFF, v13  }
0xef: {  	v11 =	vadd.f32 v15, v11;
	vm0 =	vlt.s32 v13, v10;
	v13 =	vld [tilespmem:s19+$0xFFFFFC70]  }
0xf0: {  	v15 =	vsel vm0, $0x0, v5;
	v14 =	vand.u32 $0x7FFFFFFF, v14  }
0xf1: {  	v11 =	vadd.f32 v15, v11;
	vm0 =	vlt.s32 v14, v10;
	v14 =	vld [tilespmem:s19+$0x0]  }
0xf2: {  	v15 =	vsel vm0, $0x0, v5;
	v12 =	vand.u32 $0x7FFFFFFF, v12  }
0xf3: {  	v11 =	vadd.f32 v15, v11;
	vm0 =	vlt.s32 v12, v10;
	v12 =	vld [tilespmem:s19+$0x10]  }
0xf4: {  	v15 =	vsel vm0, $0x0, v5;
	v13 =	vand.u32 $0x7FFFFFFF, v13  }
0xf5: {  	v11 =	vadd.f32 v15, v11;
	vm0 =	vlt.s32 v13, v10;
	v13 =	vld [tilespmem:s19+$0x20]  }
0xf6: {  	v15 =	vsel vm0, $0x0, v5;
	v14 =	vand.u32 $0x7FFFFFFF, v14  }
0xf7: {  	v11 =	vadd.f32 v15, v11;
	vm0 =	vlt.s32 v14, v10;
	v14 =	vld [tilespmem:s19+$0x30]  }
0xf8: {  	v15 =	vsel vm0, $0x0, v5;
	v12 =	vand.u32 $0x7FFFFFFF, v12  }
0xf9: {  	v11 =	vadd.f32 v15, v11;
	vm0 =	vlt.s32 v12, v10;
	v12 =	vld [tilespmem:s19+$0x40]  }
0xfa: {  	v15 =	vsel vm0, $0x0, v5;
	v13 =	vand.u32 $0x7FFFFFFF, v13  }
0xfb: {  	v11 =	vadd.f32 v15, v11;
	vm0 =	vlt.s32 v13, v10;
	v15 =	vld [tilespmem:s19+$0x50]  }
.Ltmp5:
0xfc: {  	v13 =	vsel vm0, $0x0, v5;
	v14 =	vand.u32 $0x7FFFFFFF, v14;
	(pc) =	sbr.rel @p0 .LBB2_10-.Ltmp5, $4  }
0xfd: {  	v13 =	vadd.f32 v13, v11;
	vm0 =	vlt.s32 v14, v10;
	v11 =	vld [tilespmem:s19+$0x60]  }
0xfe: {  	v14 =	vsel vm0, $0x0, v5;
	v12 =	vand.u32 $0x7FFFFFFF, v12  }
0xff: {  	v13 =	vadd.f32 v14, v13;
	vm0 =	vlt.s32 v12, v10;
	v12 =	vld [tilespmem:s19+$0x70]  }
0x100: {  	s19 =	sadd.s32 $0x800, s19;
	v14 =	vsel vm0, $0x0, v5;
	v15 =	vand.u32 $0x7FFFFFFF, v15  }
0x101: {  	v13 =	vadd.f32 v14, v13;
	vm0 =	vlt.s32 v15, v10  }
0x102: {  	v63 =	vsel vm0, $0x0, v5;
	v11 =	vand.u32 $0x7FFFFFFF, v11  }
0x103: {  	v13 =	vadd.f32 v63, v13;
	vm14 =	vlt.s32 v11, v10  }
0x104: {  	v11 =	vsel vm14, $0x0, v5;
	v12 =	vand.u32 $0x7FFFFFFF, v12  }
0x105: {  	v11 =	vadd.f32 v11, v13;
	vm15 =	vlt.s32 v12, v10  }
0x106: {  	v10 =	vsel vm15, $0x0, v5  }
0x107: {  	v10 =	vadd.f32 v10, v11;
	_ =	sdelay $0x1  }
0x108: {  	v11 =	vperm.xlane v10, v0;
	_ =	sdelay $0x1  }
0x109: {  	v10 =	vadd.f32 v11, v10;
	_ =	sdelay $0x1  }
0x10a: {  	v11 =	vperm.xlane v10, v1;
	_ =	sdelay $0x1  }
0x10b: {  	v10 =	vadd.f32 v11, v10;
	_ =	sdelay $0x1  }
0x10c: {  	v11 =	vperm.xlane v10, v2;
	_ =	sdelay $0x1  }
0x10d: {  	v10 =	vadd.f32 v11, v10;
	_ =	sdelay $0x1  }
0x10e: {  	v11 =	vperm.xlane v10, v4;
	_ =	sdelay $0x1  }
0x10f: {  	v10 =	vadd.f32 v11, v10;
	_ =	sdelay $0x1  }
0x110: {  	(v2sf) =	vpush v10, $0x0;
	_ =	sdelay $0x3  }
0x111: {  	v10 =	vadd.f32 $-1.020000000e+02, v10;
	_ =	sdelay $0x1  }
0x112: {  	v10 =	vadd.f32 $1.000000000e+00, v10;
	_ =	sdelay $0x1  }
0x113: {  	v10 =	vmax.f32 v10, $0.0e+00  }
0x114: {  	v10 =	vmin.f32 v10, $1.000000000e+00  }
0x115: {  	v10 =	vtrunc.f32 v10  }
0x116: {  	v10 =	vcvt.f32.s32 v10  }
.Ltmp6:
0x117: {  	_ = 	snop;
	(pc) =	sbr.rel .LBB2_12-.Ltmp6, $4  }
0x118: {  	v10 =	vsub.s32 $0x0, v10  }
0x119: {  	v10 =	vand.u32 v10, v9  }
0x11a: {  	v8 =	vor.u32 v8, v10;
	s18 =	spop (v2sf)  }
0x11b: {  	[tilespmem:$0x4080] =	vst v8;
	p0 =	seq.f32 s18, $1.020000000e+02  }
.LBB2_13:
0x11c: {  	v9 =	vld [tilespmem:s16+$0xFFFFFC10]  }
0x11d: {  	v10 =	vld [tilespmem:s16+$0x70]  }
0x11e: {  	v11 =	vld [tilespmem:s16+$0x30]  }
0x11f: {  	v12 =	vld [tilespmem:s16+$0x60]  }
0x120: {  	v20 =	vld [tilespmem:s16+$0x20]  }
0x121: {  	v14 =	vld [tilespmem:s16+$0xFFFFFC70]  }
0x122: {  	v17 =	vld [tilespmem:s16+$0x10]  }
0x123: {  	v22 =	vld [tilespmem:s16+$0x40]  }
0x124: {  	v23 =	vld [tilespmem:s16+$0xFFFFFC40]  }
0x125: {  	v34 =	vld [tilespmem:s16+$0xFFFFFC20];
	_ =	sdelay $0x1  }
0x126: {  	v13 =	vand.u32 $0x7FFFFFFF, v9;
	v15 =	vmul.f32 v10, v7;
	v27 =	vmul.f32 v11, v7  }
0x127: {  	v19 =	vand.u32 $0x7FFFFFFF, v12;
	v21 =	vand.u32 $0x7FFFFFFF, v20;
	v24 =	vmul.f32 v20, v7  }
0x128: {  	v28 =	vmul.f32 v17, v7;
	v29 =	vmul.f32 v22, v7;
	v30 =	vand.u32 $0x7FFFFFFF, v23  }
0x129: {  	v31 =	vand.u32 $0x7FFFFFFF, v14;
	v59 =	vmul.f32 v12, v7;
	v37 =	vand.u32 $0x7FFFFFFF, v34  }
0x12a: {  	vm0 =	vgt.s32 v8, v13;
	v13 =	vand.u32 $0x7FFFFFFF, v10;
	vm2 =	vgt.s32 v8, v19  }
0x12b: {  	v32 =	vld [tilespmem:s16+$0xFFFFFC50];
	vm7 =	vgt.s32 v8, v21;
	vm3 =	vgt.s32 v8, v31;
	vm11 =	vgt.s32 v8, v30  }
0x12c: {  	vm15 =	vgt.s32 v8, v37;
	v16 =	vsel vm0, $0x0, v9;
	vm6 =	vgt.s32 v8, v13  }
0x12d: {  	v13 =	vand.u32 $0x7FFFFFFF, v11;
	v25 =	vsel vm2, $0x0, v12;
	v35 =	vsel vm11, $0x0, v23  }
0x12e: {  	v18 =	vld [tilespmem:s16+$0x50];
	v36 =	vsel vm7, $0x0, v20;
	v62 =	vsel vm15, $0x0, v34;
	vm1 =	vgt.s32 v8, v13  }
0x12f: {  	v10 =	vsel vm6, $0x0, v10;
	v13 =	vmul.f32 v9, v7;
	v20 =	vmul.f32 v25, v6  }
0x130: {  	v25 =	vand.u32 $0x7FFFFFFF, v32;
	v21 =	vsel vm1, $0x0, v11;
	v11 =	vand.u32 $0x7FFFFFFF, v17  }
0x131: {  	v12 =	vld [tilespmem:s16+$0xFFFFFC30];
	v10 =	vmul.f32 v10, v6;
	vm14 =	vgt.s32 v8, v25;
	vm8 =	vgt.s32 v8, v11  }
0x132: {  	v31 =	vadd.f32 v20, v59;
	v20 =	vmul.f32 v35, v6;
	v63 =	vmul.f32 v21, v6  }
0x133: {  	v19 =	vld [tilespmem:s16+$0xFFFFFC60];
	v26 =	vadd.f32 v10, v15;
	v10 =	vmul.f32 v18, v7;
	v15 =	vmul.f32 v16, v6  }
0x134: {  	v9 =	vld [tilespmem:s16+$0xFFFFFC00];
	v16 =	vand.u32 $0x7FFFFFFF, v18;
	v60 =	vsel vm8, $0x0, v17;
	v17 =	vmul.f32 v23, v7  }
0x135: {  	v23 =	vand.u32 $0x7FFFFFFF, v22;
	vm9 =	vgt.s32 v8, v16;
	v16 =	vsel vm3, $0x0, v14  }
0x136: {  	v14 =	vmul.f32 v14, v7;
	vm12 =	vgt.s32 v8, v23;
	v23 =	vand.u32 $0x7FFFFFFF, v12  }
0x137: {  	v30 =	vmul.f32 v60, v6;
	v27 =	vadd.f32 v63, v27;
	v15 =	vadd.f32 v15, v13  }
0x138: {  	v11 =	vld [tilespmem:s16+$0x0];
	v13 =	vsel vm9, $0x0, v18;
	v18 =	vand.u32 $0x7FFFFFFF, v19;
	v33 =	vmul.f32 v16, v6  }
0x139: {  	v16 =	vand.u32 $0x7FFFFFFF, v9;
	v22 =	vsel vm12, $0x0, v22;
	vm13 =	vgt.s32 v8, v23  }
0x13a: {  	v23 =	vmul.f32 v36, v6;
	v13 =	vmul.f32 v13, v6;
	vm10 =	vgt.s32 v8, v18  }
0x13b: {  	[tilespmem:s16+$0x60] =	vst v31;
	v61 =	vsel vm13, $0x0, v12;
	v25 =	vmul.f32 v22, v6;
	v22 =	vmul.f32 v34, v7  }
0x13c: {  	[tilespmem:s16+$0xFFFFFC10] =	vst v15;
	v15 =	vmul.f32 v19, v7;
	v18 =	vsel vm10, $0x0, v19;
	v33 =	vadd.f32 v33, v14  }
0x13d: {  	[tilespmem:s16+$0x70] =	vst v26;
	v19 =	vand.u32 $0x7FFFFFFF, v11;
	v14 =	vmul.f32 v32, v7;
	v24 =	vadd.f32 v23, v24  }
0x13e: {  	v21 =	vmul.f32 v61, v6;
	v26 =	vadd.f32 v25, v29;
	v29 =	vsel vm14, $0x0, v32;
	[tilespmem:s16+$0xFFFFFC70] =	vst v33  }
0x13f: {  	s17 =	simm.s32 $0x0;
	s18 =	sadd.s32 $0x800, s16;
	v23 =	vadd.f32 v30, v28;
	v25 =	vmul.f32 v62, v6;
	[tilespmem:s16+$0x20] =	vst v24;
	v24 =	vmul.f32 v29, v6  }
.LBB2_14:
0x140: {  	v28 =	vld [tilespmem:s18+$0xFFFFFC10];
	s17 =	sadd.s32 $0x10, s17;
	vm0 =	vgt.s32 v8, v16;
	v16 =	vmul.f32 v18, v6;
	vm1 =	vgt.s32 v8, v19;
	[tilespmem:s16+$0x40] =	vst v26  }
0x141: {  	v18 =	vld [tilespmem:s18+$0x70];
	p0 =	slt.u32 s17, $0x30;
	v19 =	vadd.f32 v25, v22;
	v14 =	vadd.f32 v24, v14;
	v22 =	vsel vm1, $0x0, v11;
	[tilespmem:s16+$0x30] =	vst v27  }
0x142: {  	v11 =	vmul.f32 v11, v7;
	v24 =	vld [tilespmem:s18+$0x30];
	v15 =	vadd.f32 v16, v15;
	v16 =	vmul.f32 v22, v6  }
0x143: {  	v12 =	vmul.f32 v12, v7;
	v17 =	vadd.f32 v20, v17;
	v25 =	vsel vm0, $0x0, v9;
	v22 =	vld [tilespmem:s18+$0x60];
	[tilespmem:s16+$0x10] =	vst v23  }
0x144: {  	v10 =	vadd.f32 v13, v10;
	v23 =	vmul.f32 v25, v6;
	v20 =	vld [tilespmem:s18+$0x20];
	[tilespmem:s16+$0xFFFFFC60] =	vst v15;
	v11 =	vadd.f32 v16, v11  }
0x145: {  	v9 =	vmul.f32 v9, v7;
	v12 =	vadd.f32 v21, v12;
	v13 =	vand.u32 $0x7FFFFFFF, v28;
	v15 =	vld [tilespmem:s18+$0xFFFFFC70];
	[tilespmem:s16+$0xFFFFFC40] =	vst v17  }
0x146: {  	vm0 =	vgt.s32 v8, v13;
	v17 =	vld [tilespmem:s18+$0x10];
	v13 =	vand.u32 $0x7FFFFFFF, v18;
	v16 =	vmul.f32 v18, v7;
	[tilespmem:s16+$0x50] =	vst v10  }
0x147: {  	v9 =	vadd.f32 v23, v9;
	v21 =	vsel vm0, $0x0, v28;
	vm0 =	vgt.s32 v8, v13;
	[tilespmem:s16+$0xFFFFFC20] =	vst v19  }
0x148: {  	v10 =	vand.u32 $0x7FFFFFFF, v24;
	v27 =	vmul.f32 v24, v7;
	v13 =	vld [tilespmem:s18+$0x50];
	v19 =	vand.u32 $0x7FFFFFFF, v22;
	[tilespmem:s16+$0x0] =	vst v11  }
0x149: {  	vm1 =	vgt.s32 v8, v10;
	v10 =	vsel vm0, $0x0, v18;
	v11 =	vand.u32 $0x7FFFFFFF, v20;
	v23 =	vld [tilespmem:s18+$0x40];
	[tilespmem:s16+$0xFFFFFC00] =	vst v9  }
0x14a: {  	v26 =	vmul.f32 v20, v7;
	vm2 =	vgt.s32 v8, v19;
	v10 =	vmul.f32 v10, v6;
	v25 =	vld [tilespmem:s18+$0xFFFFFC40];
	[tilespmem:s16+$0xFFFFFC30] =	vst v12  }
0x14b: {  	v24 =	vsel vm1, $0x0, v24;
	vm0 =	vgt.s32 v8, v11;
	v29 =	vsel vm2, $0x0, v22;
	v9 =	vld [tilespmem:s18+$0xFFFFFC00];
	[tilespmem:s16+$0xFFFFFC50] =	vst v14;
	s16 =	smov.u32 s18  }
0x14c: {  	v11 =	vand.u32 $0x7FFFFFFF, v17;
	v31 =	vmul.f32 v17, v7;
	v12 =	vadd.f32 v10, v16;
	v30 =	vld [tilespmem:s18+$0xFFFFFC50]  }
0x14d: {  	v14 =	vmul.f32 v28, v7;
	vm1 =	vgt.s32 v8, v11;
	v18 =	vld [tilespmem:s18+$0xFFFFFC60];
	v10 =	vmul.f32 v13, v7  }
0x14e: {  	v16 =	vmul.f32 v21, v6;
	v19 =	vand.u32 $0x7FFFFFFF, v13;
	v21 =	vmul.f32 v23, v7;
	[tilespmem:s18+$0x70] =	vst v12  }
0x14f: {  	v32 =	vand.u32 $0x7FFFFFFF, v15;
	vm2 =	vgt.s32 v8, v19;
	v28 =	vand.u32 $0x7FFFFFFF, v25;
	v11 =	vld [tilespmem:s18+$0x0]  }
0x150: {  	vm3 =	vgt.s32 v8, v32;
	v14 =	vadd.f32 v16, v14;
	v13 =	vsel vm2, $0x0, v13;
	v12 =	vld [tilespmem:s18+$0xFFFFFC30]  }
0x151: {  	v22 =	vmul.f32 v22, v7;
	v16 =	vsel vm3, $0x0, v15;
	v19 =	vmul.f32 v15, v7  }
0x152: {  	v32 =	vmul.f32 v16, v6;
	v13 =	vmul.f32 v13, v6;
	[tilespmem:s18+$0xFFFFFC10] =	vst v14;
	v14 =	vand.u32 $0x7FFFFFFF, v18  }
0x153: {  	v16 =	vand.u32 $0x7FFFFFFF, v9;
	v15 =	vmul.f32 v18, v7;
	v33 =	vld [tilespmem:s18+$0xFFFFFC20];
	vm2 =	vgt.s32 v8, v14  }
0x154: {  	v32 =	vadd.f32 v32, v19;
	v18 =	vsel vm2, $0x0, v18;
	v19 =	vand.u32 $0x7FFFFFFF, v11  }
0x155: {  	v14 =	vmul.f32 v30, v7;
	vm2 =	vgt.s32 v8, v28;
	v28 =	vsel vm1, $0x0, v17  }
0x156: {  	v17 =	vmul.f32 v25, v7;
	v34 =	vsel vm2, $0x0, v25;
	v25 =	vsel vm0, $0x0, v20;
	[tilespmem:s18+$0xFFFFFC70] =	vst v32  }
0x157: {  	v35 =	vand.u32 $0x7FFFFFFF, v23;
	v20 =	vand.u32 $0x7FFFFFFF, v12;
	v32 =	vand.u32 $0x7FFFFFFF, v30  }
0x158: {  	v29 =	vmul.f32 v29, v6;
	v28 =	vmul.f32 v28, v6;
	v36 =	vand.u32 $0x7FFFFFFF, v33  }
0x159: {  	vm1 =	vgt.s32 v8, v35;
	vm0 =	vgt.s32 v8, v20;
	v20 =	vmul.f32 v34, v6  }
0x15a: {  	v23 =	vsel vm1, $0x0, v23;
	v25 =	vmul.f32 v25, v6;
	v34 =	vsel vm0, $0x0, v12  }
.Ltmp7:
0x15b: {  	v29 =	vadd.f32 v29, v22;
	v23 =	vmul.f32 v23, v6;
	vm0 =	vgt.s32 v8, v32;
	(pc) =	sbr.rel @p0 .LBB2_14-.Ltmp7, $4  }
0x15c: {  	v22 =	vmul.f32 v33, v7;
	v25 =	vadd.f32 v25, v26;
	vm1 =	vgt.s32 v8, v36  }
0x15d: {  	v26 =	vadd.f32 v23, v21;
	v32 =	vsel vm1, $0x0, v33;
	v33 =	vmul.f32 v24, v6;
	[tilespmem:s18+$0x60] =	vst v29  }
0x15e: {  	v21 =	vmul.f32 v34, v6;
	v23 =	vadd.f32 v28, v31;
	v24 =	vsel vm0, $0x0, v30;
	[tilespmem:s18+$0x20] =	vst v25  }
0x15f: {  	v24 =	vmul.f32 v24, v6;
	v27 =	vadd.f32 v33, v27;
	v25 =	vmul.f32 v32, v6;
	s18 =	sadd.s32 $0x800, s18  }
0x160: {  	[tilespmem:s16+$0x40] =	vst v26  }
0x161: {  	v18 =	vmul.f32 v18, v6;
	vm0 =	vgt.s32 v8, v19;
	v57 =	vadd.f32 v20, v17;
	[tilespmem:s16+$0x10] =	vst v23  }
0x162: {  	vm15 =	vgt.s32 v8, v16;
	v58 =	vmul.f32 v11, v7;
	v10 =	vadd.f32 v13, v10;
	[tilespmem:s16+$0x30] =	vst v27  }
0x163: {  	v12 =	vmul.f32 v12, v7;
	v19 =	vsel vm0, $0x0, v11;
	v60 =	vadd.f32 v25, v22;
	[tilespmem:s16+$0xFFFFFC40] =	vst v57  }
0x164: {  	s15 =	sadd.s32 $0x1, s15;
	v59 =	vsel vm15, $0x0, v9;
	v15 =	vadd.f32 v18, v15;
	v8 =	vmul.f32 v19, v6;
	[tilespmem:s16+$0x50] =	vst v10  }
0x165: {  	v62 =	vmul.f32 v9, v7;
	p0 =	sne.s32 s15, $0x10;
	v61 =	vmul.f32 v59, v6;
	v63 =	vadd.f32 v21, v12;
	[tilespmem:s16+$0xFFFFFC20] =	vst v60  }
.Ltmp8:
0x166: {  	[tilespmem:s16+$0xFFFFFC60] =	vst v15;
	v8 =	vadd.f32 v8, v58;
	(pc) =	sbr.rel @p0 .LBB2_3-.Ltmp8, $4  }
0x167: {  	v9 =	vadd.f32 v61, v62;
	[tilespmem:s16+$0xFFFFFC30] =	vst v63  }
0x168: {  	[tilespmem:s16+$0x0] =	vst v8;
	v8 =	vadd.f32 v24, v14  }
0x169: {  	[tilespmem:s16+$0xFFFFFC00] =	vst v9  }
0x16a: {  	s14 =	sadd.s32 $0x400, s14;
	s13 =	sadd.s32 $0x1, s13;
	[tilespmem:s16+$0xFFFFFC50] =	vst v8  }
0x16b: {  	s11 =	sadd.s32 $0x1, s11  }
0x16c: {  	p0 =	sne.s32 s11, $0x8  }
.Ltmp9:
0x16d: {  	s12 =	sadd.s32 s5, s12;
	(pc) =	sbr.rel @p0 .LBB2_2-.Ltmp9, $4  }
0x16e: {  	[hbm4b:s12+s1] =	stream.linear.scatter [tilespmem:s1], [sflag:$0x1], $0x4000, $0x38;
	[tilespmem:$0x4100] =	vst v63  }
0x16f: {  	_ =	swait.ge [sflag:s9], $0x4000  }
0x170: {  	[sflag:s9] =	ssyncset.done $0x0  }
0x171: {  	[sflag:s9] =	ssyncadd.s32 $0xFFFFC000  }
0x172: {  	s10 =	sadd.s32 $0x1, s10  }
0x173: {  	p0 =	sne.s32 s10, s7  }
.Ltmp10:
0x174: {  	_ = 	snop;
	(pc) =	sbr.rel @p0 .LBB2_1-.Ltmp10, $1  }
0x175: {  	_ =	sdelay $0x3  }
0x176: {  	_ =	sfence.sel $0x180000  }
0x177: {  	[bflag:$0x0] =	sbarrier.arrive $0xFFFF  }
0x178: {  	p0 =	sne.s32 s3, $0x0;
	_ =	strace $0x9000004A  }
0x179: {  	s0 =	sadd.s32 @!p0 $0x100000, s0;
	[bflag:$0x2] =	sbarrier.arrive $0xFFFF  }
0x17a: {  	[sflag:s0] =	ssyncadd.tile.s32 @!p0 $0x1;
	_ =	shalt  }
.Lfunc_end2:
_tile_overlayer_lowered:
.L_overlay_start_2:
0x17b: {  	(tag) =	ssettag $0x2  }
0x17c: {  	s0 =	rddreg [dreg:$0x0];
	s2 =	stileid.u32  }
0x17d: {  	s1 =	rddreg [dreg:$0x1];
	p0 =	sne.s32 s2, $0x0  }
0x17e: {  	s3 =	rddreg [dreg:$0x2];
	[bflag:$0x3] =	sbarrier.arrive $0xFFFF;
	s2 =	simm.s32 @!p0 $0x1C01  }
0x17f: {  	[timem:s3], [sflag:s2] =	dma.local @!p0 [hbm:s0], s1  }
0x180: {  	s0 =	simm.s32 @!p0 $0x1  }
0x181: {  	_ =	swait.ge @!p0 [sflag:s0], s1  }
0x182: {  	s1 =	ssub.s32 @!p0 $0x0, s1;
	[sflag:s0] =	ssyncset.done @!p0 $0x0  }
0x183: {  	[sflag:s0] =	ssyncadd.s32 @!p0 s1  }
0x184: {  	[bflag:$0x3] =	sbarrier.arrive $0xFFFF  }
0x185: {  	_ =	shalt  }

// kernel: sparse-core-data-format-call.1.cloned.1.call-start
scs
called_computation.1_lowered:
.L_overlay_start_0:
0x0: {  	s1 =	sld [smem:$0x3FD9]  }
0x1: {  	s2 =	sld [smem:$0x3FFE];
	_ =	sdelay $0x1  }
0x2: {  	s3 =	srdreg.scid  }
0x3: {  	s0 =	sand.u32 $0x1, s3  }
0x4: {  	s17 =	sshll.u32 s0, $0xA;
	s1 =	sadd.s32 s2, s1  }
0x5: {  	s1 =	sadd.s32 s1, s17  }
0x6: {  	[smem:$0x3FC6] =	sst s1  }
0x7: {  	_ = 	snop  }
0x8: {  	(tm) =	ssettm $0x1  }
0x9: {  	s18 =	sld [smem:$0x3FFB];
	_ =	sdelay $0x3  }
0xa: {  	_ =	strace s18  }
0xb: {  	s1 =	sld [smem:$0x3FFC];
	_ =	sdelay $0x3  }
0xc: {  	_ =	strace s1  }
0xd: {  	s1 =	sld [smem:$0x3FFD];
	_ =	sdelay $0x3  }
0xe: {  	_ =	strace s1  }
0xf: {  	_ =	strace $0x8FFFFFFF  }
0x10: {  	s19 =	sld [smem:$0x3FDB];
	_ =	sdelay $0x1  }
0x11: {  	s20 =	simm.s32 $_scs_section_size  }
0x12: {  	s4 =	simm.s32 $_size__tile_overlayer_lowered;
	s5 =	simm.s32 $_tile_overlayer_lowered  }
0x13: {  	s23 =	simm.s32 $0x1BFF;
	s22 =	sshll.u32 s5, $0x1;
	s1 =	sadd.s32 s20, s19  }
0x14: {  	s6 =	simm.s32 $0x0;
	s21 =	sshll.u32 s4, $0x1;
	s4 =	sadd.s32 s22, s1  }
0x15: {  	[timem:s6], [sflag:s23] =	dma.local [hbm:s4], s21  }
0x16: {  	_ =	swait.ge [sflag:s23], s21  }
0x17: {  	s2 =	ssub.s32 $0x0, s21;
	[sflag:s23] =	ssyncset.done $0x0  }
0x18: {  	[sflag:s23] =	ssyncadd.s32 s2;
	_ =	sdelay $0x1  }
0x19: {  	s24 =	simm.s32 $0x1B8B  }
0x1a: {  	_ =	swait.ge [sflag:s24], $0x1  }
0x1b: {  	[sflag:s24] =	ssyncset.done $0x0  }
0x1c: {  	s26 =	simm.s32 $0x1B8E;
	s25 =	sld [smem:$0x3FFE];
	[sflag:s24] =	ssyncadd.s32 $0xFFFFFFFF  }
0x1d: {  	s27 =	simm.s32 $execute0_lowered;
	[smem:$0x3FD2] =	sst s26  }
0x1e: {  	s4 =	sshll.u32 s27, $0x1;
	_ =	strace $0x8000004F;
	[dreg:$0x1] =	wrdreg $0xFFFFFFFF  }
0x1f: {  	s28 =	simm.s32 $_size_execute0_lowered;
	s1 =	sadd.s32 s1, s4;
	[dreg:$0x0] =	wrdreg $0x0  }
0x20: {  	s4 =	sshll.u32 s28, $0x1;
	[dreg:$0x2] =	wrdreg s1  }
0x21: {  	[dreg:$0x3] =	wrdreg s4  }
0x22: {  	[dreg:$0x4] =	wrdreg $0xC0  }
0x23: {  	_ =	task [dreg:s6], $0x5FFFF  }
0x24: {  	[dreg:$0x1] =	wrdreg $0xFFFFFFFF  }
0x25: {  	[dreg:$0x0] =	wrdreg $0x60  }
0x26: {  	[dreg:$0x2] =	wrdreg s25  }
0x27: {  	[dreg:$0x3] =	wrdreg $0x9  }
0x28: {  	_ =	task.clear_ibuf [dreg:s6], $0x4FFFF;
	_ =	strace $0x9000004F  }
0x29: {  	s29 =	simm.s32 $0x9;
	_ =	strace $0x80000051  }
0x2a: {  	_ =	swait.ge [sflag:s29], $0x1  }
0x2b: {  	[sflag:s29] =	ssyncadd.s32 $0xFFFFFFFF  }
0x2c: {  	_ =	strace $0x90000051  }
0x2d: {  	_ =	sfence  }
0x2e: {  	s30 =	sld [smem:$0x0];
	_ =	sdelay $0x2  }
0x2f: {  	s31 =	sshll.u32 s3, $0xD;
	s3 =	sshrl.u32 s3, $0x2  }
0x30: {  	s2 =	sand.u32 $0x4000, s31;
	s1 =	sadd.s32 s3, s30  }
0x31: {  	s0 =	sor.u32 s2, s0;
	s1 =	sshll.u32 s1, $0x11  }
0x32: {  	s0 =	sor.u32 s1, s0  }
0x33: {  	s0 =	sadd.s32 $0x8F2B, s0  }
0x34: {  	[sflag:s0] =	ssyncadd.remote.s32 $0x1  }
0x35: {  	_ =	sfence.sel $0xFFFF  }
0x36: {  	[dreg:$0x0] =	wrdreg $0xFFFFFFFF;
	(pc) =	sbr.abs _section_cstart, $3  }
0x37: {  	[dreg:$0x1] =	wrdreg $0xFFFFFFFF  }
0x38: {  	_ =	task.clear_ibuf [dreg:s6], $0x2FFFF;
	_ =	strace $0x9FFFFFFF  }
0x39: {  	(tm) =	ssettm $0x7FFFFFFF  }
tec
execute0_lowered:
.L_overlay_start_1:
0x0: {  	(tag) =	ssettag $0x1  }
0x1: {  	s1 =	rddreg [dreg:$0x0]  }
0x2: {  	s0 =	rddreg [dreg:$0x1]  }
0x3: {  	_ =	strace $0x80000050;
	s4 =	srdreg.scid;
	s6 =	simm.s32 $0x2  }
0x4: {  	s13 =	simm.s32 $0x0;
	p0 =	por $0x0, $0x0;
	s12 =	simm.s32 $0x0  }
0x5: {  	s15 =	simm.s32 $0x0;
	s14 =	simm.s32 $0x0;
	s8 =	simm.s32 $0x0  }
.Ltmp0:
0x6: {  	s9 =	simm.s32 $0x0;
	s10 =	simm.s32 $0x0;
	(pc) =	sbr.rel .LBB1_1-.Ltmp0, $4  }
0x7: {  	s2 =	sadd.s32 $0x1400, s1;
	s3 =	sadd.s32 $0x181400, s1;
	s5 =	sshll.u32 s4, $0x4  }
0x8: {  	s1 =	stileid.u32;
	s4 =	simm.s32 $0x1;
	s5 =	sand.u32 $0x10, s5  }
0x9: {  	s7 =	simm.s32 $0x0;
	[sflag:s4] =	ssyncpa.u1 $0x0;
	s5 =	sor.u32 s1, s5  }
0xa: {  	[sflag:s6] =	ssyncpa.u1 $0x0;
	s6 =	simm.s32 $0x3000;
	s11 =	smov.u32 s5  }
.LBB1_7:
0xb: {  	s16 =	sadd.s32 $0x100, s8  }
0xc: {  	s12 =	sadd.s32 $0x8, s9;
	s17 =	smov.u32 s9;
	p2 =	sgt.s32 s16, $0x2FF  }
0xd: {  	s17 =	smov.u32 @p2 s12  }
0xe: {  	s18 =	smov.u32 s10;
	s12 =	sadd.s32 $0x8, s10;
	p3 =	sgt.s32 s17, $0x7  }
0xf: {  	s18 =	smov.u32 @p3 s12  }
0x10: {  	s19 =	smov.u32 s11;
	s12 =	sadd.s32 $0x20, s11;
	p4 =	sgt.s32 s18, $0xF  }
0x11: {  	p1 =	slt.u32 s7, $0x2;
	s19 =	smov.u32 @p4 s12  }
0x12: {  	s7 =	sadd.s32 $0x1, s7;
	s16 =	simm.s32 @p2 $0x0;
	p2 =	sgt.s32 s19, $0x7F  }
0x13: {  	s13 =	smov.u32 s8;
	s19 =	smov.u32 @p2 s5;
	p2 =	sne.s32 s7, $0x1A  }
.Ltmp1:
0x14: {  	s15 =	smov.u32 s10;
	s20 =	simm.s32 @!p1 $0x2;
	(pc) =	sbr.rel @!p2 .LBB1_8-.Ltmp1, $4  }
0x15: {  	s14 =	smov.u32 s11;
	p0 =	por !p0, !p0;
	_ =	swait.ge @!p1 [sflag:s20], $0x4000  }
0x16: {  	[sflag:s20] =	ssyncset.done @!p1 $0x0;
	s8 =	smov.u32 s16;
	s17 =	simm.s32 @p3 $0x0  }
0x17: {  	[sflag:s20] =	ssyncadd.s32 @!p1 $0xFFFFC000;
	s18 =	simm.s32 @p4 $0x0;
	s12 =	smov.u32 s9  }
0x18: {  	s9 =	smov.u32 s17;
	s10 =	smov.u32 s18;
	s11 =	smov.u32 s19  }
.LBB1_1:
0x19: {  	p1 =	sgt.u32 s7, $0x17  }
0x1a: {  	s16 =	sshrl.u32 @!p1 s9, $0x3  }
0x1b: {  	s17 =	sshll.u32 @!p1 s8, $0x3;
	s16 =	smul.u32 @!p1 $0x1800, s16  }
0x1c: {  	s18 =	sshll.u32 @!p1 s9, $0x7;
	s17 =	sand.u32 @!p1 $0xFFFFFC00, s17  }
0x1d: {  	s16 =	sadd.s32 @!p1 s16, s17;
	s17 =	sand.u32 @!p1 $0x380, s18  }
0x1e: {  	s18 =	sand.u32 @!p1 $0x7F, s8;
	s16 =	sor.u32 @!p1 s17, s16  }
0x1f: {  	s17 =	sor.u32 @!p1 s18, s16  }
0x20: {  	s18 =	smulhi.u32 @!p1 $0xAAAAAAAB, s17  }
0x21: {  	s16 =	smulhi.u32 @!p1 $0xAAAAAAAB, s16  }
0x22: {  	s20 =	smul.u32 @!p1 $0x3000, s11;
	s18 =	sshrl.u32 @!p1 s18, $0x9  }
0x23: {  	s19 =	sxor.u32 @!p1 $0xFFFFFFFF, s7;
	s16 =	sshrl.u32 @!p1 s16, $0x9;
	s18 =	smul.u32 @!p1 $0x300, s18  }
0x24: {  	s21 =	smul.u32 @!p1 $0x300, s10;
	s19 =	sshll.u32 @!p1 s19, $0xE;
	s16 =	sand.u32 @!p1 $0x7, s16  }
0x25: {  	s16 =	smul.u32 @!p1 $0x60, s16;
	s17 =	ssub.s32 @!p1 s17, s18;
	s18 =	sadd.s32 @!p1 s2, s20  }
0x26: {  	s19 =	sand.u32 @!p1 $0x4000, s19;
	s18 =	sadd.s32 @!p1 s21, s18;
	s20 =	sand.u32 @!p1 $0x7, s17  }
0x27: {  	s17 =	sshrl.u32 @!p1 s17, $0x3;
	s16 =	sadd.s32 @!p1 s16, s18;
	s18 =	sshll.u32 @!p1 s20, $0x12  }
0x28: {  	s16 =	sadd.s32 @!p1 s17, s16;
	s17 =	sor.u32 @!p1 $0x800, s18;
	s18 =	simm.s32 @!p1 $0x1800  }
0x29: {  	[tilespmem:s19], [sflag:$0x1] =	stream.strided.gather @!p1 [hbm4b:s16+s17], $0x4000, s18, s17, $0x38;
	[tilespmem:$0x10000] =	vst v63  }
0x2a: {  	p1 =	seq.s32 s7, $0x0  }
0x2b: {  	p2 =	seq.s32 @!p1 s7, $0x19  }
0x2c: {  	p1 =	por p1, p2  }
.Ltmp2:
0x2d: {  	_ = 	snop;
	(pc) =	sbr.rel @p1 .LBB1_7-.Ltmp2, $1  }
0x2e: {  	_ =	sdelay $0x3  }
0x2f: {  	s16 =	simm.s32 $0x1;
	_ =	swait.ge [sflag:s4], $0x4000  }
0x30: {  	s31 =	sshll.u32 s7, $0xE;
	s21 =	simm.s32 $0x0;
	p1 =	por $0x0, $0x0  }
0x31: {  	s22 =	simm.s32 $0x0;
	s23 =	simm.s32 $0x0;
	s16 =	simm.s32 @!p0 $0x0  }
0x32: {  	[sflag:s4] =	ssyncset.done $0x0;
	s19 =	sand.u32 $0x4000, s31;
	s16 =	sshll.u32 s16, $0x10  }
0x33: {  	[sflag:s4] =	ssyncadd.s32 $0xFFFFC000;
	s20 =	sshrl.u32 s16, $0x2;
	s16 =	sor.u32 $0x8000, s19  }
0x34: {  	s17 =	sor.u32 $0x40, s20;
	s18 =	sor.u32 $0x8410, s20;
	s20 =	sadd.s32 $0x8400, s20  }
.LBB1_3:
0x35: {  	v1 =	vld [tilespmem:s17+$0xFFFFFFD0]  }
0x36: {  	v2 =	vld [tilespmem:s17+$0x430]  }
0x37: {  	s24 =	sshll.u32 s23, $0xB;
	v4 =	vld [tilespmem:s17+$0xFFFFFFE0]  }
0x38: {  	v7 =	vld [tilespmem:s17+$0xFFFFFFF0];
	v0 =	vmov s24  }
0x39: {  	v8 =	vld [tilespmem:s17+$0x0]  }
0x3a: {  	s30 =	sand.u32 $0x300, s21;
	v9 =	vld [tilespmem:s17+$0x10]  }
0x3b: {  	s25 =	sand.u32 $0x80, s21;
	v10 =	vld [tilespmem:s17+$0x20];
	s24 =	sadd.s32 s30, s19  }
0x3c: {  	v11 =	vld [tilespmem:s17+$0x30];
	s24 =	sadd.s32 s25, s24;
	s25 =	simm.s32 $0x1;
	[tilespmem:s18+$0x60] =	vst v2  }
0x3d: {  	s31 =	sshll.u32 s22, $0x2;
	s25 =	simm.s32 @!p1 $0x0;
	[tilespmem:s18+$0xFFFFFC00] =	vst v1;
	v3 =	vld.idx.msk [tilespmem:v0+s24+$0x400 ss:$0x1], $0xffff  }
0x3e: {  	v6 =	vld [tilespmem:s17+$0x3D0];
	s25 =	sshll.u32 s25, $0x9;
	[tilespmem:s18+$0xFFFFFC10] =	vst v4;
	s24 =	sand.u32 $0xFFFFFC00, s31  }
0x3f: {  	v5 =	vld [tilespmem:s17+$0x3E0];
	[tilespmem:s18+$0xFFFFFC20] =	vst v7;
	s24 =	sor.u32 s25, s24  }
0x40: {  	[tilespmem:s18+$0xFFFFFC30] =	vst v8;
	v4 =	vld [tilespmem:s17+$0x400];
	s24 =	sshrl.u32 s24, $0x2  }
0x41: {  	[tilespmem:s18+$0xFFFFFC40] =	vst v9;
	v1 =	vld [tilespmem:s17+$0x410];
	s24 =	sadd.s32 s24, s20  }
0x42: {  	[tilespmem:s24+$0x0] =	vst v3;
	v3 =	vld [tilespmem:s17+$0x3F0]  }
0x43: {  	s28 =	simm.s32 $0x80;
	s27 =	simm.s32 $0x100;
	[tilespmem:s18+$0xFFFFFC50] =	vst v10;
	v2 =	vld [tilespmem:s17+$0x420]  }
0x44: {  	s26 =	smov.u32 s18;
	s29 =	sand.u32 $0x300, s28;
	v7 =	vld [tilespmem:s17+$0xFFFFFFC0];
	[tilespmem:s18+$0xFFFFFC60] =	vst v11;
	s25 =	sadd.s32 $0x80, s17  }
.LBB1_4:
0x45: {  	p2 =	sne.s32 s27, $0x380;
	v8 =	vld [tilespmem:s25+$0xFFFFFFD0];
	s28 =	sand.u32 $0x80, s28;
	s29 =	sadd.s32 s29, s19;
	[tilespmem:s26+$0x0] =	vst v6  }
0x46: {  	s29 =	sadd.s32 s28, s29;
	v6 =	vld [tilespmem:s25+$0x430];
	[tilespmem:s26+$0x10] =	vst v5;
	s28 =	smov.u32 s27  }
0x47: {  	v5 =	vld.idx.msk [tilespmem:v0+s29+$0x400 ss:$0x1], $0xffff;
	[tilespmem:s26+$0x20] =	vst v3  }
0x48: {  	v3 =	vld [tilespmem:s25+$0xFFFFFFE0];
	[tilespmem:s26+$0x30] =	vst v4  }
0x49: {  	v4 =	vld [tilespmem:s25+$0xFFFFFFF0];
	[tilespmem:s26+$0xFFFFFBF0] =	vst v7  }
0x4a: {  	v7 =	vld [tilespmem:s25+$0x0];
	[tilespmem:s26+$0x40] =	vst v1  }
0x4b: {  	v1 =	vld [tilespmem:s25+$0x10];
	[tilespmem:s26+$0x50] =	vst v2;
	s26 =	sadd.s32 $0x800, s26  }
0x4c: {  	s24 =	sadd.s32 $0x800, s24;
	v2 =	vld [tilespmem:s25+$0x20];
	[tilespmem:s26+$0x60] =	vst v6  }
0x4d: {  	v9 =	vld [tilespmem:s25+$0x30];
	[tilespmem:s24+$0x0] =	vst v5  }
0x4e: {  	[tilespmem:s26+$0xFFFFFC00] =	vst v8;
	v6 =	vld [tilespmem:s25+$0x3D0]  }
0x4f: {  	[tilespmem:s26+$0xFFFFFC10] =	vst v3;
	v5 =	vld [tilespmem:s25+$0x3E0]  }
.Ltmp3:
0x50: {  	[tilespmem:s26+$0xFFFFFC20] =	vst v4;
	v3 =	vld [tilespmem:s25+$0x3F0];
	(pc) =	sbr.rel @p2 .LBB1_4-.Ltmp3, $4  }
0x51: {  	[tilespmem:s26+$0xFFFFFC30] =	vst v7;
	v4 =	vld [tilespmem:s25+$0x400]  }
0x52: {  	[tilespmem:s26+$0xFFFFFC40] =	vst v1;
	v1 =	vld [tilespmem:s25+$0x410]  }
0x53: {  	[tilespmem:s26+$0xFFFFFC50] =	vst v2;
	v2 =	vld [tilespmem:s25+$0x420]  }
0x54: {  	s27 =	sadd.s32 $0x80, s27;
	s29 =	sand.u32 $0x300, s28;
	v7 =	vld [tilespmem:s25+$0xFFFFFFC0];
	[tilespmem:s26+$0xFFFFFC60] =	vst v9;
	s25 =	sadd.s32 $0x80, s25  }
0x55: {  	[tilespmem:s26+$0x0] =	vst v6  }
0x56: {  	[tilespmem:s26+$0x10] =	vst v5  }
0x57: {  	v49 =	vld [tilespmem:s25+$0x430];
	[tilespmem:s26+$0x20] =	vst v3  }
0x58: {  	v50 =	vld [tilespmem:s25+$0xFFFFFFD0];
	[tilespmem:s26+$0x30] =	vst v4  }
0x59: {  	v51 =	vld [tilespmem:s25+$0xFFFFFFE0];
	[tilespmem:s26+$0x40] =	vst v1  }
0x5a: {  	v52 =	vld [tilespmem:s25+$0xFFFFFFF0];
	[tilespmem:s26+$0x50] =	vst v2  }
0x5b: {  	s31 =	sadd.s32 $0x800, s26;
	v53 =	vld [tilespmem:s25+$0x0];
	[tilespmem:s26+$0xFFFFFBF0] =	vst v7  }
0x5c: {  	v54 =	vld [tilespmem:s25+$0x10];
	[tilespmem:s31+$0x60] =	vst v49  }
0x5d: {  	v55 =	vld [tilespmem:s25+$0x20];
	[tilespmem:s31+$0xFFFFFC00] =	vst v50  }
0x5e: {  	v56 =	vld [tilespmem:s25+$0x30];
	[tilespmem:s31+$0xFFFFFC10] =	vst v51  }
0x5f: {  	v57 =	vld [tilespmem:s25+$0x3D0];
	[tilespmem:s31+$0xFFFFFC20] =	vst v52  }
0x60: {  	v58 =	vld [tilespmem:s25+$0x3E0];
	[tilespmem:s31+$0xFFFFFC30] =	vst v53  }
0x61: {  	v59 =	vld [tilespmem:s25+$0x3F0];
	[tilespmem:s31+$0xFFFFFC40] =	vst v54  }
0x62: {  	v60 =	vld [tilespmem:s25+$0x400];
	[tilespmem:s31+$0xFFFFFC50] =	vst v55  }
0x63: {  	v61 =	vld [tilespmem:s25+$0xFFFFFFC0];
	[tilespmem:s31+$0xFFFFFC60] =	vst v56  }
0x64: {  	s27 =	sand.u32 $0x80, s28;
	s30 =	sadd.s32 s29, s19;
	v62 =	vld [tilespmem:s25+$0x410];
	[tilespmem:s31+$0x0] =	vst v57  }
0x65: {  	v63 =	vld [tilespmem:s25+$0x420];
	s23 =	sadd.s32 $0x1, s23;
	s27 =	sadd.s32 s27, s30;
	[tilespmem:s31+$0x10] =	vst v58  }
0x66: {  	p2 =	sne.s32 s23, $0x8;
	v0 =	vld.idx.msk [tilespmem:v0+s27+$0x400 ss:$0x1], $0xffff;
	[tilespmem:s31+$0x20] =	vst v59  }
.Ltmp4:
0x67: {  	[tilespmem:s31+$0x30] =	vst v60;
	(pc) =	sbr.rel @p2 .LBB1_3-.Ltmp4, $4  }
0x68: {  	[tilespmem:s31+$0xFFFFFBF0] =	vst v61  }
0x69: {  	[tilespmem:s31+$0x40] =	vst v62  }
0x6a: {  	s24 =	sadd.s32 $0x800, s24;
	s17 =	sadd.s32 $0x800, s17;
	[tilespmem:s31+$0x50] =	vst v63  }
0x6b: {  	s22 =	sadd.s32 $0x80, s22;
	p1 =	por !p1, !p1;
	s18 =	sadd.s32 $0x80, s18;
	[tilespmem:s24+$0x0] =	vst v0  }
0x6c: {  	s17 =	sshrl.u32 s15, $0x3  }
0x6d: {  	s18 =	sshll.u32 s13, $0x3;
	s17 =	smul.u32 $0x1800, s17  }
0x6e: {  	s27 =	sshll.u32 s15, $0x7;
	s18 =	sand.u32 $0xFFFFFC00, s18  }
0x6f: {  	s15 =	sand.u32 $0x380, s27;
	s17 =	sadd.s32 s17, s18  }
0x70: {  	s28 =	sand.u32 $0x7F, s13;
	s15 =	sor.u32 s15, s17  }
0x71: {  	s13 =	sor.u32 s28, s15;
	s15 =	smulhi.u32 $0xAAAAAAAB, s15  }
0x72: {  	s29 =	smulhi.u32 $0xAAAAAAAB, s13  }
0x73: {  	s14 =	smul.u32 $0x3000, s14  }
0x74: {  	s12 =	smul.u32 $0x600, s12;
	s15 =	sshrl.u32 s15, $0x9;
	s17 =	sshrl.u32 s29, $0x9  }
0x75: {  	s15 =	sand.u32 $0xF, s15;
	s17 =	smul.u32 $0x300, s17  }
0x76: {  	s15 =	smul.u32 $0x60, s15  }
.Ltmp5:
0x77: {  	s14 =	sadd.s32 s3, s14;
	s13 =	ssub.s32 s13, s17;
	(pc) =	sbr.rel .LBB1_7-.Ltmp5, $4  }
0x78: {  	s12 =	sadd.s32 s12, s14;
	s30 =	sand.u32 $0x7, s13  }
0x79: {  	s12 =	sadd.s32 s15, s12;
	s13 =	sshrl.u32 s13, $0x3;
	s14 =	sshll.u32 s30, $0x12  }
0x7a: {  	s12 =	sadd.s32 s13, s12;
	s31 =	sor.u32 $0x800, s14  }
0x7b: {  	[hbm4b:s12+s31] =	stream.strided.scatter [tilespmem:s16], [sflag:$0x2], $0x4000, s6, s31, $0x38;
	[tilespmem:$0x10000] =	vst v63  }
.LBB1_8:
0x7c: {  	_ =	sfence.sel $0x180000  }
0x7d: {  	s2 =	simm.s32 $0x1;
	[bflag:$0x0] =	sbarrier.arrive $0xFFFF  }
0x7e: {  	s31 =	simm.s32 $0x2;
	[sflag:s2] =	ssyncpa.u1 $0x1  }
0x7f: {  	[sflag:s31] =	ssyncpa.u1 $0x1  }
0x80: {  	p0 =	sne.s32 s1, $0x0;
	_ =	strace $0x90000050  }
0x81: {  	s0 =	sadd.s32 @!p0 $0x100000, s0;
	[bflag:$0x2] =	sbarrier.arrive $0xFFFF  }
0x82: {  	[sflag:s0] =	ssyncadd.tile.s32 @!p0 $0x1;
	_ =	shalt  }
.Lfunc_end1:
_tile_overlayer_lowered:
.L_overlay_start_2:
0x83: {  	(tag) =	ssettag $0x2  }
0x84: {  	s0 =	rddreg [dreg:$0x0];
	s2 =	stileid.u32  }
0x85: {  	s1 =	rddreg [dreg:$0x1];
	p0 =	sne.s32 s2, $0x0  }
0x86: {  	s3 =	rddreg [dreg:$0x2];
	[bflag:$0x3] =	sbarrier.arrive $0xFFFF;
	s2 =	simm.s32 @!p0 $0x1C01  }
0x87: {  	[timem:s3], [sflag:s2] =	dma.local @!p0 [hbm:s0], s1  }
0x88: {  	s0 =	simm.s32 @!p0 $0x1  }
0x89: {  	_ =	swait.ge @!p0 [sflag:s0], s1  }
0x8a: {  	s1 =	ssub.s32 @!p0 $0x0, s1;
	[sflag:s0] =	ssyncset.done @!p0 $0x0  }
0x8b: {  	[sflag:s0] =	ssyncadd.s32 @!p0 s1  }
0x8c: {  	[bflag:$0x3] =	sbarrier.arrive $0xFFFF  }
0x8d: {  	_ =	shalt  }

// kernel: sparse-core-data-format-call.2.cloned.1.call-start
scs
called_computation.2_lowered:
.L_overlay_start_0:
0x0: {  	s2 =	sld [smem:$0x3FD9]  }
0x1: {  	s3 =	sld [smem:$0x3FFE];
	_ =	sdelay $0x1  }
0x2: {  	s1 =	srdreg.scid  }
0x3: {  	s0 =	sand.u32 $0x1, s1  }
0x4: {  	s18 =	sshll.u32 s0, $0xA;
	s2 =	sadd.s32 s3, s2  }
0x5: {  	s2 =	sadd.s32 s2, s18  }
0x6: {  	[smem:$0x3FC6] =	sst s2  }
0x7: {  	_ = 	snop  }
0x8: {  	s2 =	sld [smem:$0x3FD0];
	(tm) =	ssettm $0x1  }
0x9: {  	s19 =	sld [smem:$0x3FFB];
	_ =	sdelay $0x3  }
0xa: {  	_ =	strace s19  }
0xb: {  	s3 =	sld [smem:$0x3FFC];
	_ =	sdelay $0x3  }
0xc: {  	_ =	strace s3  }
0xd: {  	s3 =	sld [smem:$0x3FFD];
	_ =	sdelay $0x3  }
0xe: {  	_ =	strace s3  }
0xf: {  	_ =	strace $0x8FFFFFFF  }
0x10: {  	s20 =	sld [smem:$0x3FDB];
	_ =	sdelay $0x1  }
0x11: {  	s4 =	simm.s32 $_scs_section_size  }
0x12: {  	s5 =	simm.s32 $_size__tile_overlayer_lowered;
	s6 =	simm.s32 $_tile_overlayer_lowered  }
0x13: {  	s23 =	simm.s32 $0x1BFF;
	s22 =	sshll.u32 s6, $0x1;
	s3 =	sadd.s32 s4, s20  }
0x14: {  	s7 =	simm.s32 $0x0;
	s21 =	sshll.u32 s5, $0x1;
	s5 =	sadd.s32 s22, s3  }
0x15: {  	[timem:s7], [sflag:s23] =	dma.local [hbm:s5], s21  }
0x16: {  	_ =	swait.ge [sflag:s23], s21  }
0x17: {  	s4 =	ssub.s32 $0x0, s21;
	[sflag:s23] =	ssyncset.done $0x0  }
0x18: {  	[sflag:s23] =	ssyncadd.s32 s4;
	_ =	sdelay $0x1  }
0x19: {  	s24 =	simm.s32 $0x1B8B  }
0x1a: {  	_ =	swait.ge [sflag:s24], $0x1  }
0x1b: {  	[sflag:s24] =	ssyncset.done $0x0  }
0x1c: {  	s26 =	simm.s32 $0x1B8E;
	s25 =	sld [smem:$0x3FFE];
	[sflag:s24] =	ssyncadd.s32 $0xFFFFFFFF  }
0x1d: {  	s27 =	simm.s32 $execute0_lowered;
	[smem:$0x3FD2] =	sst s26  }
0x1e: {  	s5 =	sshll.u32 s27, $0x1;
	_ =	strace $0x8000004C;
	[dreg:$0x1] =	wrdreg $0xFFFFFFFF  }
0x1f: {  	s28 =	simm.s32 $_size_execute0_lowered;
	s3 =	sadd.s32 s3, s5;
	[dreg:$0x0] =	wrdreg $0x0  }
0x20: {  	s5 =	sshll.u32 s28, $0x1;
	[dreg:$0x2] =	wrdreg s3  }
0x21: {  	[dreg:$0x3] =	wrdreg s5  }
0x22: {  	[dreg:$0x4] =	wrdreg $0xC0  }
0x23: {  	_ =	task [dreg:s7], $0x5FFFF  }
0x24: {  	[dreg:$0x1] =	wrdreg $0xFFFFFFFF  }
0x25: {  	[dreg:$0x0] =	wrdreg $0x60  }
0x26: {  	[dreg:$0x2] =	wrdreg s2  }
0x27: {  	[dreg:$0x3] =	wrdreg s25  }
0x28: {  	[dreg:$0x4] =	wrdreg $0x9  }
0x29: {  	_ =	task.clear_ibuf [dreg:s7], $0x5FFFF;
	_ =	strace $0x9000004C  }
0x2a: {  	s29 =	simm.s32 $0x9;
	_ =	strace $0x8000004E  }
0x2b: {  	_ =	swait.ge [sflag:s29], $0x1  }
0x2c: {  	[sflag:s29] =	ssyncadd.s32 $0xFFFFFFFF  }
0x2d: {  	_ =	strace $0x9000004E  }
0x2e: {  	_ =	sfence  }
0x2f: {  	s30 =	sld [smem:$0x0];
	_ =	sdelay $0x2  }
0x30: {  	s31 =	sshll.u32 s1, $0xD;
	s1 =	sshrl.u32 s1, $0x2  }
0x31: {  	s3 =	sand.u32 $0x4000, s31;
	s1 =	sadd.s32 s1, s30  }
0x32: {  	s0 =	sor.u32 s3, s0;
	s1 =	sshll.u32 s1, $0x11  }
0x33: {  	s0 =	sor.u32 s1, s0  }
0x34: {  	s0 =	sadd.s32 $0x8F2B, s0  }
0x35: {  	[sflag:s0] =	ssyncadd.remote.s32 $0x1  }
0x36: {  	_ =	sfence.sel $0xFFFF  }
0x37: {  	[dreg:$0x0] =	wrdreg $0xFFFFFFFF;
	(pc) =	sbr.abs _section_cstart, $3  }
0x38: {  	[dreg:$0x1] =	wrdreg $0xFFFFFFFF  }
0x39: {  	_ =	task.clear_ibuf [dreg:s7], $0x2FFFF;
	_ =	strace $0x9FFFFFFF  }
0x3a: {  	(tm) =	ssettm $0x7FFFFFFF  }
0x3b: {  	_ =	shalt  }
tec
execute0_lowered:
.L_overlay_start_1:
0x0: {  	(tag) =	ssettag $0x1  }
0x1: {  	s0 =	srdreg.scid  }
0x2: {  	s1 =	sshll.u32 s0, $0x4  }
0x3: {  	s3 =	rddreg [dreg:$0x0];
	s0 =	stileid.u32;
	s1 =	sand.u32 $0x10, s1  }
0x4: {  	s6 =	rddreg [dreg:$0x1];
	s5 =	simm.s32 $0x1;
	s1 =	sor.u32 s0, s1  }
0x5: {  	s31 =	simm.s32 $0x2;
	s12 =	simm.s32 $0x0;
	s2 =	sshll.u32 s1, $0x7  }
0x6: {  	s8 =	simm.s32 $0x18000;
	s13 =	simm.s32 $0x0;
	s4 =	ssub.s32 $0x3000, s2  }
0x7: {  	s9 =	simm.s32 $0x0;
	s11 =	simm.s32 $0x0;
	s30 =	sand.u32 $0xF80, s4  }
.Ltmp0:
0x8: {  	s6 =	sadd.s32 $0x1400, s6;
	p0 =	sne.s32 s30, $0x0;
	(pc) =	sbr.rel .LBB1_1-.Ltmp0, $4  }
0x9: {  	s1 =	rddreg [dreg:$0x2];
	s7 =	sshrl.u32 s4, $0xC;
	s5 =	simm.s32 @!p0 $0x0  }
0xa: {  	_ =	strace $0x8000004D;
	s4 =	simm.s32 $0x1;
	s5 =	sadd.s32 s5, s7  }
0xb: {  	s10 =	smov.u32 s2;
	[sflag:s4] =	ssyncpa.u1 $0x0;
	s5 =	sshll.u32 s5, $0x3  }
0xc: {  	[sflag:s31] =	ssyncpa.u1 $0x0;
	p0 =	por $0x0, $0x0;
	s7 =	sor.u32 $0x1, s5  }
.LBB1_4:
0xd: {  	s19 =	sshrl.u32 s12, $0x3  }
0xe: {  	s20 =	sshll.u32 s13, $0x3;
	s24 =	sshll.u32 s12, $0x7;
	s19 =	smul.u32 $0x18000, s19  }
0xf: {  	v5 =	vld [tilespmem:s17+$0xFFFFFFD0];
	[tilespmem:s16+$0x2040 ss:$0x81] =	vst.msk $0xffff, v4;
	s25 =	sand.u32 $0x7F, s13;
	s20 =	sand.u32 $0xFFFFFC00, s20;
	s12 =	sand.u32 $0x380, s24  }
0x10: {  	v58 =	vld [tilespmem:s17+$0xFFFFFFE0];
	[tilespmem:s16+$0x2850 ss:$0x81] =	vst.msk $0xffff, v2;
	s12 =	sor.u32 s25, s12;
	s19 =	sadd.s32 s20, s19  }
0x11: {  	s26 =	sshra.s32 s18, $0x2;
	v59 =	vld [tilespmem:s17+$0xFFFFFFF0];
	[tilespmem:s16+$0x3060 ss:$0x81] =	vst.msk $0xffff, v3;
	s12 =	sor.u32 s19, s12  }
0x12: {  	v60 =	vld [tilespmem:s17+$0x0];
	[tilespmem:s16+$0x0 ss:$0x81] =	vst.msk $0xffff, v0;
	s13 =	sadd.s32 s26, s15;
	s27 =	smulhi.u32 $0xAAAAAAAB, s12  }
0x13: {  	v61 =	vld [tilespmem:s17+$0x10];
	[tilespmem:s13+$0x3870 ss:$0x81] =	vst.msk $0xffff, v1  }
0x14: {  	v62 =	vld [tilespmem:s17+$0x20];
	s28 =	smulhi.u32 $0xAAAAAAAB, s19;
	[tilespmem:s13+$0x810 ss:$0x81] =	vst.msk $0xffff, v5;
	s15 =	sshrl.u32 s27, $0xD  }
0x15: {  	v63 =	vld [tilespmem:s17+$0xFFFFFFC0];
	[tilespmem:s13+$0x1020 ss:$0x81] =	vst.msk $0xffff, v58;
	s15 =	smul.u32 $0x3000, s15  }
0x16: {  	[tilespmem:s13+$0x1830 ss:$0x81] =	vst.msk $0xffff, v59;
	s16 =	sshrl.u32 s28, $0xD  }
0x17: {  	[tilespmem:s13+$0x2040 ss:$0x81] =	vst.msk $0xffff, v60;
	s29 =	sand.u32 $0x3FF, s16;
	s12 =	ssub.s32 s12, s15  }
0x18: {  	[tilespmem:s13+$0x2850 ss:$0x81] =	vst.msk $0xffff, v61;
	s15 =	smul.u32 $0x600, s29;
	s30 =	sshrl.u32 s12, $0x3;
	s12 =	sand.u32 $0x7, s12  }
0x19: {  	[tilespmem:s13+$0x3060 ss:$0x81] =	vst.msk $0xffff, v62;
	s16 =	sadd.s32 s6, s30;
	s12 =	sshll.u32 s12, $0x12  }
0x1a: {  	[tilespmem:s13+$0x0 ss:$0x81] =	vst.msk $0xffff, v63;
	s31 =	sadd.s32 s15, s16;
	s12 =	sor.u32 $0x400, s12  }
0x1b: {  	[hbm4b:s31+s12] =	stream.strided.scatter [tilespmem:s14], [sflag:$0x2], $0x4000, s8, s12, $0x20;
	[tilespmem:$0x10100] =	vst v63  }
.LBB1_5:
0x1c: {  	s14 =	sadd.s32 $0x80, s9  }
0x1d: {  	s12 =	sadd.s32 $0x1000, s10;
	s16 =	smov.u32 s10;
	p2 =	sgt.s32 s14, $0x3FF  }
0x1e: {  	s16 =	smov.u32 @p2 s12  }
0x1f: {  	s14 =	simm.s32 @p2 $0x0;
	p2 =	sgt.s32 s16, $0x2FFF  }
0x20: {  	s16 =	smov.u32 @p2 s2;
	p2 =	sne.s32 s11, s7  }
.Ltmp1:
0x21: {  	p1 =	slt.u32 s11, $0x2;
	(pc) =	sbr.rel @!p2 .LBB1_6-.Ltmp1, $4  }
0x22: {  	s15 =	simm.s32 @!p1 $0x2  }
0x23: {  	s13 =	smov.u32 s10;
	p0 =	por !p0, !p0;
	_ =	swait.ge @!p1 [sflag:s15], $0x4000  }
0x24: {  	s12 =	smov.u32 s9;
	[sflag:s15] =	ssyncset.done @!p1 $0x0;
	s9 =	smov.u32 s14  }
0x25: {  	s11 =	sadd.s32 $0x1, s11;
	[sflag:s15] =	ssyncadd.s32 @!p1 $0xFFFFC000;
	s10 =	smov.u32 s16  }
.LBB1_1:
0x26: {  	p1 =	sge.u32 s11, s5  }
0x27: {  	s14 =	sshll.u32 @!p1 s10, $0xA  }
0x28: {  	s15 =	sshll.u32 @!p1 s9, $0x3;
	s14 =	sand.u32 @!p1 $0xFFFFE000, s14  }
0x29: {  	s14 =	sadd.s32 @!p1 s14, s15  }
0x2a: {  	s14 =	sshrl.u32 @!p1 s14, $0xA  }
0x2b: {  	s15 =	smulhi.u32 @!p1 $0x2AAAAB, s14  }
0x2c: {  	s16 =	sxor.u32 @!p1 $0xFFFFFFFF, s11  }
0x2d: {  	s17 =	sshll.u32 @!p1 s10, $0x7;
	s18 =	sand.u32 @!p1 $0x78, s9;
	s15 =	sshrl.u32 @!p1 s15, $0x3  }
0x2e: {  	s16 =	sshll.u32 @!p1 s16, $0xE;
	s17 =	sand.u32 @!p1 $0x380, s17;
	s15 =	smul.u32 @!p1 $0x3000, s15  }
0x2f: {  	s31 =	sadd.s32 $0xFFFFFFFF, s11;
	s17 =	sor.u32 @!p1 s18, s17;
	s16 =	sand.u32 @!p1 $0x4000, s16  }
0x30: {  	s14 =	ssub.s32 @!p1 s14, s15;
	s15 =	sshrl.u32 @!p1 s17, $0x3;
	s17 =	sand.u32 @!p1 $0x7, s9  }
0x31: {  	s14 =	sshll.u32 @!p1 s14, $0x7;
	s15 =	sadd.s32 @!p1 s3, s15;
	s17 =	sshll.u32 @!p1 s17, $0x12  }
0x32: {  	s14 =	sadd.s32 @!p1 s14, s15;
	s15 =	sor.u32 @!p1 $0x400, s17;
	s17 =	simm.s32 @!p1 $0x2000  }
0x33: {  	[tilespmem:s16], [sflag:$0x1] =	stream.strided.gather @!p1 [hbm4b:s14+s15], $0x4000, s17, s15, $0x38;
	[tilespmem:$0x10100] =	vst v63  }
0x34: {  	p1 =	sge.u32 s31, s5  }
.Ltmp2:
0x35: {  	_ = 	snop;
	(pc) =	sbr.rel @p1 .LBB1_5-.Ltmp2, $1  }
0x36: {  	_ =	sdelay $0x3  }
0x37: {  	s14 =	simm.s32 $0x1  }
0x38: {  	_ =	swait.ge [sflag:s4], $0x4000;
	s14 =	simm.s32 @!p0 $0x0  }
0x39: {  	[sflag:s4] =	ssyncset.done $0x0;
	s15 =	sshll.u32 s14, $0xE  }
0x3a: {  	[sflag:s4] =	ssyncadd.s32 $0xFFFFC000;
	s17 =	sor.u32 $0x40, s15  }
0x3b: {  	s14 =	smul.u32 $0x10200, s14;
	v0 =	vld [tilespmem:s17+$0x30]  }
0x3c: {  	v1 =	vld [tilespmem:s17+$0xFFFFFFD0]  }
0x3d: {  	s14 =	sshrl.u32 s14, $0x2;
	v5 =	vld [tilespmem:s17+$0xFFFFFFE0]  }
0x3e: {  	v6 =	vld [tilespmem:s17+$0xFFFFFFF0];
	s15 =	sor.u32 $0x8000, s14  }
0x3f: {  	s31 =	sand.u32 $0x1, s11;
	v4 =	vld [tilespmem:s17+$0x0];
	s16 =	sadd.s32 $0x0, s15  }
0x40: {  	v2 =	vld [tilespmem:s17+$0x10];
	s14 =	smul.u32 $0x10200, s31;
	[tilespmem:s16+$0x3870 ss:$0x81] =	vst.msk $0xffff, v0  }
0x41: {  	v3 =	vld [tilespmem:s17+$0x20];
	[tilespmem:s16+$0x810 ss:$0x81] =	vst.msk $0xffff, v1  }
0x42: {  	s14 =	sshrl.u32 s14, $0x2;
	v0 =	vld [tilespmem:s17+$0xFFFFFFC0];
	[tilespmem:s16+$0x1020 ss:$0x81] =	vst.msk $0xffff, v5;
	s17 =	sadd.s32 $0x80, s17  }
0x43: {  	s18 =	simm.s32 $0x4;
	s19 =	simm.s32 $0x8;
	s14 =	sor.u32 $0x8000, s14;
	[tilespmem:s16+$0x1830 ss:$0x81] =	vst.msk $0xffff, v6;
	v1 =	vld [tilespmem:s17+$0x30]  }
.LBB1_3:
0x44: {  	p1 =	sne.s32 s19, $0x1FC;
	v5 =	vld [tilespmem:s17+$0xFFFFFFD0];
	[tilespmem:s16+$0x2040 ss:$0x81] =	vst.msk $0xffff, v4  }
0x45: {  	v6 =	vld [tilespmem:s17+$0xFFFFFFE0];
	[tilespmem:s16+$0x2850 ss:$0x81] =	vst.msk $0xffff, v2  }
0x46: {  	s20 =	sshra.s32 s18, $0x2;
	s18 =	smov.u32 s19;
	v7 =	vld [tilespmem:s17+$0xFFFFFFF0];
	[tilespmem:s16+$0x3060 ss:$0x81] =	vst.msk $0xffff, v3  }
.Ltmp3:
0x47: {  	v4 =	vld [tilespmem:s17+$0x0];
	[tilespmem:s16+$0x0 ss:$0x81] =	vst.msk $0xffff, v0;
	s16 =	sadd.s32 s20, s15;
	(pc) =	sbr.rel @p1 .LBB1_3-.Ltmp3, $4  }
0x48: {  	v2 =	vld [tilespmem:s17+$0x10];
	[tilespmem:s16+$0x3870 ss:$0x81] =	vst.msk $0xffff, v1  }
0x49: {  	[tilespmem:s16+$0x810 ss:$0x81] =	vst.msk $0xffff, v5;
	v3 =	vld [tilespmem:s17+$0x20]  }
0x4a: {  	v0 =	vld [tilespmem:s17+$0xFFFFFFC0];
	[tilespmem:s16+$0x1020 ss:$0x81] =	vst.msk $0xffff, v6;
	s17 =	sadd.s32 $0x80, s17  }
0x4b: {  	s19 =	sadd.s32 $0x4, s19;
	v1 =	vld [tilespmem:s17+$0x30];
	[tilespmem:s16+$0x1830 ss:$0x81] =	vst.msk $0xffff, v7  }
.Ltmp4:
0x4c: {  	_ = 	snop;
	(pc) =	sbr.rel .LBB1_4-.Ltmp4, $1  }
0x4d: {  	_ =	sdelay $0x3  }
.LBB1_6:
0x4e: {  	_ =	sfence.sel $0x180000  }
0x4f: {  	s2 =	simm.s32 $0x1;
	[bflag:$0x0] =	sbarrier.arrive $0xFFFF  }
0x50: {  	s31 =	simm.s32 $0x2;
	[sflag:s2] =	ssyncpa.u1 $0x1  }
0x51: {  	[sflag:s31] =	ssyncpa.u1 $0x1  }
0x52: {  	p0 =	sne.s32 s0, $0x0;
	_ =	strace $0x9000004D  }
0x53: {  	s0 =	sadd.s32 @!p0 $0x100000, s1;
	[bflag:$0x2] =	sbarrier.arrive $0xFFFF  }
0x54: {  	[sflag:s0] =	ssyncadd.tile.s32 @!p0 $0x1;
	_ =	shalt  }
.Lfunc_end1:
_tile_overlayer_lowered:
.L_overlay_start_2:
0x55: {  	(tag) =	ssettag $0x2  }
0x56: {  	s0 =	rddreg [dreg:$0x0];
	s2 =	stileid.u32  }
0x57: {  	s1 =	rddreg [dreg:$0x1];
	p0 =	sne.s32 s2, $0x0  }
0x58: {  	s3 =	rddreg [dreg:$0x2];
	[bflag:$0x3] =	sbarrier.arrive $0xFFFF;
	s2 =	simm.s32 @!p0 $0x1C01  }
0x59: {  	[timem:s3], [sflag:s2] =	dma.local @!p0 [hbm:s0], s1  }
0x5a: {  	s0 =	simm.s32 @!p0 $0x1  }
0x5b: {  	_ =	swait.ge @!p0 [sflag:s0], s1  }
0x5c: {  	s1 =	ssub.s32 @!p0 $0x0, s1;
	[sflag:s0] =	ssyncset.done @!p0 $0x0  }
0x5d: {  	[sflag:s0] =	ssyncadd.s32 @!p0 s1  }
0x5e: {  	[bflag:$0x3] =	sbarrier.arrive $0xFFFF  }
0x5f: {  	_ =	shalt  }

// kernel: sparse-core-data-format-call.3.cloned.1.call-start
scs
called_computation.3_lowered:
.L_overlay_start_0:
0x0: {  	s2 =	sld [smem:$0x3FD9]  }
0x1: {  	s3 =	sld [smem:$0x3FFE];
	_ =	sdelay $0x1  }
0x2: {  	s1 =	srdreg.scid  }
0x3: {  	s0 =	sand.u32 $0x1, s1  }
0x4: {  	s18 =	sshll.u32 s0, $0xA;
	s2 =	sadd.s32 s3, s2  }
0x5: {  	s2 =	sadd.s32 s2, s18  }
0x6: {  	[smem:$0x3FC6] =	sst s2  }
0x7: {  	_ = 	snop  }
0x8: {  	s2 =	sld [smem:$0x3FD0];
	(tm) =	ssettm $0x1  }
0x9: {  	s19 =	sld [smem:$0x3FFB];
	_ =	sdelay $0x3  }
0xa: {  	_ =	strace s19  }
0xb: {  	s3 =	sld [smem:$0x3FFC];
	_ =	sdelay $0x3  }
0xc: {  	_ =	strace s3  }
0xd: {  	s3 =	sld [smem:$0x3FFD];
	_ =	sdelay $0x3  }
0xe: {  	_ =	strace s3  }
0xf: {  	_ =	strace $0x8FFFFFFF  }
0x10: {  	s20 =	sld [smem:$0x3FDB];
	_ =	sdelay $0x1  }
0x11: {  	s4 =	simm.s32 $_scs_section_size  }
0x12: {  	s5 =	simm.s32 $_size__tile_overlayer_lowered;
	s6 =	simm.s32 $_tile_overlayer_lowered  }
0x13: {  	s23 =	simm.s32 $0x1BFF;
	s22 =	sshll.u32 s6, $0x1;
	s3 =	sadd.s32 s4, s20  }
0x14: {  	s7 =	simm.s32 $0x0;
	s21 =	sshll.u32 s5, $0x1;
	s5 =	sadd.s32 s22, s3  }
0x15: {  	[timem:s7], [sflag:s23] =	dma.local [hbm:s5], s21  }
0x16: {  	_ =	swait.ge [sflag:s23], s21  }
0x17: {  	s4 =	ssub.s32 $0x0, s21;
	[sflag:s23] =	ssyncset.done $0x0  }
0x18: {  	[sflag:s23] =	ssyncadd.s32 s4;
	_ =	sdelay $0x1  }
0x19: {  	s24 =	simm.s32 $0x1B8B  }
0x1a: {  	_ =	swait.ge [sflag:s24], $0x1  }
0x1b: {  	[sflag:s24] =	ssyncset.done $0x0  }
0x1c: {  	s26 =	simm.s32 $0x1B8E;
	s25 =	sld [smem:$0x3FFE];
	[sflag:s24] =	ssyncadd.s32 $0xFFFFFFFF  }
0x1d: {  	s27 =	simm.s32 $execute0_lowered;
	[smem:$0x3FD2] =	sst s26  }
0x1e: {  	s5 =	sshll.u32 s27, $0x1;
	_ =	strace $0x80000046;
	[dreg:$0x1] =	wrdreg $0xFFFFFFFF  }
0x1f: {  	s28 =	simm.s32 $_size_execute0_lowered;
	s3 =	sadd.s32 s3, s5;
	[dreg:$0x0] =	wrdreg $0x0  }
0x20: {  	s5 =	sshll.u32 s28, $0x1;
	[dreg:$0x2] =	wrdreg s3  }
0x21: {  	[dreg:$0x3] =	wrdreg s5  }
0x22: {  	[dreg:$0x4] =	wrdreg $0xC0  }
0x23: {  	_ =	task [dreg:s7], $0x5FFFF  }
0x24: {  	[dreg:$0x1] =	wrdreg $0xFFFFFFFF  }
0x25: {  	[dreg:$0x0] =	wrdreg $0x60  }
0x26: {  	[dreg:$0x2] =	wrdreg s2  }
0x27: {  	[dreg:$0x3] =	wrdreg s25  }
0x28: {  	[dreg:$0x4] =	wrdreg $0x9  }
0x29: {  	_ =	task.clear_ibuf [dreg:s7], $0x5FFFF;
	_ =	strace $0x90000046  }
0x2a: {  	s29 =	simm.s32 $0x9;
	_ =	strace $0x80000048  }
0x2b: {  	_ =	swait.ge [sflag:s29], $0x1  }
0x2c: {  	[sflag:s29] =	ssyncadd.s32 $0xFFFFFFFF  }
0x2d: {  	_ =	strace $0x90000048  }
0x2e: {  	_ =	sfence  }
0x2f: {  	s30 =	sld [smem:$0x0];
	_ =	sdelay $0x2  }
0x30: {  	s31 =	sshll.u32 s1, $0xD;
	s1 =	sshrl.u32 s1, $0x2  }
0x31: {  	s3 =	sand.u32 $0x4000, s31;
	s1 =	sadd.s32 s1, s30  }
0x32: {  	s0 =	sor.u32 s3, s0;
	s1 =	sshll.u32 s1, $0x11  }
0x33: {  	s0 =	sor.u32 s1, s0  }
0x34: {  	s0 =	sadd.s32 $0x8F2B, s0  }
0x35: {  	[sflag:s0] =	ssyncadd.remote.s32 $0x1  }
0x36: {  	_ =	sfence.sel $0xFFFF  }
0x37: {  	[dreg:$0x0] =	wrdreg $0xFFFFFFFF;
	(pc) =	sbr.abs _section_cstart, $3  }
0x38: {  	[dreg:$0x1] =	wrdreg $0xFFFFFFFF  }
0x39: {  	_ =	task.clear_ibuf [dreg:s7], $0x2FFFF;
	_ =	strace $0x9FFFFFFF  }
0x3a: {  	(tm) =	ssettm $0x7FFFFFFF  }
0x3b: {  	_ =	shalt  }
tec
execute0_lowered:
.L_overlay_start_1:
0x0: {  	(tag) =	ssettag $0x1  }
0x1: {  	s2 =	rddreg [dreg:$0x0]  }
0x2: {  	s1 =	rddreg [dreg:$0x1]  }
0x3: {  	s0 =	rddreg [dreg:$0x2];
	_ =	strace $0x80000047;
	s4 =	srdreg.scid  }
0x4: {  	s6 =	simm.s32 $0x2;
	s13 =	simm.s32 $0x0;
	p0 =	por $0x0, $0x0  }
0x5: {  	s12 =	simm.s32 $0x0;
	s15 =	simm.s32 $0x0;
	s14 =	simm.s32 $0x0  }
.Ltmp0:
0x6: {  	s8 =	simm.s32 $0x0;
	s9 =	simm.s32 $0x0;
	(pc) =	sbr.rel .LBB1_1-.Ltmp0, $4  }
0x7: {  	s10 =	simm.s32 $0x0;
	s3 =	sadd.s32 $0x1400, s1;
	s5 =	sshll.u32 s4, $0x4  }
0x8: {  	s1 =	stileid.u32;
	s4 =	simm.s32 $0x1;
	s5 =	sand.u32 $0x10, s5  }
0x9: {  	s7 =	simm.s32 $0x0;
	[sflag:s4] =	ssyncpa.u1 $0x0;
	s5 =	sor.u32 s1, s5  }
0xa: {  	[sflag:s6] =	ssyncpa.u1 $0x0;
	s6 =	simm.s32 $0x1800;
	s11 =	smov.u32 s5  }
.LBB1_7:
0xb: {  	s16 =	sadd.s32 $0x100, s8  }
0xc: {  	s12 =	sadd.s32 $0x8, s9;
	s17 =	smov.u32 s9;
	p2 =	sgt.s32 s16, $0x2FF  }
0xd: {  	s17 =	smov.u32 @p2 s12  }
0xe: {  	s18 =	smov.u32 s10;
	s12 =	sadd.s32 $0x8, s10;
	p3 =	sgt.s32 s17, $0xF  }
0xf: {  	s18 =	smov.u32 @p3 s12  }
0x10: {  	s19 =	smov.u32 s11;
	s12 =	sadd.s32 $0x20, s11;
	p4 =	sgt.s32 s18, $0x7  }
0x11: {  	p1 =	slt.u32 s7, $0x2;
	s19 =	smov.u32 @p4 s12  }
0x12: {  	s7 =	sadd.s32 $0x1, s7;
	s16 =	simm.s32 @p2 $0x0;
	p2 =	sgt.s32 s19, $0x7F  }
0x13: {  	s13 =	smov.u32 s8;
	s19 =	smov.u32 @p2 s5;
	p2 =	sne.s32 s7, $0x1A  }
.Ltmp1:
0x14: {  	s15 =	smov.u32 s10;
	s20 =	simm.s32 @!p1 $0x2;
	(pc) =	sbr.rel @!p2 .LBB1_8-.Ltmp1, $4  }
0x15: {  	s14 =	smov.u32 s11;
	p0 =	por !p0, !p0;
	_ =	swait.ge @!p1 [sflag:s20], $0x4000  }
0x16: {  	[sflag:s20] =	ssyncset.done @!p1 $0x0;
	s8 =	smov.u32 s16;
	s17 =	simm.s32 @p3 $0x0  }
0x17: {  	[sflag:s20] =	ssyncadd.s32 @!p1 $0xFFFFC000;
	s18 =	simm.s32 @p4 $0x0;
	s12 =	smov.u32 s9  }
0x18: {  	s9 =	smov.u32 s17;
	s10 =	smov.u32 s18;
	s11 =	smov.u32 s19  }
.LBB1_1:
0x19: {  	p1 =	sgt.u32 s7, $0x17  }
0x1a: {  	s16 =	sshrl.u32 @!p1 s9, $0x3  }
0x1b: {  	s17 =	sshll.u32 @!p1 s8, $0x3;
	s16 =	smul.u32 @!p1 $0x1800, s16  }
0x1c: {  	s18 =	sshll.u32 @!p1 s9, $0x7;
	s17 =	sand.u32 @!p1 $0xFFFFFC00, s17  }
0x1d: {  	s16 =	sadd.s32 @!p1 s16, s17;
	s17 =	sand.u32 @!p1 $0x380, s18  }
0x1e: {  	s18 =	sand.u32 @!p1 $0x7F, s8;
	s16 =	sor.u32 @!p1 s17, s16  }
0x1f: {  	s17 =	sor.u32 @!p1 s18, s16  }
0x20: {  	s18 =	smulhi.u32 @!p1 $0xAAAAAAAB, s17  }
0x21: {  	s16 =	smulhi.u32 @!p1 $0xAAAAAAAB, s16  }
0x22: {  	s20 =	smul.u32 @!p1 $0x3000, s11;
	s18 =	sshrl.u32 @!p1 s18, $0x9  }
0x23: {  	s19 =	sxor.u32 @!p1 $0xFFFFFFFF, s7;
	s16 =	sshrl.u32 @!p1 s16, $0x9;
	s18 =	smul.u32 @!p1 $0x300, s18  }
0x24: {  	s21 =	smul.u32 @!p1 $0x600, s10;
	s19 =	sshll.u32 @!p1 s19, $0xE;
	s16 =	sand.u32 @!p1 $0xF, s16  }
0x25: {  	s16 =	smul.u32 @!p1 $0x60, s16;
	s17 =	ssub.s32 @!p1 s17, s18;
	s18 =	sadd.s32 @!p1 s2, s20  }
0x26: {  	s19 =	sand.u32 @!p1 $0x4000, s19;
	s18 =	sadd.s32 @!p1 s21, s18;
	s20 =	sand.u32 @!p1 $0x7, s17  }
0x27: {  	s17 =	sshrl.u32 @!p1 s17, $0x3;
	s16 =	sadd.s32 @!p1 s16, s18;
	s18 =	sshll.u32 @!p1 s20, $0x12  }
0x28: {  	s16 =	sadd.s32 @!p1 s17, s16;
	s17 =	sor.u32 @!p1 $0x800, s18;
	s18 =	simm.s32 @!p1 $0x3000  }
0x29: {  	[tilespmem:s19], [sflag:$0x1] =	stream.strided.gather @!p1 [hbm4b:s16+s17], $0x4000, s18, s17, $0x38;
	[tilespmem:$0x10000] =	vst v63  }
0x2a: {  	p1 =	seq.s32 s7, $0x0  }
0x2b: {  	p2 =	seq.s32 @!p1 s7, $0x19  }
0x2c: {  	p1 =	por p1, p2  }
.Ltmp2:
0x2d: {  	_ = 	snop;
	(pc) =	sbr.rel @p1 .LBB1_7-.Ltmp2, $1  }
0x2e: {  	_ =	sdelay $0x3  }
0x2f: {  	s16 =	simm.s32 $0x1;
	_ =	swait.ge [sflag:s4], $0x4000  }
0x30: {  	s31 =	sshll.u32 s7, $0xE;
	s21 =	simm.s32 $0x0;
	p1 =	por $0x0, $0x0  }
0x31: {  	s22 =	simm.s32 $0x0;
	s23 =	simm.s32 $0x0;
	s16 =	simm.s32 @!p0 $0x0  }
0x32: {  	[sflag:s4] =	ssyncset.done $0x0;
	s19 =	sand.u32 $0x4000, s31;
	s16 =	sshll.u32 s16, $0x10  }
0x33: {  	[sflag:s4] =	ssyncadd.s32 $0xFFFFC000;
	s20 =	sshrl.u32 s16, $0x2;
	s16 =	sor.u32 $0x8000, s19  }
0x34: {  	s17 =	sor.u32 $0x40, s20;
	s18 =	sor.u32 $0x8410, s20;
	s20 =	sadd.s32 $0x8400, s20  }
.LBB1_3:
0x35: {  	v1 =	vld [tilespmem:s17+$0xFFFFFFD0]  }
0x36: {  	v2 =	vld [tilespmem:s17+$0x430]  }
0x37: {  	s24 =	sshll.u32 s23, $0xB;
	v4 =	vld [tilespmem:s17+$0xFFFFFFE0]  }
0x38: {  	v7 =	vld [tilespmem:s17+$0xFFFFFFF0];
	v0 =	vmov s24  }
0x39: {  	v8 =	vld [tilespmem:s17+$0x0]  }
0x3a: {  	s30 =	sand.u32 $0x300, s21;
	v9 =	vld [tilespmem:s17+$0x10]  }
0x3b: {  	s25 =	sand.u32 $0x80, s21;
	v10 =	vld [tilespmem:s17+$0x20];
	s24 =	sadd.s32 s30, s19  }
0x3c: {  	v11 =	vld [tilespmem:s17+$0x30];
	s24 =	sadd.s32 s25, s24;
	s25 =	simm.s32 $0x1;
	[tilespmem:s18+$0x60] =	vst v2  }
0x3d: {  	s31 =	sshll.u32 s22, $0x2;
	s25 =	simm.s32 @!p1 $0x0;
	[tilespmem:s18+$0xFFFFFC00] =	vst v1;
	v3 =	vld.idx.msk [tilespmem:v0+s24+$0x400 ss:$0x1], $0xffff  }
0x3e: {  	v6 =	vld [tilespmem:s17+$0x3D0];
	s25 =	sshll.u32 s25, $0x9;
	[tilespmem:s18+$0xFFFFFC10] =	vst v4;
	s24 =	sand.u32 $0xFFFFFC00, s31  }
0x3f: {  	v5 =	vld [tilespmem:s17+$0x3E0];
	[tilespmem:s18+$0xFFFFFC20] =	vst v7;
	s24 =	sor.u32 s25, s24  }
0x40: {  	[tilespmem:s18+$0xFFFFFC30] =	vst v8;
	v4 =	vld [tilespmem:s17+$0x400];
	s24 =	sshrl.u32 s24, $0x2  }
0x41: {  	[tilespmem:s18+$0xFFFFFC40] =	vst v9;
	v1 =	vld [tilespmem:s17+$0x410];
	s24 =	sadd.s32 s24, s20  }
0x42: {  	[tilespmem:s24+$0x0] =	vst v3;
	v3 =	vld [tilespmem:s17+$0x3F0]  }
0x43: {  	s28 =	simm.s32 $0x80;
	s27 =	simm.s32 $0x100;
	[tilespmem:s18+$0xFFFFFC50] =	vst v10;
	v2 =	vld [tilespmem:s17+$0x420]  }
0x44: {  	s26 =	smov.u32 s18;
	s29 =	sand.u32 $0x300, s28;
	v7 =	vld [tilespmem:s17+$0xFFFFFFC0];
	[tilespmem:s18+$0xFFFFFC60] =	vst v11;
	s25 =	sadd.s32 $0x80, s17  }
.LBB1_4:
0x45: {  	p2 =	sne.s32 s27, $0x380;
	v8 =	vld [tilespmem:s25+$0xFFFFFFD0];
	s28 =	sand.u32 $0x80, s28;
	s29 =	sadd.s32 s29, s19;
	[tilespmem:s26+$0x0] =	vst v6  }
0x46: {  	s29 =	sadd.s32 s28, s29;
	v6 =	vld [tilespmem:s25+$0x430];
	[tilespmem:s26+$0x10] =	vst v5;
	s28 =	smov.u32 s27  }
0x47: {  	v5 =	vld.idx.msk [tilespmem:v0+s29+$0x400 ss:$0x1], $0xffff;
	[tilespmem:s26+$0x20] =	vst v3  }
0x48: {  	v3 =	vld [tilespmem:s25+$0xFFFFFFE0];
	[tilespmem:s26+$0x30] =	vst v4  }
0x49: {  	v4 =	vld [tilespmem:s25+$0xFFFFFFF0];
	[tilespmem:s26+$0xFFFFFBF0] =	vst v7  }
0x4a: {  	v7 =	vld [tilespmem:s25+$0x0];
	[tilespmem:s26+$0x40] =	vst v1  }
0x4b: {  	v1 =	vld [tilespmem:s25+$0x10];
	[tilespmem:s26+$0x50] =	vst v2;
	s26 =	sadd.s32 $0x800, s26  }
0x4c: {  	s24 =	sadd.s32 $0x800, s24;
	v2 =	vld [tilespmem:s25+$0x20];
	[tilespmem:s26+$0x60] =	vst v6  }
0x4d: {  	v9 =	vld [tilespmem:s25+$0x30];
	[tilespmem:s24+$0x0] =	vst v5  }
0x4e: {  	[tilespmem:s26+$0xFFFFFC00] =	vst v8;
	v6 =	vld [tilespmem:s25+$0x3D0]  }
0x4f: {  	[tilespmem:s26+$0xFFFFFC10] =	vst v3;
	v5 =	vld [tilespmem:s25+$0x3E0]  }
.Ltmp3:
0x50: {  	[tilespmem:s26+$0xFFFFFC20] =	vst v4;
	v3 =	vld [tilespmem:s25+$0x3F0];
	(pc) =	sbr.rel @p2 .LBB1_4-.Ltmp3, $4  }
0x51: {  	[tilespmem:s26+$0xFFFFFC30] =	vst v7;
	v4 =	vld [tilespmem:s25+$0x400]  }
0x52: {  	[tilespmem:s26+$0xFFFFFC40] =	vst v1;
	v1 =	vld [tilespmem:s25+$0x410]  }
0x53: {  	[tilespmem:s26+$0xFFFFFC50] =	vst v2;
	v2 =	vld [tilespmem:s25+$0x420]  }
0x54: {  	s27 =	sadd.s32 $0x80, s27;
	s29 =	sand.u32 $0x300, s28;
	v7 =	vld [tilespmem:s25+$0xFFFFFFC0];
	[tilespmem:s26+$0xFFFFFC60] =	vst v9;
	s25 =	sadd.s32 $0x80, s25  }
0x55: {  	[tilespmem:s26+$0x0] =	vst v6  }
0x56: {  	[tilespmem:s26+$0x10] =	vst v5  }
0x57: {  	v49 =	vld [tilespmem:s25+$0x430];
	[tilespmem:s26+$0x20] =	vst v3  }
0x58: {  	v50 =	vld [tilespmem:s25+$0xFFFFFFD0];
	[tilespmem:s26+$0x30] =	vst v4  }
0x59: {  	v51 =	vld [tilespmem:s25+$0xFFFFFFE0];
	[tilespmem:s26+$0x40] =	vst v1  }
0x5a: {  	v52 =	vld [tilespmem:s25+$0xFFFFFFF0];
	[tilespmem:s26+$0x50] =	vst v2  }
0x5b: {  	s31 =	sadd.s32 $0x800, s26;
	v53 =	vld [tilespmem:s25+$0x0];
	[tilespmem:s26+$0xFFFFFBF0] =	vst v7  }
0x5c: {  	v54 =	vld [tilespmem:s25+$0x10];
	[tilespmem:s31+$0x60] =	vst v49  }
0x5d: {  	v55 =	vld [tilespmem:s25+$0x20];
	[tilespmem:s31+$0xFFFFFC00] =	vst v50  }
0x5e: {  	v56 =	vld [tilespmem:s25+$0x30];
	[tilespmem:s31+$0xFFFFFC10] =	vst v51  }
0x5f: {  	v57 =	vld [tilespmem:s25+$0x3D0];
	[tilespmem:s31+$0xFFFFFC20] =	vst v52  }
0x60: {  	v58 =	vld [tilespmem:s25+$0x3E0];
	[tilespmem:s31+$0xFFFFFC30] =	vst v53  }
0x61: {  	v59 =	vld [tilespmem:s25+$0x3F0];
	[tilespmem:s31+$0xFFFFFC40] =	vst v54  }
0x62: {  	v60 =	vld [tilespmem:s25+$0x400];
	[tilespmem:s31+$0xFFFFFC50] =	vst v55  }
0x63: {  	v61 =	vld [tilespmem:s25+$0xFFFFFFC0];
	[tilespmem:s31+$0xFFFFFC60] =	vst v56  }
0x64: {  	s27 =	sand.u32 $0x80, s28;
	s30 =	sadd.s32 s29, s19;
	v62 =	vld [tilespmem:s25+$0x410];
	[tilespmem:s31+$0x0] =	vst v57  }
0x65: {  	v63 =	vld [tilespmem:s25+$0x420];
	s23 =	sadd.s32 $0x1, s23;
	s27 =	sadd.s32 s27, s30;
	[tilespmem:s31+$0x10] =	vst v58  }
0x66: {  	p2 =	sne.s32 s23, $0x8;
	v0 =	vld.idx.msk [tilespmem:v0+s27+$0x400 ss:$0x1], $0xffff;
	[tilespmem:s31+$0x20] =	vst v59  }
.Ltmp4:
0x67: {  	[tilespmem:s31+$0x30] =	vst v60;
	(pc) =	sbr.rel @p2 .LBB1_3-.Ltmp4, $4  }
0x68: {  	[tilespmem:s31+$0xFFFFFBF0] =	vst v61  }
0x69: {  	[tilespmem:s31+$0x40] =	vst v62  }
0x6a: {  	s24 =	sadd.s32 $0x800, s24;
	s17 =	sadd.s32 $0x800, s17;
	[tilespmem:s31+$0x50] =	vst v63  }
0x6b: {  	s22 =	sadd.s32 $0x80, s22;
	p1 =	por !p1, !p1;
	s18 =	sadd.s32 $0x80, s18;
	[tilespmem:s24+$0x0] =	vst v0  }
0x6c: {  	s17 =	sshrl.u32 s15, $0x3  }
0x6d: {  	s18 =	sshll.u32 s13, $0x3;
	s17 =	smul.u32 $0x1800, s17  }
0x6e: {  	s27 =	sshll.u32 s15, $0x7;
	s18 =	sand.u32 $0xFFFFFC00, s18  }
0x6f: {  	s15 =	sand.u32 $0x380, s27;
	s17 =	sadd.s32 s17, s18  }
0x70: {  	s28 =	sand.u32 $0x7F, s13;
	s15 =	sor.u32 s15, s17  }
0x71: {  	s13 =	sor.u32 s28, s15;
	s15 =	smulhi.u32 $0xAAAAAAAB, s15  }
0x72: {  	s29 =	smulhi.u32 $0xAAAAAAAB, s13  }
0x73: {  	s14 =	smul.u32 $0x3000, s14  }
0x74: {  	s12 =	smul.u32 $0x300, s12;
	s15 =	sshrl.u32 s15, $0x9;
	s17 =	sshrl.u32 s29, $0x9  }
0x75: {  	s15 =	sand.u32 $0x7, s15;
	s17 =	smul.u32 $0x300, s17  }
0x76: {  	s15 =	smul.u32 $0x60, s15  }
.Ltmp5:
0x77: {  	s14 =	sadd.s32 s3, s14;
	s13 =	ssub.s32 s13, s17;
	(pc) =	sbr.rel .LBB1_7-.Ltmp5, $4  }
0x78: {  	s12 =	sadd.s32 s12, s14;
	s30 =	sand.u32 $0x7, s13  }
0x79: {  	s12 =	sadd.s32 s15, s12;
	s13 =	sshrl.u32 s13, $0x3;
	s14 =	sshll.u32 s30, $0x12  }
0x7a: {  	s12 =	sadd.s32 s13, s12;
	s31 =	sor.u32 $0x800, s14  }
0x7b: {  	[hbm4b:s12+s31] =	stream.strided.scatter [tilespmem:s16], [sflag:$0x2], $0x4000, s6, s31, $0x38;
	[tilespmem:$0x10000] =	vst v63  }
.LBB1_8:
0x7c: {  	_ =	sfence.sel $0x180000  }
0x7d: {  	s2 =	simm.s32 $0x1;
	[bflag:$0x0] =	sbarrier.arrive $0xFFFF  }
0x7e: {  	s31 =	simm.s32 $0x2;
	[sflag:s2] =	ssyncpa.u1 $0x1  }
0x7f: {  	[sflag:s31] =	ssyncpa.u1 $0x1  }
0x80: {  	p0 =	sne.s32 s1, $0x0;
	_ =	strace $0x90000047  }
0x81: {  	s0 =	sadd.s32 @!p0 $0x100000, s0;
	[bflag:$0x2] =	sbarrier.arrive $0xFFFF  }
0x82: {  	[sflag:s0] =	ssyncadd.tile.s32 @!p0 $0x1;
	_ =	shalt  }
.Lfunc_end1:
_tile_overlayer_lowered:
.L_overlay_start_2:
0x83: {  	(tag) =	ssettag $0x2  }
0x84: {  	s0 =	rddreg [dreg:$0x0];
	s2 =	stileid.u32  }
0x85: {  	s1 =	rddreg [dreg:$0x1];
	p0 =	sne.s32 s2, $0x0  }
0x86: {  	s3 =	rddreg [dreg:$0x2];
	[bflag:$0x3] =	sbarrier.arrive $0xFFFF;
	s2 =	simm.s32 @!p0 $0x1C01  }
0x87: {  	[timem:s3], [sflag:s2] =	dma.local @!p0 [hbm:s0], s1  }
0x88: {  	s0 =	simm.s32 @!p0 $0x1  }
0x89: {  	_ =	swait.ge @!p0 [sflag:s0], s1  }
0x8a: {  	s1 =	ssub.s32 @!p0 $0x0, s1;
	[sflag:s0] =	ssyncset.done @!p0 $0x0  }
0x8b: {  	[sflag:s0] =	ssyncadd.s32 @!p0 s1  }
0x8c: {  	[bflag:$0x3] =	sbarrier.arrive $0xFFFF  }
0x8d: {  	_ =	shalt  }

// kernel: sparse-core-data-format-call.cloned.1.call-start
scs
called_computation_lowered:
.L_overlay_start_0:
0x0: {  	s2 =	sld [smem:$0x3FD9]  }
0x1: {  	s3 =	sld [smem:$0x3FFE];
	_ =	sdelay $0x1  }
0x2: {  	s1 =	srdreg.scid  }
0x3: {  	s0 =	sand.u32 $0x1, s1  }
0x4: {  	s18 =	sshll.u32 s0, $0xA;
	s2 =	sadd.s32 s3, s2  }
0x5: {  	s2 =	sadd.s32 s2, s18  }
0x6: {  	[smem:$0x3FC6] =	sst s2  }
0x7: {  	_ = 	snop  }
0x8: {  	s2 =	sld [smem:$0x3FD0];
	(tm) =	ssettm $0x1  }
0x9: {  	s19 =	sld [smem:$0x3FFB];
	_ =	sdelay $0x3  }
0xa: {  	_ =	strace s19  }
0xb: {  	s3 =	sld [smem:$0x3FFC];
	_ =	sdelay $0x3  }
0xc: {  	_ =	strace s3  }
0xd: {  	s3 =	sld [smem:$0x3FFD];
	_ =	sdelay $0x3  }
0xe: {  	_ =	strace s3  }
0xf: {  	_ =	strace $0x8FFFFFFF  }
0x10: {  	s20 =	sld [smem:$0x3FDB];
	_ =	sdelay $0x1  }
0x11: {  	s4 =	simm.s32 $_scs_section_size  }
0x12: {  	s5 =	simm.s32 $_size__tile_overlayer_lowered;
	s6 =	simm.s32 $_tile_overlayer_lowered  }
0x13: {  	s23 =	simm.s32 $0x1BFF;
	s22 =	sshll.u32 s6, $0x1;
	s3 =	sadd.s32 s4, s20  }
0x14: {  	s7 =	simm.s32 $0x0;
	s21 =	sshll.u32 s5, $0x1;
	s5 =	sadd.s32 s22, s3  }
0x15: {  	[timem:s7], [sflag:s23] =	dma.local [hbm:s5], s21  }
0x16: {  	_ =	swait.ge [sflag:s23], s21  }
0x17: {  	s4 =	ssub.s32 $0x0, s21;
	[sflag:s23] =	ssyncset.done $0x0  }
0x18: {  	[sflag:s23] =	ssyncadd.s32 s4;
	_ =	sdelay $0x1  }
0x19: {  	s24 =	simm.s32 $0x1B8B  }
0x1a: {  	_ =	swait.ge [sflag:s24], $0x1  }
0x1b: {  	[sflag:s24] =	ssyncset.done $0x0  }
0x1c: {  	s26 =	simm.s32 $0x1B8E;
	s25 =	sld [smem:$0x3FFE];
	[sflag:s24] =	ssyncadd.s32 $0xFFFFFFFF  }
0x1d: {  	s27 =	simm.s32 $execute0_lowered;
	[smem:$0x3FD2] =	sst s26  }
0x1e: {  	s5 =	sshll.u32 s27, $0x1;
	_ =	strace $0x80000052;
	[dreg:$0x1] =	wrdreg $0xFFFFFFFF  }
0x1f: {  	s28 =	simm.s32 $_size_execute0_lowered;
	s3 =	sadd.s32 s3, s5;
	[dreg:$0x0] =	wrdreg $0x0  }
0x20: {  	s5 =	sshll.u32 s28, $0x1;
	[dreg:$0x2] =	wrdreg s3  }
0x21: {  	[dreg:$0x3] =	wrdreg s5  }
0x22: {  	[dreg:$0x4] =	wrdreg $0xC0  }
0x23: {  	_ =	task [dreg:s7], $0x5FFFF  }
0x24: {  	[dreg:$0x1] =	wrdreg $0xFFFFFFFF  }
0x25: {  	[dreg:$0x0] =	wrdreg $0x60  }
0x26: {  	[dreg:$0x2] =	wrdreg s25  }
0x27: {  	[dreg:$0x3] =	wrdreg s2  }
0x28: {  	[dreg:$0x4] =	wrdreg $0x9  }
0x29: {  	_ =	task.clear_ibuf [dreg:s7], $0x5FFFF;
	_ =	strace $0x90000052  }
0x2a: {  	s29 =	simm.s32 $0x9;
	_ =	strace $0x80000054  }
0x2b: {  	_ =	swait.ge [sflag:s29], $0x1  }
0x2c: {  	[sflag:s29] =	ssyncadd.s32 $0xFFFFFFFF  }
0x2d: {  	_ =	strace $0x90000054  }
0x2e: {  	_ =	sfence  }
0x2f: {  	s30 =	sld [smem:$0x0];
	_ =	sdelay $0x2  }
0x30: {  	s31 =	sshll.u32 s1, $0xD;
	s1 =	sshrl.u32 s1, $0x2  }
0x31: {  	s3 =	sand.u32 $0x4000, s31;
	s1 =	sadd.s32 s1, s30  }
0x32: {  	s0 =	sor.u32 s3, s0;
	s1 =	sshll.u32 s1, $0x11  }
0x33: {  	s0 =	sor.u32 s1, s0  }
0x34: {  	s0 =	sadd.s32 $0x8F2B, s0  }
0x35: {  	[sflag:s0] =	ssyncadd.remote.s32 $0x1  }
0x36: {  	_ =	sfence.sel $0xFFFF  }
0x37: {  	[dreg:$0x0] =	wrdreg $0xFFFFFFFF;
	(pc) =	sbr.abs _section_cstart, $3  }
0x38: {  	[dreg:$0x1] =	wrdreg $0xFFFFFFFF  }
0x39: {  	_ =	task.clear_ibuf [dreg:s7], $0x2FFFF;
	_ =	strace $0x9FFFFFFF  }
0x3a: {  	(tm) =	ssettm $0x7FFFFFFF  }
0x3b: {  	_ =	shalt  }
tec
execute0_lowered:
.L_overlay_start_1:
0x0: {  	(tag) =	ssettag $0x1  }
0x1: {  	s1 =	rddreg [dreg:$0x0]  }
0x2: {  	s2 =	rddreg [dreg:$0x1]  }
0x3: {  	s0 =	rddreg [dreg:$0x2];
	_ =	strace $0x80000053;
	s4 =	srdreg.scid  }
0x4: {  	s6 =	simm.s32 $0x2;
	s13 =	simm.s32 $0x0;
	p0 =	por $0x0, $0x0  }
0x5: {  	s12 =	simm.s32 $0x0;
	s15 =	simm.s32 $0x0;
	s14 =	simm.s32 $0x0  }
.Ltmp0:
0x6: {  	s8 =	simm.s32 $0x0;
	s9 =	simm.s32 $0x0;
	(pc) =	sbr.rel .LBB1_1-.Ltmp0, $4  }
0x7: {  	s10 =	simm.s32 $0x0;
	s3 =	sadd.s32 $0x181400, s1;
	s5 =	sshll.u32 s4, $0x4  }
0x8: {  	s1 =	stileid.u32;
	s4 =	simm.s32 $0x1;
	s5 =	sand.u32 $0x10, s5  }
0x9: {  	s7 =	simm.s32 $0x0;
	[sflag:s4] =	ssyncpa.u1 $0x0;
	s5 =	sor.u32 s1, s5  }
0xa: {  	[sflag:s6] =	ssyncpa.u1 $0x0;
	s6 =	simm.s32 $0xC0000;
	s11 =	smov.u32 s5  }
.LBB1_7:
0xb: {  	s16 =	sadd.s32 $0x100, s8  }
0xc: {  	s12 =	sadd.s32 $0x8, s9;
	s17 =	smov.u32 s9;
	p2 =	sgt.s32 s16, $0x2FF  }
0xd: {  	s17 =	smov.u32 @p2 s12  }
0xe: {  	s18 =	smov.u32 s10;
	s12 =	sadd.s32 $0x8, s10;
	p3 =	sgt.s32 s17, $0xF  }
0xf: {  	s18 =	smov.u32 @p3 s12  }
0x10: {  	s19 =	smov.u32 s11;
	s12 =	sadd.s32 $0x20, s11;
	p4 =	sgt.s32 s18, $0x1F  }
0x11: {  	p1 =	slt.u32 s7, $0x2;
	s19 =	smov.u32 @p4 s12  }
0x12: {  	s7 =	sadd.s32 $0x1, s7;
	s16 =	simm.s32 @p2 $0x0;
	p2 =	sgt.s32 s19, $0x1F  }
0x13: {  	s13 =	smov.u32 s8;
	s19 =	smov.u32 @p2 s5;
	p2 =	sne.s32 s7, $0x1A  }
.Ltmp1:
0x14: {  	s15 =	smov.u32 s10;
	s20 =	simm.s32 @!p1 $0x2;
	(pc) =	sbr.rel @!p2 .LBB1_8-.Ltmp1, $4  }
0x15: {  	s14 =	smov.u32 s11;
	p0 =	por !p0, !p0;
	_ =	swait.ge @!p1 [sflag:s20], $0x4000  }
0x16: {  	[sflag:s20] =	ssyncset.done @!p1 $0x0;
	s8 =	smov.u32 s16;
	s17 =	simm.s32 @p3 $0x0  }
0x17: {  	[sflag:s20] =	ssyncadd.s32 @!p1 $0xFFFFC000;
	s18 =	simm.s32 @p4 $0x0;
	s12 =	smov.u32 s9  }
0x18: {  	s9 =	smov.u32 s17;
	s10 =	smov.u32 s18;
	s11 =	smov.u32 s19  }
.LBB1_1:
0x19: {  	p1 =	sgt.u32 s7, $0x17  }
0x1a: {  	s16 =	sshrl.u32 @!p1 s9, $0x3  }
0x1b: {  	s17 =	sshll.u32 @!p1 s8, $0x3;
	s16 =	smul.u32 @!p1 $0x1800, s16  }
0x1c: {  	s18 =	sshll.u32 @!p1 s9, $0x7;
	s17 =	sand.u32 @!p1 $0xFFFFFC00, s17  }
0x1d: {  	s16 =	sadd.s32 @!p1 s16, s17;
	s17 =	sand.u32 @!p1 $0x380, s18  }
0x1e: {  	s18 =	sand.u32 @!p1 $0x7F, s8;
	s16 =	sor.u32 @!p1 s17, s16  }
0x1f: {  	s17 =	sor.u32 @!p1 s18, s16  }
0x20: {  	s18 =	smulhi.u32 @!p1 $0xAAAAAAAB, s17  }
0x21: {  	s16 =	smulhi.u32 @!p1 $0xAAAAAAAB, s16  }
0x22: {  	s20 =	smul.u32 @!p1 $0xC000, s11;
	s18 =	sshrl.u32 @!p1 s18, $0x9  }
0x23: {  	s19 =	sxor.u32 @!p1 $0xFFFFFFFF, s7;
	s16 =	sshrl.u32 @!p1 s16, $0x9;
	s18 =	smul.u32 @!p1 $0x300, s18  }
0x24: {  	s21 =	smul.u32 @!p1 $0x600, s10;
	s19 =	sshll.u32 @!p1 s19, $0xE;
	s16 =	sand.u32 @!p1 $0xF, s16  }
0x25: {  	s16 =	smul.u32 @!p1 $0x60, s16;
	s17 =	ssub.s32 @!p1 s17, s18;
	s18 =	sadd.s32 @!p1 s3, s20  }
0x26: {  	s19 =	sand.u32 @!p1 $0x4000, s19;
	s18 =	sadd.s32 @!p1 s21, s18;
	s20 =	sand.u32 @!p1 $0x7, s17  }
0x27: {  	s17 =	sshrl.u32 @!p1 s17, $0x3;
	s16 =	sadd.s32 @!p1 s16, s18;
	s18 =	sshll.u32 @!p1 s20, $0x12  }
0x28: {  	s16 =	sadd.s32 @!p1 s17, s16;
	s17 =	sor.u32 @!p1 $0x800, s18;
	s18 =	simm.s32 @!p1 $0x3000  }
0x29: {  	[tilespmem:s19], [sflag:$0x1] =	stream.strided.gather @!p1 [hbm4b:s16+s17], $0x4000, s18, s17, $0x38;
	[tilespmem:$0x10000] =	vst v63  }
0x2a: {  	p1 =	seq.s32 s7, $0x0  }
0x2b: {  	p2 =	seq.s32 @!p1 s7, $0x19  }
0x2c: {  	p1 =	por p1, p2  }
.Ltmp2:
0x2d: {  	_ = 	snop;
	(pc) =	sbr.rel @p1 .LBB1_7-.Ltmp2, $1  }
0x2e: {  	_ =	sdelay $0x3  }
0x2f: {  	s16 =	simm.s32 $0x1;
	_ =	swait.ge [sflag:s4], $0x4000  }
0x30: {  	s31 =	sshll.u32 s7, $0xE;
	s21 =	simm.s32 $0x0;
	p1 =	por $0x0, $0x0  }
0x31: {  	s22 =	simm.s32 $0x0;
	s23 =	simm.s32 $0x0;
	s16 =	simm.s32 @!p0 $0x0  }
0x32: {  	[sflag:s4] =	ssyncset.done $0x0;
	s19 =	sand.u32 $0x4000, s31;
	s16 =	sshll.u32 s16, $0x10  }
0x33: {  	[sflag:s4] =	ssyncadd.s32 $0xFFFFC000;
	s20 =	sshrl.u32 s16, $0x2;
	s16 =	sor.u32 $0x8000, s19  }
0x34: {  	s17 =	sor.u32 $0x40, s20;
	s18 =	sor.u32 $0x8410, s20;
	s20 =	sadd.s32 $0x8400, s20  }
.LBB1_3:
0x35: {  	v1 =	vld [tilespmem:s17+$0xFFFFFFD0]  }
0x36: {  	v2 =	vld [tilespmem:s17+$0x430]  }
0x37: {  	s24 =	sshll.u32 s23, $0xB;
	v4 =	vld [tilespmem:s17+$0xFFFFFFE0]  }
0x38: {  	v7 =	vld [tilespmem:s17+$0xFFFFFFF0];
	v0 =	vmov s24  }
0x39: {  	v8 =	vld [tilespmem:s17+$0x0]  }
0x3a: {  	s30 =	sand.u32 $0x300, s21;
	v9 =	vld [tilespmem:s17+$0x10]  }
0x3b: {  	s25 =	sand.u32 $0x80, s21;
	v10 =	vld [tilespmem:s17+$0x20];
	s24 =	sadd.s32 s30, s19  }
0x3c: {  	v11 =	vld [tilespmem:s17+$0x30];
	s24 =	sadd.s32 s25, s24;
	s25 =	simm.s32 $0x1;
	[tilespmem:s18+$0x60] =	vst v2  }
0x3d: {  	s31 =	sshll.u32 s22, $0x2;
	s25 =	simm.s32 @!p1 $0x0;
	[tilespmem:s18+$0xFFFFFC00] =	vst v1;
	v3 =	vld.idx.msk [tilespmem:v0+s24+$0x400 ss:$0x1], $0xffff  }
0x3e: {  	v6 =	vld [tilespmem:s17+$0x3D0];
	s25 =	sshll.u32 s25, $0x9;
	[tilespmem:s18+$0xFFFFFC10] =	vst v4;
	s24 =	sand.u32 $0xFFFFFC00, s31  }
0x3f: {  	v5 =	vld [tilespmem:s17+$0x3E0];
	[tilespmem:s18+$0xFFFFFC20] =	vst v7;
	s24 =	sor.u32 s25, s24  }
0x40: {  	[tilespmem:s18+$0xFFFFFC30] =	vst v8;
	v4 =	vld [tilespmem:s17+$0x400];
	s24 =	sshrl.u32 s24, $0x2  }
0x41: {  	[tilespmem:s18+$0xFFFFFC40] =	vst v9;
	v1 =	vld [tilespmem:s17+$0x410];
	s24 =	sadd.s32 s24, s20  }
0x42: {  	[tilespmem:s24+$0x0] =	vst v3;
	v3 =	vld [tilespmem:s17+$0x3F0]  }
0x43: {  	s28 =	simm.s32 $0x80;
	s27 =	simm.s32 $0x100;
	[tilespmem:s18+$0xFFFFFC50] =	vst v10;
	v2 =	vld [tilespmem:s17+$0x420]  }
0x44: {  	s26 =	smov.u32 s18;
	s29 =	sand.u32 $0x300, s28;
	v7 =	vld [tilespmem:s17+$0xFFFFFFC0];
	[tilespmem:s18+$0xFFFFFC60] =	vst v11;
	s25 =	sadd.s32 $0x80, s17  }
.LBB1_4:
0x45: {  	p2 =	sne.s32 s27, $0x380;
	v8 =	vld [tilespmem:s25+$0xFFFFFFD0];
	s28 =	sand.u32 $0x80, s28;
	s29 =	sadd.s32 s29, s19;
	[tilespmem:s26+$0x0] =	vst v6  }
0x46: {  	s29 =	sadd.s32 s28, s29;
	v6 =	vld [tilespmem:s25+$0x430];
	[tilespmem:s26+$0x10] =	vst v5;
	s28 =	smov.u32 s27  }
0x47: {  	v5 =	vld.idx.msk [tilespmem:v0+s29+$0x400 ss:$0x1], $0xffff;
	[tilespmem:s26+$0x20] =	vst v3  }
0x48: {  	v3 =	vld [tilespmem:s25+$0xFFFFFFE0];
	[tilespmem:s26+$0x30] =	vst v4  }
0x49: {  	v4 =	vld [tilespmem:s25+$0xFFFFFFF0];
	[tilespmem:s26+$0xFFFFFBF0] =	vst v7  }
0x4a: {  	v7 =	vld [tilespmem:s25+$0x0];
	[tilespmem:s26+$0x40] =	vst v1  }
0x4b: {  	v1 =	vld [tilespmem:s25+$0x10];
	[tilespmem:s26+$0x50] =	vst v2;
	s26 =	sadd.s32 $0x800, s26  }
0x4c: {  	s24 =	sadd.s32 $0x800, s24;
	v2 =	vld [tilespmem:s25+$0x20];
	[tilespmem:s26+$0x60] =	vst v6  }
0x4d: {  	v9 =	vld [tilespmem:s25+$0x30];
	[tilespmem:s24+$0x0] =	vst v5  }
0x4e: {  	[tilespmem:s26+$0xFFFFFC00] =	vst v8;
	v6 =	vld [tilespmem:s25+$0x3D0]  }
0x4f: {  	[tilespmem:s26+$0xFFFFFC10] =	vst v3;
	v5 =	vld [tilespmem:s25+$0x3E0]  }
.Ltmp3:
0x50: {  	[tilespmem:s26+$0xFFFFFC20] =	vst v4;
	v3 =	vld [tilespmem:s25+$0x3F0];
	(pc) =	sbr.rel @p2 .LBB1_4-.Ltmp3, $4  }
0x51: {  	[tilespmem:s26+$0xFFFFFC30] =	vst v7;
	v4 =	vld [tilespmem:s25+$0x400]  }
0x52: {  	[tilespmem:s26+$0xFFFFFC40] =	vst v1;
	v1 =	vld [tilespmem:s25+$0x410]  }
0x53: {  	[tilespmem:s26+$0xFFFFFC50] =	vst v2;
	v2 =	vld [tilespmem:s25+$0x420]  }
0x54: {  	s27 =	sadd.s32 $0x80, s27;
	s29 =	sand.u32 $0x300, s28;
	v7 =	vld [tilespmem:s25+$0xFFFFFFC0];
	[tilespmem:s26+$0xFFFFFC60] =	vst v9;
	s25 =	sadd.s32 $0x80, s25  }
0x55: {  	[tilespmem:s26+$0x0] =	vst v6  }
0x56: {  	[tilespmem:s26+$0x10] =	vst v5  }
0x57: {  	v49 =	vld [tilespmem:s25+$0x430];
	[tilespmem:s26+$0x20] =	vst v3  }
0x58: {  	v50 =	vld [tilespmem:s25+$0xFFFFFFD0];
	[tilespmem:s26+$0x30] =	vst v4  }
0x59: {  	v51 =	vld [tilespmem:s25+$0xFFFFFFE0];
	[tilespmem:s26+$0x40] =	vst v1  }
0x5a: {  	v52 =	vld [tilespmem:s25+$0xFFFFFFF0];
	[tilespmem:s26+$0x50] =	vst v2  }
0x5b: {  	s31 =	sadd.s32 $0x800, s26;
	v53 =	vld [tilespmem:s25+$0x0];
	[tilespmem:s26+$0xFFFFFBF0] =	vst v7  }
0x5c: {  	v54 =	vld [tilespmem:s25+$0x10];
	[tilespmem:s31+$0x60] =	vst v49  }
0x5d: {  	v55 =	vld [tilespmem:s25+$0x20];
	[tilespmem:s31+$0xFFFFFC00] =	vst v50  }
0x5e: {  	v56 =	vld [tilespmem:s25+$0x30];
	[tilespmem:s31+$0xFFFFFC10] =	vst v51  }
0x5f: {  	v57 =	vld [tilespmem:s25+$0x3D0];
	[tilespmem:s31+$0xFFFFFC20] =	vst v52  }
0x60: {  	v58 =	vld [tilespmem:s25+$0x3E0];
	[tilespmem:s31+$0xFFFFFC30] =	vst v53  }
0x61: {  	v59 =	vld [tilespmem:s25+$0x3F0];
	[tilespmem:s31+$0xFFFFFC40] =	vst v54  }
0x62: {  	v60 =	vld [tilespmem:s25+$0x400];
	[tilespmem:s31+$0xFFFFFC50] =	vst v55  }
0x63: {  	v61 =	vld [tilespmem:s25+$0xFFFFFFC0];
	[tilespmem:s31+$0xFFFFFC60] =	vst v56  }
0x64: {  	s27 =	sand.u32 $0x80, s28;
	s30 =	sadd.s32 s29, s19;
	v62 =	vld [tilespmem:s25+$0x410];
	[tilespmem:s31+$0x0] =	vst v57  }
0x65: {  	v63 =	vld [tilespmem:s25+$0x420];
	s23 =	sadd.s32 $0x1, s23;
	s27 =	sadd.s32 s27, s30;
	[tilespmem:s31+$0x10] =	vst v58  }
0x66: {  	p2 =	sne.s32 s23, $0x8;
	v0 =	vld.idx.msk [tilespmem:v0+s27+$0x400 ss:$0x1], $0xffff;
	[tilespmem:s31+$0x20] =	vst v59  }
.Ltmp4:
0x67: {  	[tilespmem:s31+$0x30] =	vst v60;
	(pc) =	sbr.rel @p2 .LBB1_3-.Ltmp4, $4  }
0x68: {  	[tilespmem:s31+$0xFFFFFBF0] =	vst v61  }
0x69: {  	[tilespmem:s31+$0x40] =	vst v62  }
0x6a: {  	s24 =	sadd.s32 $0x800, s24;
	s17 =	sadd.s32 $0x800, s17;
	[tilespmem:s31+$0x50] =	vst v63  }
0x6b: {  	s22 =	sadd.s32 $0x80, s22;
	p1 =	por !p1, !p1;
	s18 =	sadd.s32 $0x80, s18;
	[tilespmem:s24+$0x0] =	vst v0  }
0x6c: {  	s17 =	sshrl.u32 s15, $0x3  }
0x6d: {  	s18 =	sshll.u32 s13, $0x3;
	s17 =	smul.u32 $0x1800, s17  }
0x6e: {  	s27 =	sshll.u32 s15, $0x7;
	s18 =	sand.u32 $0xFFFFFC00, s18  }
0x6f: {  	s15 =	sand.u32 $0x380, s27;
	s17 =	sadd.s32 s17, s18  }
0x70: {  	s28 =	sand.u32 $0x7F, s13;
	s15 =	sor.u32 s15, s17  }
0x71: {  	s13 =	sor.u32 s28, s15;
	s15 =	smulhi.u32 $0xAAAAAAAB, s15  }
0x72: {  	s29 =	smulhi.u32 $0xAAAAAAAB, s13  }
0x73: {  	s14 =	smul.u32 $0xC00, s14  }
0x74: {  	s12 =	smul.u32 $0x18000, s12;
	s15 =	sshrl.u32 s15, $0x9;
	s17 =	sshrl.u32 s29, $0x9  }
0x75: {  	s15 =	sand.u32 $0x1F, s15;
	s17 =	smul.u32 $0x300, s17  }
0x76: {  	s15 =	smul.u32 $0x60, s15  }
.Ltmp5:
0x77: {  	s14 =	sadd.s32 s2, s14;
	s13 =	ssub.s32 s13, s17;
	(pc) =	sbr.rel .LBB1_7-.Ltmp5, $4  }
0x78: {  	s12 =	sadd.s32 s12, s14;
	s30 =	sand.u32 $0x7, s13  }
0x79: {  	s12 =	sadd.s32 s15, s12;
	s13 =	sshrl.u32 s13, $0x3;
	s14 =	sshll.u32 s30, $0x12  }
0x7a: {  	s12 =	sadd.s32 s13, s12;
	s31 =	sor.u32 $0x800, s14  }
0x7b: {  	[hbm4b:s12+s31] =	stream.strided.scatter [tilespmem:s16], [sflag:$0x2], $0x4000, s6, s31, $0x38;
	[tilespmem:$0x10000] =	vst v63  }
.LBB1_8:
0x7c: {  	_ =	sfence.sel $0x180000  }
0x7d: {  	s2 =	simm.s32 $0x1;
	[bflag:$0x0] =	sbarrier.arrive $0xFFFF  }
0x7e: {  	s31 =	simm.s32 $0x2;
	[sflag:s2] =	ssyncpa.u1 $0x1  }
0x7f: {  	[sflag:s31] =	ssyncpa.u1 $0x1  }
0x80: {  	p0 =	sne.s32 s1, $0x0;
	_ =	strace $0x90000053  }
0x81: {  	s0 =	sadd.s32 @!p0 $0x100000, s0;
	[bflag:$0x2] =	sbarrier.arrive $0xFFFF  }
0x82: {  	[sflag:s0] =	ssyncadd.tile.s32 @!p0 $0x1;
	_ =	shalt  }
.Lfunc_end1:
_tile_overlayer_lowered:
.L_overlay_start_2:
0x83: {  	(tag) =	ssettag $0x2  }
0x84: {  	s0 =	rddreg [dreg:$0x0];
	s2 =	stileid.u32  }
0x85: {  	s1 =	rddreg [dreg:$0x1];
	p0 =	sne.s32 s2, $0x0  }
0x86: {  	s3 =	rddreg [dreg:$0x2];
	[bflag:$0x3] =	sbarrier.arrive $0xFFFF;
	s2 =	simm.s32 @!p0 $0x1C01  }
0x87: {  	[timem:s3], [sflag:s2] =	dma.local @!p0 [hbm:s0], s1  }
0x88: {  	s0 =	simm.s32 @!p0 $0x1  }
0x89: {  	_ =	swait.ge @!p0 [sflag:s0], s1  }
0x8a: {  	s1 =	ssub.s32 @!p0 $0x0, s1;
	[sflag:s0] =	ssyncset.done @!p0 $0x0  }
0x8b: {  	[sflag:s0] =	ssyncadd.s32 @!p0 s1  }
0x8c: {  	[bflag:$0x3] =	sbarrier.arrive $0xFFFF  }
0x8d: {  	_ =	shalt  }

</sc_bundles>
